<compile_context>
chip_gen: v7x
topology: tpu7x:2x2x1
jax: 0.10.2.dev20260603
libtpu: 0.0.44.dev20260713+nightly
codegen_flags: <defaults>
</compile_context>

<pallas_src>
import functools

import jax
import jax.numpy as jnp
from jax import lax
from jax.experimental import pallas as pl
from jax.experimental.pallas import tpu as pltpu
from jax.experimental.pallas import tpu_sc as plsc

_N = 32
_NV = (_N + 1) * (_N + 1)
_C = 6


def _bf16_round(v):
    u = lax.bitcast_convert_type(v, jnp.uint32)
    lsb = (u >> 16) & jnp.uint32(1)
    u = (u + jnp.uint32(0x7FFF) + lsb) & jnp.uint32(0xFFFF0000)
    return lax.bitcast_convert_type(u, jnp.float32)


def _sc_body(nc, pts_per_w, pts_per_batch, x_hbm, tf_hbm, bf_hbm, w_hbm,
             out_hbm, x0_v, x1_v, tf_v, bf_v, w_v, out_v, dma_sem):
    wid = lax.axis_index("s") * nc + lax.axis_index("c")
    base = wid * pts_per_w
    batch = base // pts_per_batch
    off = base - batch * pts_per_batch
    xrow = batch * (2 * pts_per_batch) + off

    copies = [
        pltpu.make_async_copy(tf_hbm, tf_v, dma_sem),
        pltpu.make_async_copy(bf_hbm, bf_v, dma_sem),
        pltpu.make_async_copy(w_hbm, w_v, dma_sem),
        pltpu.make_async_copy(x_hbm.at[pl.ds(xrow, pts_per_w)], x0_v, dma_sem),
        pltpu.make_async_copy(
            x_hbm.at[pl.ds(xrow + pts_per_batch, pts_per_w)], x1_v, dma_sem),
    ]
    for c_ in copies:
        c_.start()
    for c_ in copies:
        c_.wait()

    @plsc.parallel_loop(0, pts_per_w // 16, unroll=1)
    def vreg_body(t):
        x0 = x0_v[pl.ds(t * 16, 16)]
        x1 = x1_v[pl.ds(t * 16, 16)]
        x0r = _bf16_round(x0)
        x1r = _bf16_round(x1)
        gi = jnp.minimum((x0 * float(_N)).astype(jnp.int32), _N - 1)
        gj = jnp.minimum((x1 * float(_N)).astype(jnp.int32), _N - 1)
        v00 = gj * (_N + 1) + gi
        acc = jnp.zeros((16,), jnp.float32)
        for dv in (0, 1, _N + 1, _N + 2):
            v = v00 + dv
            hat = None
            for c in range(_C):
                t00 = _bf16_round(plsc.load_gather(tf_v, [v + (c * 4 + 0) * _NV]))
                t01 = _bf16_round(plsc.load_gather(tf_v, [v + (c * 4 + 1) * _NV]))
                t10 = _bf16_round(plsc.load_gather(tf_v, [v + (c * 4 + 2) * _NV]))
                t11 = _bf16_round(plsc.load_gather(tf_v, [v + (c * 4 + 3) * _NV]))
                b0 = plsc.load_gather(bf_v, [v + (c * 2 + 0) * _NV])
                b1 = plsc.load_gather(bf_v, [v + (c * 2 + 1) * _NV])
                y0 = (x0r * t00 + x1r * t10) + b0
                y1 = (x0r * t01 + x1r * t11) + b1
                s = jnp.maximum(1.0 - (y0 + y1), 0.0)
                hat = s if hat is None else jnp.minimum(hat, s)
            wv = _bf16_round(plsc.load_gather(w_v, [v]))
            acc = acc + _bf16_round(hat) * wv
        out_v[pl.ds(t * 16, 16)] = acc

    pltpu.sync_copy(out_v, out_hbm.at[pl.ds(base, pts_per_w)])


def kernel(x, weight, Tinv_all, b_all, bbox_all):
    B, P, _ = x.shape
    npts = B * P
    info = plsc.get_sparse_core_info()
    n_workers = info.num_cores * info.num_subcores
    pts_per_w = npts // n_workers

    xf = jnp.transpose(x, (0, 2, 1)).reshape(npts * 2)
    tf = jnp.transpose(Tinv_all, (1, 2, 3, 0)).reshape(_C * 4 * _NV)
    bf = jnp.transpose(b_all, (1, 2, 0)).reshape(_C * 2 * _NV)
    del bbox_all

    mesh = plsc.VectorSubcoreMesh(core_axis_name="c", subcore_axis_name="s")
    run = pl.kernel(
        functools.partial(_sc_body, info.num_cores, pts_per_w, P),
        mesh=mesh,
        compiler_params=pltpu.CompilerParams(needs_layout_passes=False),
        out_type=jax.ShapeDtypeStruct((npts,), jnp.float32),
        scratch_types=[
            pltpu.VMEM((pts_per_w,), jnp.float32),
            pltpu.VMEM((pts_per_w,), jnp.float32),
            pltpu.VMEM((_C * 4 * _NV,), jnp.float32),
            pltpu.VMEM((_C * 2 * _NV,), jnp.float32),
            pltpu.VMEM((_NV,), jnp.float32),
            pltpu.VMEM((pts_per_w,), jnp.float32),
            pltpu.SemaphoreType.DMA,
        ],
    )
    out = run(xf, tf, bf, weight)
    return out.reshape(B, P)

# --- scband reference (transcript-rebuilt; emitter-appended) ---
"""Pipeline reference for scband-scalar-p1-function-space-62208306316026 (READ-ONLY COPY).

The authoritative reference and input builder live on the scoring server;
editing this copy changes nothing except your own understanding.
"""

import jax, jax.numpy as jnp
import numpy as np

N_MESH = 32
MAX_CELLS = 6

def _build_mesh_supports():
    # Structured triangulation of the unit square, mirroring dolfin UnitSquareMesh(n, n)
    n = N_MESH
    nv = (n + 1) * (n + 1)
    coords = np.zeros((nv, 2), dtype=np.float64)
    for j in range(n + 1):
        for i in range(n + 1):
            coords[j * (n + 1) + i] = (i / n, j / n)
    cells = []
    for j in range(n):
        for i in range(n):
            v00 = j * (n + 1) + i
            v10 = v00 + 1
            v01 = v00 + (n + 1)
            v11 = v01 + 1
            cells.append((v00, v10, v11))
            cells.append((v00, v11, v01))
    v2c = [[] for _ in range(nv)]
    for c, tri in enumerate(cells):
        for v in tri:
            v2c[v].append(c)
    # hat_supports_mat: per-vertex affine maps to barycentric coords + bbox of support
    Tinv_all = np.zeros((nv, MAX_CELLS, 2, 2), dtype=np.float64)
    b_all = np.full((nv, MAX_CELLS, 2), -10.0, dtype=np.float64)  # padding -> relu val 21, ignored by min
    bbox_all = np.zeros((nv, 4), dtype=np.float64)
    for v in range(nv):
        V0 = coords[v]
        xmin, xmax, ymin, ymax = np.inf, -np.inf, np.inf, -np.inf
        for k, c in enumerate(v2c[v]):
            others = [w for w in cells[c] if w != v]
            A, B = coords[others[0]], coords[others[1]]
            xmin = min(xmin, A[0], B[0]); xmax = max(xmax, A[0], B[0])
            ymin = min(ymin, A[1], B[1]); ymax = max(ymax, A[1], B[1])
            T = np.column_stack([A - V0, B - V0])
            Tinv = np.linalg.inv(T).T
            b = -np.dot(V0, Tinv)
            Tinv_all[v, k] = Tinv
            b_all[v, k] = b
        bbox_all[v] = (xmin, xmax, ymin, ymax)
    return Tinv_all, b_all, bbox_all

def setup_inputs(seed: int = 0) -> dict:
    key = jax.random.key(seed)
    k1, k2 = jax.random.split(key)
    x = jax.random.uniform(k1, (2, 2048, 2), dtype=jnp.float32)
    Tinv_all, b_all, bbox_all = _build_mesh_supports()
    nv = Tinv_all.shape[0]
    weight = jax.random.normal(k2, (nv,), dtype=jnp.float32)
    return {
        "x": x,
        "weight": weight,
        "Tinv_all": jnp.asarray(Tinv_all, dtype=jnp.float32),
        "b_all": jnp.asarray(b_all, dtype=jnp.float32),
        "bbox_all": jnp.asarray(bbox_all, dtype=jnp.float32),
    }

def reference(x, weight, Tinv_all, b_all, bbox_all):
    # Faithful translation of ScalarP1FunctionSpace.forward with hat_function_mat,
    # vectorized over all vertices (dofs) with padded per-vertex cell maps.
    tol = 1e-8
    px = x[..., 0][..., None]  # [B, P, 1]
    py = x[..., 1][..., None]
    in_bbox = ((bbox_all[:, 0] - tol < px) & (px < bbox_all[:, 1] + tol)
               & (bbox_all[:, 2] - tol < py) & (py < bbox_all[:, 3] + tol))  # [B, P, V]
    # y = x @ Tinv + b for every vertex v and supporting cell c
    y = jnp.einsum('bpd,vcde->bpvce', x, Tinv_all) + b_all  # [B, P, V, C, 2]
    # y @ [[-1], [-1]] then +1 then relu  ==  relu(1 - (y0 + y1))
    s = jax.nn.relu(1.0 - jnp.sum(y, axis=-1))  # [B, P, V, C]
    hat = jnp.min(s, axis=-1)  # [B, P, V]
    basis = jnp.where(in_bbox, hat, 0.0)  # zero outside bbox (matches in_bbox gather/scatter)
    out = jnp.matmul(basis, weight)  # [B, P] = basis_values @ self.weight
    return out

if __name__ == "__main__":
    import jax
    _d = setup_inputs()
    print(jax.jit(kernel)(*tuple(_d.values())))

</pallas_src>

<mosaic_0001>
#map = affine_map<(d0, d1) -> (0)>
module attributes {stable_mosaic.version = 14 : i64} {
  func.func @_sc_body(%arg0: i32, %arg1: i32, %arg2: memref<8192xf32, #tpu.memory_space<hbm>>, %arg3: memref<26136xf32, #tpu.memory_space<hbm>>, %arg4: memref<13068xf32, #tpu.memory_space<hbm>>, %arg5: memref<1089xf32, #tpu.memory_space<hbm>>, %arg6: memref<4096xf32, #tpu.memory_space<hbm>>, %arg7: memref<128xf32, #tpu.memory_space<vmem>>, %arg8: memref<128xf32, #tpu.memory_space<vmem>>, %arg9: memref<26136xf32, #tpu.memory_space<vmem>>, %arg10: memref<13068xf32, #tpu.memory_space<vmem>>, %arg11: memref<1089xf32, #tpu.memory_space<vmem>>, %arg12: memref<128xf32, #tpu.memory_space<vmem>>, %arg13: memref<!tpu.dma_semaphore, #tpu.memory_space<semaphore_mem>>) attributes {dimension_semantics = [#tpu.dimension_semantics<core_parallel>, #tpu.dimension_semantics<subcore_parallel>], iteration_bounds = array<i64: 2, 16>, scalar_prefetch = 0 : i64, scratch_operands = 7 : i64, tpu.core_type = #tpu.core_type<sc_vector_subcore>, window_params = [{transform_indices = #map}, {transform_indices = #map}, {transform_indices = #map}, {transform_indices = #map}, {transform_indices = #map}]} {
    %mul3A = arith.constant 2 : i32
    %mul3A_0 = arith.muli %arg1, %mul3A : i32
    %add3A = arith.addi %mul3A_0, %arg0 : i32
    %mul3A_1 = arith.constant 128 : i32
    %mul3A_2 = arith.muli %add3A, %mul3A_1 : i32
    %jit3A = arith.constant 2048 : i32
    %div3A = arith.divsi %mul3A_2, %jit3A : i32
    %sign3A = arith.constant 0 : i32
    %sign3A_3 = arith.cmpi sgt, %mul3A_2, %sign3A : i32
    %sign3A_4 = arith.extui %sign3A_3 : i1 to i32
    %sign3A_5 = arith.constant 0 : i32
    %sign3A_6 = arith.cmpi slt, %mul3A_2, %sign3A_5 : i32
    %sign3A_7 = arith.extui %sign3A_6 : i1 to i32
    %sign3A_8 = arith.subi %sign3A_4, %sign3A_7 : i32
    %sign3A_9 = arith.constant 0 : i32
    %sign3A_10 = arith.cmpi sgt, %jit3A, %sign3A_9 : i32
    %sign3A_11 = arith.extui %sign3A_10 : i1 to i32
    %sign3A_12 = arith.constant 0 : i32
    %sign3A_13 = arith.cmpi slt, %jit3A, %sign3A_12 : i32
    %sign3A_14 = arith.extui %sign3A_13 : i1 to i32
    %sign3A_15 = arith.subi %sign3A_11, %sign3A_14 : i32
    %ne3A = arith.cmpi ne, %sign3A_8, %sign3A_15 : i32
    %rem3A = arith.remsi %mul3A_2, %jit3A : i32
    %ne3A_16 = arith.constant 0 : i32
    %ne3A_17 = arith.cmpi ne, %rem3A, %ne3A_16 : i32
    %and3A = arith.andi %ne3A, %ne3A_17 : i1
    %sub3A = arith.constant 1 : i32
    %sub3A_18 = arith.subi %div3A, %sub3A : i32
    %select_n3A = arith.select %and3A, %sub3A_18, %div3A : i32
    %mul3A_19 = arith.constant 2048 : i32
    %mul3A_20 = arith.muli %select_n3A, %mul3A_19 : i32
    %sub3A_21 = arith.subi %mul3A_2, %mul3A_20 : i32
    %mul3A_22 = arith.constant 4096 : i32
    %mul3A_23 = arith.muli %select_n3A, %mul3A_22 : i32
    %add3A_24 = arith.addi %mul3A_23, %sub3A_21 : i32
    %add3A_25 = arith.constant 2048 : i32
    %add3A_26 = arith.addi %add3A_24, %add3A_25 : i32
    tpu.enqueue_dma source(%arg3 : memref<26136xf32, #tpu.memory_space<hbm>>) target(%arg9 : memref<26136xf32, #tpu.memory_space<vmem>>) target_semaphore(%arg13 : memref<!tpu.dma_semaphore, #tpu.memory_space<semaphore_mem>>)
    tpu.enqueue_dma source(%arg4 : memref<13068xf32, #tpu.memory_space<hbm>>) target(%arg10 : memref<13068xf32, #tpu.memory_space<vmem>>) target_semaphore(%arg13 : memref<!tpu.dma_semaphore, #tpu.memory_space<semaphore_mem>>)
    tpu.enqueue_dma source(%arg5 : memref<1089xf32, #tpu.memory_space<hbm>>) target(%arg11 : memref<1089xf32, #tpu.memory_space<vmem>>) target_semaphore(%arg13 : memref<!tpu.dma_semaphore, #tpu.memory_space<semaphore_mem>>)
    %dma_start3A = tpu.memref_slice %arg2[%add3A_24] : memref<8192xf32, #tpu.memory_space<hbm>> -> memref<128xf32, #tpu.memory_space<hbm>>
    %dma_start3A_27 = tpu.memref_slice %arg2[%add3A_24] : memref<8192xf32, #tpu.memory_space<hbm>> -> memref<128xf32, #tpu.memory_space<hbm>>
    tpu.enqueue_dma source(%dma_start3A_27 : memref<128xf32, #tpu.memory_space<hbm>>) target(%arg7 : memref<128xf32, #tpu.memory_space<vmem>>) target_semaphore(%arg13 : memref<!tpu.dma_semaphore, #tpu.memory_space<semaphore_mem>>)
    %dma_start3A_28 = tpu.memref_slice %arg2[%add3A_26] : memref<8192xf32, #tpu.memory_space<hbm>> -> memref<128xf32, #tpu.memory_space<hbm>>
    %dma_start3A_29 = tpu.memref_slice %arg2[%add3A_26] : memref<8192xf32, #tpu.memory_space<hbm>> -> memref<128xf32, #tpu.memory_space<hbm>>
    tpu.enqueue_dma source(%dma_start3A_29 : memref<128xf32, #tpu.memory_space<hbm>>) target(%arg8 : memref<128xf32, #tpu.memory_space<vmem>>) target_semaphore(%arg13 : memref<!tpu.dma_semaphore, #tpu.memory_space<semaphore_mem>>)
    tpu.wait_dma2 semaphore(%arg13 : memref<!tpu.dma_semaphore, #tpu.memory_space<semaphore_mem>>) src(%arg3 : memref<26136xf32, #tpu.memory_space<hbm>>) dst(%arg9 : memref<26136xf32, #tpu.memory_space<vmem>>)
    tpu.wait_dma2 semaphore(%arg13 : memref<!tpu.dma_semaphore, #tpu.memory_space<semaphore_mem>>) src(%arg4 : memref<13068xf32, #tpu.memory_space<hbm>>) dst(%arg10 : memref<13068xf32, #tpu.memory_space<vmem>>)
    tpu.wait_dma2 semaphore(%arg13 : memref<!tpu.dma_semaphore, #tpu.memory_space<semaphore_mem>>) src(%arg5 : memref<1089xf32, #tpu.memory_space<hbm>>) dst(%arg11 : memref<1089xf32, #tpu.memory_space<vmem>>)
    %dma_wait3A = tpu.memref_slice %arg2[%add3A_24] : memref<8192xf32, #tpu.memory_space<hbm>> -> memref<128xf32, #tpu.memory_space<hbm>>
    %dma_wait3A_30 = tpu.memref_slice %arg2[%add3A_24] : memref<8192xf32, #tpu.memory_space<hbm>> -> memref<128xf32, #tpu.memory_space<hbm>>
    tpu.wait_dma2 semaphore(%arg13 : memref<!tpu.dma_semaphore, #tpu.memory_space<semaphore_mem>>) src(%dma_wait3A_30 : memref<128xf32, #tpu.memory_space<hbm>>) dst(%arg7 : memref<128xf32, #tpu.memory_space<vmem>>)
    %dma_wait3A_31 = tpu.memref_slice %arg2[%add3A_26] : memref<8192xf32, #tpu.memory_space<hbm>> -> memref<128xf32, #tpu.memory_space<hbm>>
    %dma_wait3A_32 = tpu.memref_slice %arg2[%add3A_26] : memref<8192xf32, #tpu.memory_space<hbm>> -> memref<128xf32, #tpu.memory_space<hbm>>
    tpu.wait_dma2 semaphore(%arg13 : memref<!tpu.dma_semaphore, #tpu.memory_space<semaphore_mem>>) src(%dma_wait3A_32 : memref<128xf32, #tpu.memory_space<hbm>>) dst(%arg8 : memref<128xf32, #tpu.memory_space<vmem>>)
    %parallel_loop3A = arith.constant 0 : i32
    %parallel_loop3A_33 = arith.constant 8 : i32
    %parallel_loop3A_34 = arith.constant 1 : i32
    scf.for %parallel_loop3A_35 = %parallel_loop3A to %parallel_loop3A_33 step %parallel_loop3A_34  : i32 {
      %parallel_loop3A_36 = arith.constant 16 : i32
      %parallel_loop3A_37 = arith.muli %parallel_loop3A_35, %parallel_loop3A_36 : i32
      %parallel_loop3A_38 = arith.index_cast %parallel_loop3A_37 : i32 to index
      %parallel_loop3A_39 = tpu.vector_load %arg7[%parallel_loop3A_38] {strides = array<i32>} : memref<128xf32, #tpu.memory_space<vmem>>, vector<16xf32>,
      %parallel_loop3A_40 = arith.constant 16 : i32
      %parallel_loop3A_41 = arith.muli %parallel_loop3A_35, %parallel_loop3A_40 : i32
      %parallel_loop3A_42 = arith.index_cast %parallel_loop3A_41 : i32 to index
      %parallel_loop3A_43 = tpu.vector_load %arg8[%parallel_loop3A_42] {strides = array<i32>} : memref<128xf32, #tpu.memory_space<vmem>>, vector<16xf32>,
      %parallel_loop3A_44 = tpu.bitcast %parallel_loop3A_39 : vector<16xf32> -> vector<16xi32>
      %parallel_loop3A_45 = arith.constant 16 : i32
      %parallel_loop3A_46 = vector.broadcast %parallel_loop3A_45 : i32 to vector<16xi32>
      %parallel_loop3A_47 = arith.shrui %parallel_loop3A_44, %parallel_loop3A_46 : vector<16xi32>
      %parallel_loop3A_48 = arith.constant 1 : i32
      %parallel_loop3A_49 = vector.broadcast %parallel_loop3A_48 : i32 to vector<16xi32>
      %parallel_loop3A_50 = arith.andi %parallel_loop3A_47, %parallel_loop3A_49 : vector<16xi32>
      %parallel_loop3A_51 = arith.constant 32767 : i32
      %parallel_loop3A_52 = vector.broadcast %parallel_loop3A_51 : i32 to vector<16xi32>
      %parallel_loop3A_53 = arith.addi %parallel_loop3A_44, %parallel_loop3A_52 : vector<16xi32>
      %parallel_loop3A_54 = arith.addi %parallel_loop3A_53, %parallel_loop3A_50 : vector<16xi32>
      %parallel_loop3A_55 = arith.constant -65536 : i32
      %parallel_loop3A_56 = vector.broadcast %parallel_loop3A_55 : i32 to vector<16xi32>
      %parallel_loop3A_57 = arith.andi %parallel_loop3A_54, %parallel_loop3A_56 : vector<16xi32>
      %parallel_loop3A_58 = tpu.bitcast %parallel_loop3A_57 : vector<16xi32> -> vector<16xf32>
      %parallel_loop3A_59 = tpu.bitcast %parallel_loop3A_43 : vector<16xf32> -> vector<16xi32>
      %parallel_loop3A_60 = arith.constant 16 : i32
      %parallel_loop3A_61 = vector.broadcast %parallel_loop3A_60 : i32 to vector<16xi32>
      %parallel_loop3A_62 = arith.shrui %parallel_loop3A_59, %parallel_loop3A_61 : vector<16xi32>
      %parallel_loop3A_63 = arith.constant 1 : i32
      %parallel_loop3A_64 = vector.broadcast %parallel_loop3A_63 : i32 to vector<16xi32>
      %parallel_loop3A_65 = arith.andi %parallel_loop3A_62, %parallel_loop3A_64 : vector<16xi32>
      %parallel_loop3A_66 = arith.constant 32767 : i32
      %parallel_loop3A_67 = vector.broadcast %parallel_loop3A_66 : i32 to vector<16xi32>
      %parallel_loop3A_68 = arith.addi %parallel_loop3A_59, %parallel_loop3A_67 : vector<16xi32>
      %parallel_loop3A_69 = arith.addi %parallel_loop3A_68, %parallel_loop3A_65 : vector<16xi32>
      %parallel_loop3A_70 = arith.constant -65536 : i32
      %parallel_loop3A_71 = vector.broadcast %parallel_loop3A_70 : i32 to vector<16xi32>
      %parallel_loop3A_72 = arith.andi %parallel_loop3A_69, %parallel_loop3A_71 : vector<16xi32>
      %parallel_loop3A_73 = tpu.bitcast %parallel_loop3A_72 : vector<16xi32> -> vector<16xf32>
      %parallel_loop3A_74 = arith.constant 3.200000e+01 : f32
      %parallel_loop3A_75 = vector.broadcast %parallel_loop3A_74 : f32 to vector<16xf32>
      %parallel_loop3A_76 = arith.mulf %parallel_loop3A_39, %parallel_loop3A_75 : vector<16xf32>
      %parallel_loop3A_77 = arith.fptosi %parallel_loop3A_76 : vector<16xf32> to vector<16xi32>
      %parallel_loop3A_78 = arith.constant 31 : i32
      %parallel_loop3A_79 = vector.broadcast %parallel_loop3A_78 : i32 to vector<16xi32>
      %parallel_loop3A_80 = arith.minsi %parallel_loop3A_77, %parallel_loop3A_79 : vector<16xi32>
      %parallel_loop3A_81 = arith.constant 3.200000e+01 : f32
      %parallel_loop3A_82 = vector.broadcast %parallel_loop3A_81 : f32 to vector<16xf32>
      %parallel_loop3A_83 = arith.mulf %parallel_loop3A_43, %parallel_loop3A_82 : vector<16xf32>
      %parallel_loop3A_84 = arith.fptosi %parallel_loop3A_83 : vector<16xf32> to vector<16xi32>
      %parallel_loop3A_85 = arith.constant 31 : i32
      %parallel_loop3A_86 = vector.broadcast %parallel_loop3A_85 : i32 to vector<16xi32>
      %parallel_loop3A_87 = arith.minsi %parallel_loop3A_84, %parallel_loop3A_86 : vector<16xi32>
      %parallel_loop3A_88 = arith.constant 33 : i32
      %parallel_loop3A_89 = vector.broadcast %parallel_loop3A_88 : i32 to vector<16xi32>
      %parallel_loop3A_90 = arith.muli %parallel_loop3A_87, %parallel_loop3A_89 : vector<16xi32>
      %parallel_loop3A_91 = arith.addi %parallel_loop3A_90, %parallel_loop3A_80 : vector<16xi32>
      %parallel_loop3A_92 = arith.constant 0.000000e+00 : f32
      %parallel_loop3A_93 = vector.broadcast %parallel_loop3A_92 : f32 to vector<16xf32>
      %parallel_loop3A_94 = arith.constant 0 : i32
      %parallel_loop3A_95 = vector.broadcast %parallel_loop3A_94 : i32 to vector<16xi32>
      %parallel_loop3A_96 = arith.addi %parallel_loop3A_91, %parallel_loop3A_95 : vector<16xi32>
      %parallel_loop3A_97 = arith.constant 0 : i32
      %parallel_loop3A_98 = vector.broadcast %parallel_loop3A_97 : i32 to vector<16xi32>
      %parallel_loop3A_99 = arith.addi %parallel_loop3A_96, %parallel_loop3A_98 : vector<16xi32>
      %parallel_loop3A_100 = tpu.vector_load_idx %arg9[%parallel_loop3A_99] : memref<26136xf32, #tpu.memory_space<vmem>>[vector<16xi32>], vector<16xf32>,
      %parallel_loop3A_101 = tpu.bitcast %parallel_loop3A_100 : vector<16xf32> -> vector<16xi32>
      %parallel_loop3A_102 = arith.constant 16 : i32
      %parallel_loop3A_103 = vector.broadcast %parallel_loop3A_102 : i32 to vector<16xi32>
      %parallel_loop3A_104 = arith.shrui %parallel_loop3A_101, %parallel_loop3A_103 : vector<16xi32>
      %parallel_loop3A_105 = arith.constant 1 : i32
      %parallel_loop3A_106 = vector.broadcast %parallel_loop3A_105 : i32 to vector<16xi32>
      %parallel_loop3A_107 = arith.andi %parallel_loop3A_104, %parallel_loop3A_106 : vector<16xi32>
      %parallel_loop3A_108 = arith.constant 32767 : i32
      %parallel_loop3A_109 = vector.broadcast %parallel_loop3A_108 : i32 to vector<16xi32>
      %parallel_loop3A_110 = arith.addi %parallel_loop3A_101, %parallel_loop3A_109 : vector<16xi32>
      %parallel_loop3A_111 = arith.addi %parallel_loop3A_110, %parallel_loop3A_107 : vector<16xi32>
      %parallel_loop3A_112 = arith.constant -65536 : i32
      %parallel_loop3A_113 = vector.broadcast %parallel_loop3A_112 : i32 to vector<16xi32>
      %parallel_loop3A_114 = arith.andi %parallel_loop3A_111, %parallel_loop3A_113 : vector<16xi32>
      %parallel_loop3A_115 = tpu.bitcast %parallel_loop3A_114 : vector<16xi32> -> vector<16xf32>
      %parallel_loop3A_116 = arith.constant 1089 : i32
      %parallel_loop3A_117 = vector.broadcast %parallel_loop3A_116 : i32 to vector<16xi32>
      %parallel_loop3A_118 = arith.addi %parallel_loop3A_96, %parallel_loop3A_117 : vector<16xi32>
      %parallel_loop3A_119 = tpu.vector_load_idx %arg9[%parallel_loop3A_118] : memref<26136xf32, #tpu.memory_space<vmem>>[vector<16xi32>], vector<16xf32>,
      %parallel_loop3A_120 = tpu.bitcast %parallel_loop3A_119 : vector<16xf32> -> vector<16xi32>
      %parallel_loop3A_121 = arith.constant 16 : i32
      %parallel_loop3A_122 = vector.broadcast %parallel_loop3A_121 : i32 to vector<16xi32>
      %parallel_loop3A_123 = arith.shrui %parallel_loop3A_120, %parallel_loop3A_122 : vector<16xi32>
      %parallel_loop3A_124 = arith.constant 1 : i32
      %parallel_loop3A_125 = vector.broadcast %parallel_loop3A_124 : i32 to vector<16xi32>
      %parallel_loop3A_126 = arith.andi %parallel_loop3A_123, %parallel_loop3A_125 : vector<16xi32>
      %parallel_loop3A_127 = arith.constant 32767 : i32
      %parallel_loop3A_128 = vector.broadcast %parallel_loop3A_127 : i32 to vector<16xi32>
      %parallel_loop3A_129 = arith.addi %parallel_loop3A_120, %parallel_loop3A_128 : vector<16xi32>
      %parallel_loop3A_130 = arith.addi %parallel_loop3A_129, %parallel_loop3A_126 : vector<16xi32>
      %parallel_loop3A_131 = arith.constant -65536 : i32
      %parallel_loop3A_132 = vector.broadcast %parallel_loop3A_131 : i32 to vector<16xi32>
      %parallel_loop3A_133 = arith.andi %parallel_loop3A_130, %parallel_loop3A_132 : vector<16xi32>
      %parallel_loop3A_134 = tpu.bitcast %parallel_loop3A_133 : vector<16xi32> -> vector<16xf32>
      %parallel_loop3A_135 = arith.constant 2178 : i32
      %parallel_loop3A_136 = vector.broadcast %parallel_loop3A_135 : i32 to vector<16xi32>
      %parallel_loop3A_137 = arith.addi %parallel_loop3A_96, %parallel_loop3A_136 : vector<16xi32>
      %parallel_loop3A_138 = tpu.vector_load_idx %arg9[%parallel_loop3A_137] : memref<26136xf32, #tpu.memory_space<vmem>>[vector<16xi32>], vector<16xf32>,
      %parallel_loop3A_139 = tpu.bitcast %parallel_loop3A_138 : vector<16xf32> -> vector<16xi32>
      %parallel_loop3A_140 = arith.constant 16 : i32
      %parallel_loop3A_141 = vector.broadcast %parallel_loop3A_140 : i32 to vector<16xi32>
      %parallel_loop3A_142 = arith.shrui %parallel_loop3A_139, %parallel_loop3A_141 : vector<16xi32>
      %parallel_loop3A_143 = arith.constant 1 : i32
      %parallel_loop3A_144 = vector.broadcast %parallel_loop3A_143 : i32 to vector<16xi32>
      %parallel_loop3A_145 = arith.andi %parallel_loop3A_142, %parallel_loop3A_144 : vector<16xi32>
      %parallel_loop3A_146 = arith.constant 32767 : i32
      %parallel_loop3A_147 = vector.broadcast %parallel_loop3A_146 : i32 to vector<16xi32>
      %parallel_loop3A_148 = arith.addi %parallel_loop3A_139, %parallel_loop3A_147 : vector<16xi32>
      %parallel_loop3A_149 = arith.addi %parallel_loop3A_148, %parallel_loop3A_145 : vector<16xi32>
      %parallel_loop3A_150 = arith.constant -65536 : i32
      %parallel_loop3A_151 = vector.broadcast %parallel_loop3A_150 : i32 to vector<16xi32>
      %parallel_loop3A_152 = arith.andi %parallel_loop3A_149, %parallel_loop3A_151 : vector<16xi32>
      %parallel_loop3A_153 = tpu.bitcast %parallel_loop3A_152 : vector<16xi32> -> vector<16xf32>
      %parallel_loop3A_154 = arith.constant 3267 : i32
      %parallel_loop3A_155 = vector.broadcast %parallel_loop3A_154 : i32 to vector<16xi32>
      %parallel_loop3A_156 = arith.addi %parallel_loop3A_96, %parallel_loop3A_155 : vector<16xi32>
      %parallel_loop3A_157 = tpu.vector_load_idx %arg9[%parallel_loop3A_156] : memref<26136xf32, #tpu.memory_space<vmem>>[vector<16xi32>], vector<16xf32>,
      %parallel_loop3A_158 = tpu.bitcast %parallel_loop3A_157 : vector<16xf32> -> vector<16xi32>
      %parallel_loop3A_159 = arith.constant 16 : i32
      %parallel_loop3A_160 = vector.broadcast %parallel_loop3A_159 : i32 to vector<16xi32>
      %parallel_loop3A_161 = arith.shrui %parallel_loop3A_158, %parallel_loop3A_160 : vector<16xi32>
      %parallel_loop3A_162 = arith.constant 1 : i32
      %parallel_loop3A_163 = vector.broadcast %parallel_loop3A_162 : i32 to vector<16xi32>
      %parallel_loop3A_164 = arith.andi %parallel_loop3A_161, %parallel_loop3A_163 : vector<16xi32>
      %parallel_loop3A_165 = arith.constant 32767 : i32
      %parallel_loop3A_166 = vector.broadcast %parallel_loop3A_165 : i32 to vector<16xi32>
      %parallel_loop3A_167 = arith.addi %parallel_loop3A_158, %parallel_loop3A_166 : vector<16xi32>
      %parallel_loop3A_168 = arith.addi %parallel_loop3A_167, %parallel_loop3A_164 : vector<16xi32>
      %parallel_loop3A_169 = arith.constant -65536 : i32
      %parallel_loop3A_170 = vector.broadcast %parallel_loop3A_169 : i32 to vector<16xi32>
      %parallel_loop3A_171 = arith.andi %parallel_loop3A_168, %parallel_loop3A_170 : vector<16xi32>
      %parallel_loop3A_172 = tpu.bitcast %parallel_loop3A_171 : vector<16xi32> -> vector<16xf32>
      %parallel_loop3A_173 = arith.constant 0 : i32
      %parallel_loop3A_174 = vector.broadcast %parallel_loop3A_173 : i32 to vector<16xi32>
      %parallel_loop3A_175 = arith.addi %parallel_loop3A_96, %parallel_loop3A_174 : vector<16xi32>
      %parallel_loop3A_176 = tpu.vector_load_idx %arg10[%parallel_loop3A_175] : memref<13068xf32, #tpu.memory_space<vmem>>[vector<16xi32>], vector<16xf32>,
      %parallel_loop3A_177 = arith.constant 1089 : i32
      %parallel_loop3A_178 = vector.broadcast %parallel_loop3A_177 : i32 to vector<16xi32>
      %parallel_loop3A_179 = arith.addi %parallel_loop3A_96, %parallel_loop3A_178 : vector<16xi32>
      %parallel_loop3A_180 = tpu.vector_load_idx %arg10[%parallel_loop3A_179] : memref<13068xf32, #tpu.memory_space<vmem>>[vector<16xi32>], vector<16xf32>,
      %parallel_loop3A_181 = arith.mulf %parallel_loop3A_58, %parallel_loop3A_115 : vector<16xf32>
      %parallel_loop3A_182 = arith.mulf %parallel_loop3A_73, %parallel_loop3A_153 : vector<16xf32>
      %parallel_loop3A_183 = arith.addf %parallel_loop3A_181, %parallel_loop3A_182 : vector<16xf32>
      %parallel_loop3A_184 = arith.addf %parallel_loop3A_183, %parallel_loop3A_176 : vector<16xf32>
      %parallel_loop3A_185 = arith.mulf %parallel_loop3A_58, %parallel_loop3A_134 : vector<16xf32>
      %parallel_loop3A_186 = arith.mulf %parallel_loop3A_73, %parallel_loop3A_172 : vector<16xf32>
      %parallel_loop3A_187 = arith.addf %parallel_loop3A_185, %parallel_loop3A_186 : vector<16xf32>
      %parallel_loop3A_188 = arith.addf %parallel_loop3A_187, %parallel_loop3A_180 : vector<16xf32>
      %parallel_loop3A_189 = arith.addf %parallel_loop3A_184, %parallel_loop3A_188 : vector<16xf32>
      %parallel_loop3A_190 = arith.constant 1.000000e+00 : f32
      %parallel_loop3A_191 = vector.broadcast %parallel_loop3A_190 : f32 to vector<16xf32>
      %parallel_loop3A_192 = arith.subf %parallel_loop3A_191, %parallel_loop3A_189 : vector<16xf32>
      %parallel_loop3A_193 = arith.constant 0.000000e+00 : f32
      %parallel_loop3A_194 = vector.broadcast %parallel_loop3A_193 : f32 to vector<16xf32>
      %parallel_loop3A_195 = arith.maximumf %parallel_loop3A_192, %parallel_loop3A_194 : vector<16xf32>
      %parallel_loop3A_196 = arith.constant 4356 : i32
      %parallel_loop3A_197 = vector.broadcast %parallel_loop3A_196 : i32 to vector<16xi32>
      %parallel_loop3A_198 = arith.addi %parallel_loop3A_96, %parallel_loop3A_197 : vector<16xi32>
      %parallel_loop3A_199 = tpu.vector_load_idx %arg9[%parallel_loop3A_198] : memref<26136xf32, #tpu.memory_space<vmem>>[vector<16xi32>], vector<16xf32>,
      %parallel_loop3A_200 = tpu.bitcast %parallel_loop3A_199 : vector<16xf32> -> vector<16xi32>
      %parallel_loop3A_201 = arith.constant 16 : i32
      %parallel_loop3A_202 = vector.broadcast %parallel_loop3A_201 : i32 to vector<16xi32>
      %parallel_loop3A_203 = arith.shrui %parallel_loop3A_200, %parallel_loop3A_202 : vector<16xi32>
      %parallel_loop3A_204 = arith.constant 1 : i32
      %parallel_loop3A_205 = vector.broadcast %parallel_loop3A_204 : i32 to vector<16xi32>
      %parallel_loop3A_206 = arith.andi %parallel_loop3A_203, %parallel_loop3A_205 : vector<16xi32>
      %parallel_loop3A_207 = arith.constant 32767 : i32
      %parallel_loop3A_208 = vector.broadcast %parallel_loop3A_207 : i32 to vector<16xi32>
      %parallel_loop3A_209 = arith.addi %parallel_loop3A_200, %parallel_loop3A_208 : vector<16xi32>
      %parallel_loop3A_210 = arith.addi %parallel_loop3A_209, %parallel_loop3A_206 : vector<16xi32>
      %parallel_loop3A_211 = arith.constant -65536 : i32
      %parallel_loop3A_212 = vector.broadcast %parallel_loop3A_211 : i32 to vector<16xi32>
      %parallel_loop3A_213 = arith.andi %parallel_loop3A_210, %parallel_loop3A_212 : vector<16xi32>
      %parallel_loop3A_214 = tpu.bitcast %parallel_loop3A_213 : vector<16xi32> -> vector<16xf32>
      %parallel_loop3A_215 = arith.constant 5445 : i32
      %parallel_loop3A_216 = vector.broadcast %parallel_loop3A_215 : i32 to vector<16xi32>
      %parallel_loop3A_217 = arith.addi %parallel_loop3A_96, %parallel_loop3A_216 : vector<16xi32>
      %parallel_loop3A_218 = tpu.vector_load_idx %arg9[%parallel_loop3A_217] : memref<26136xf32, #tpu.memory_space<vmem>>[vector<16xi32>], vector<16xf32>,
      %parallel_loop3A_219 = tpu.bitcast %parallel_loop3A_218 : vector<16xf32> -> vector<16xi32>
      %parallel_loop3A_220 = arith.constant 16 : i32
      %parallel_loop3A_221 = vector.broadcast %parallel_loop3A_220 : i32 to vector<16xi32>
      %parallel_loop3A_222 = arith.shrui %parallel_loop3A_219, %parallel_loop3A_221 : vector<16xi32>
      %parallel_loop3A_223 = arith.constant 1 : i32
      %parallel_loop3A_224 = vector.broadcast %parallel_loop3A_223 : i32 to vector<16xi32>
      %parallel_loop3A_225 = arith.andi %parallel_loop3A_222, %parallel_loop3A_224 : vector<16xi32>
      %parallel_loop3A_226 = arith.constant 32767 : i32
      %parallel_loop3A_227 = vector.broadcast %parallel_loop3A_226 : i32 to vector<16xi32>
      %parallel_loop3A_228 = arith.addi %parallel_loop3A_219, %parallel_loop3A_227 : vector<16xi32>
      %parallel_loop3A_229 = arith.addi %parallel_loop3A_228, %parallel_loop3A_225 : vector<16xi32>
      %parallel_loop3A_230 = arith.constant -65536 : i32
      %parallel_loop3A_231 = vector.broadcast %parallel_loop3A_230 : i32 to vector<16xi32>
      %parallel_loop3A_232 = arith.andi %parallel_loop3A_229, %parallel_loop3A_231 : vector<16xi32>
      %parallel_loop3A_233 = tpu.bitcast %parallel_loop3A_232 : vector<16xi32> -> vector<16xf32>
      %parallel_loop3A_234 = arith.constant 6534 : i32
      %parallel_loop3A_235 = vector.broadcast %parallel_loop3A_234 : i32 to vector<16xi32>
      %parallel_loop3A_236 = arith.addi %parallel_loop3A_96, %parallel_loop3A_235 : vector<16xi32>
      %parallel_loop3A_237 = tpu.vector_load_idx %arg9[%parallel_loop3A_236] : memref<26136xf32, #tpu.memory_space<vmem>>[vector<16xi32>], vector<16xf32>,
      %parallel_loop3A_238 = tpu.bitcast %parallel_loop3A_237 : vector<16xf32> -> vector<16xi32>
      %parallel_loop3A_239 = arith.constant 16 : i32
      %parallel_loop3A_240 = vector.broadcast %parallel_loop3A_239 : i32 to vector<16xi32>
      %parallel_loop3A_241 = arith.shrui %parallel_loop3A_238, %parallel_loop3A_240 : vector<16xi32>
      %parallel_loop3A_242 = arith.constant 1 : i32
      %parallel_loop3A_243 = vector.broadcast %parallel_loop3A_242 : i32 to vector<16xi32>
      %parallel_loop3A_244 = arith.andi %parallel_loop3A_241, %parallel_loop3A_243 : vector<16xi32>
      %parallel_loop3A_245 = arith.constant 32767 : i32
      %parallel_loop3A_246 = vector.broadcast %parallel_loop3A_245 : i32 to vector<16xi32>
      %parallel_loop3A_247 = arith.addi %parallel_loop3A_238, %parallel_loop3A_246 : vector<16xi32>
      %parallel_loop3A_248 = arith.addi %parallel_loop3A_247, %parallel_loop3A_244 : vector<16xi32>
      %parallel_loop3A_249 = arith.constant -65536 : i32
      %parallel_loop3A_250 = vector.broadcast %parallel_loop3A_249 : i32 to vector<16xi32>
      %parallel_loop3A_251 = arith.andi %parallel_loop3A_248, %parallel_loop3A_250 : vector<16xi32>
      %parallel_loop3A_252 = tpu.bitcast %parallel_loop3A_251 : vector<16xi32> -> vector<16xf32>
      %parallel_loop3A_253 = arith.constant 7623 : i32
      %parallel_loop3A_254 = vector.broadcast %parallel_loop3A_253 : i32 to vector<16xi32>
      %parallel_loop3A_255 = arith.addi %parallel_loop3A_96, %parallel_loop3A_254 : vector<16xi32>
      %parallel_loop3A_256 = tpu.vector_load_idx %arg9[%parallel_loop3A_255] : memref<26136xf32, #tpu.memory_space<vmem>>[vector<16xi32>], vector<16xf32>,
      %parallel_loop3A_257 = tpu.bitcast %parallel_loop3A_256 : vector<16xf32> -> vector<16xi32>
      %parallel_loop3A_258 = arith.constant 16 : i32
      %parallel_loop3A_259 = vector.broadcast %parallel_loop3A_258 : i32 to vector<16xi32>
      %parallel_loop3A_260 = arith.shrui %parallel_loop3A_257, %parallel_loop3A_259 : vector<16xi32>
      %parallel_loop3A_261 = arith.constant 1 : i32
      %parallel_loop3A_262 = vector.broadcast %parallel_loop3A_261 : i32 to vector<16xi32>
      %parallel_loop3A_263 = arith.andi %parallel_loop3A_260, %parallel_loop3A_262 : vector<16xi32>
      %parallel_loop3A_264 = arith.constant 32767 : i32
      %parallel_loop3A_265 = vector.broadcast %parallel_loop3A_264 : i32 to vector<16xi32>
      %parallel_loop3A_266 = arith.addi %parallel_loop3A_257, %parallel_loop3A_265 : vector<16xi32>
      %parallel_loop3A_267 = arith.addi %parallel_loop3A_266, %parallel_loop3A_263 : vector<16xi32>
      %parallel_loop3A_268 = arith.constant -65536 : i32
      %parallel_loop3A_269 = vector.broadcast %parallel_loop3A_268 : i32 to vector<16xi32>
      %parallel_loop3A_270 = arith.andi %parallel_loop3A_267, %parallel_loop3A_269 : vector<16xi32>
      %parallel_loop3A_271 = tpu.bitcast %parallel_loop3A_270 : vector<16xi32> -> vector<16xf32>
      %parallel_loop3A_272 = arith.constant 2178 : i32
      %parallel_loop3A_273 = vector.broadcast %parallel_loop3A_272 : i32 to vector<16xi32>
      %parallel_loop3A_274 = arith.addi %parallel_loop3A_96, %parallel_loop3A_273 : vector<16xi32>
      %parallel_loop3A_275 = tpu.vector_load_idx %arg10[%parallel_loop3A_274] : memref<13068xf32, #tpu.memory_space<vmem>>[vector<16xi32>], vector<16xf32>,
      %parallel_loop3A_276 = arith.constant 3267 : i32
      %parallel_loop3A_277 = vector.broadcast %parallel_loop3A_276 : i32 to vector<16xi32>
      %parallel_loop3A_278 = arith.addi %parallel_loop3A_96, %parallel_loop3A_277 : vector<16xi32>
      %parallel_loop3A_279 = tpu.vector_load_idx %arg10[%parallel_loop3A_278] : memref<13068xf32, #tpu.memory_space<vmem>>[vector<16xi32>], vector<16xf32>,
      %parallel_loop3A_280 = arith.mulf %parallel_loop3A_58, %parallel_loop3A_214 : vector<16xf32>
      %parallel_loop3A_281 = arith.mulf %parallel_loop3A_73, %parallel_loop3A_252 : vector<16xf32>
      %parallel_loop3A_282 = arith.addf %parallel_loop3A_280, %parallel_loop3A_281 : vector<16xf32>
      %parallel_loop3A_283 = arith.addf %parallel_loop3A_282, %parallel_loop3A_275 : vector<16xf32>
      %parallel_loop3A_284 = arith.mulf %parallel_loop3A_58, %parallel_loop3A_233 : vector<16xf32>
      %parallel_loop3A_285 = arith.mulf %parallel_loop3A_73, %parallel_loop3A_271 : vector<16xf32>
      %parallel_loop3A_286 = arith.addf %parallel_loop3A_284, %parallel_loop3A_285 : vector<16xf32>
      %parallel_loop3A_287 = arith.addf %parallel_loop3A_286, %parallel_loop3A_279 : vector<16xf32>
      %parallel_loop3A_288 = arith.addf %parallel_loop3A_283, %parallel_loop3A_287 : vector<16xf32>
      %parallel_loop3A_289 = arith.constant 1.000000e+00 : f32
      %parallel_loop3A_290 = vector.broadcast %parallel_loop3A_289 : f32 to vector<16xf32>
      %parallel_loop3A_291 = arith.subf %parallel_loop3A_290, %parallel_loop3A_288 : vector<16xf32>
      %parallel_loop3A_292 = arith.constant 0.000000e+00 : f32
      %parallel_loop3A_293 = vector.broadcast %parallel_loop3A_292 : f32 to vector<16xf32>
      %parallel_loop3A_294 = arith.maximumf %parallel_loop3A_291, %parallel_loop3A_293 : vector<16xf32>
      %parallel_loop3A_295 = arith.minimumf %parallel_loop3A_195, %parallel_loop3A_294 : vector<16xf32>
      %parallel_loop3A_296 = arith.constant 8712 : i32
      %parallel_loop3A_297 = vector.broadcast %parallel_loop3A_296 : i32 to vector<16xi32>
      %parallel_loop3A_298 = arith.addi %parallel_loop3A_96, %parallel_loop3A_297 : vector<16xi32>
      %parallel_loop3A_299 = tpu.vector_load_idx %arg9[%parallel_loop3A_298] : memref<26136xf32, #tpu.memory_space<vmem>>[vector<16xi32>], vector<16xf32>,
      %parallel_loop3A_300 = tpu.bitcast %parallel_loop3A_299 : vector<16xf32> -> vector<16xi32>
      %parallel_loop3A_301 = arith.constant 16 : i32
      %parallel_loop3A_302 = vector.broadcast %parallel_loop3A_301 : i32 to vector<16xi32>
      %parallel_loop3A_303 = arith.shrui %parallel_loop3A_300, %parallel_loop3A_302 : vector<16xi32>
      %parallel_loop3A_304 = arith.constant 1 : i32
      %parallel_loop3A_305 = vector.broadcast %parallel_loop3A_304 : i32 to vector<16xi32>
      %parallel_loop3A_306 = arith.andi %parallel_loop3A_303, %parallel_loop3A_305 : vector<16xi32>
      %parallel_loop3A_307 = arith.constant 32767 : i32
      %parallel_loop3A_308 = vector.broadcast %parallel_loop3A_307 : i32 to vector<16xi32>
      %parallel_loop3A_309 = arith.addi %parallel_loop3A_300, %parallel_loop3A_308 : vector<16xi32>
      %parallel_loop3A_310 = arith.addi %parallel_loop3A_309, %parallel_loop3A_306 : vector<16xi32>
      %parallel_loop3A_311 = arith.constant -65536 : i32
      %parallel_loop3A_312 = vector.broadcast %parallel_loop3A_311 : i32 to vector<16xi32>
      %parallel_loop3A_313 = arith.andi %parallel_loop3A_310, %parallel_loop3A_312 : vector<16xi32>
      %parallel_loop3A_314 = tpu.bitcast %parallel_loop3A_313 : vector<16xi32> -> vector<16xf32>
      %parallel_loop3A_315 = arith.constant 9801 : i32
      %parallel_loop3A_316 = vector.broadcast %parallel_loop3A_315 : i32 to vector<16xi32>
      %parallel_loop3A_317 = arith.addi %parallel_loop3A_96, %parallel_loop3A_316 : vector<16xi32>
      %parallel_loop3A_318 = tpu.vector_load_idx %arg9[%parallel_loop3A_317] : memref<26136xf32, #tpu.memory_space<vmem>>[vector<16xi32>], vector<16xf32>,
      %parallel_loop3A_319 = tpu.bitcast %parallel_loop3A_318 : vector<16xf32> -> vector<16xi32>
      %parallel_loop3A_320 = arith.constant 16 : i32
      %parallel_loop3A_321 = vector.broadcast %parallel_loop3A_320 : i32 to vector<16xi32>
      %parallel_loop3A_322 = arith.shrui %parallel_loop3A_319, %parallel_loop3A_321 : vector<16xi32>
      %parallel_loop3A_323 = arith.constant 1 : i32
      %parallel_loop3A_324 = vector.broadcast %parallel_loop3A_323 : i32 to vector<16xi32>
      %parallel_loop3A_325 = arith.andi %parallel_loop3A_322, %parallel_loop3A_324 : vector<16xi32>
      %parallel_loop3A_326 = arith.constant 32767 : i32
      %parallel_loop3A_327 = vector.broadcast %parallel_loop3A_326 : i32 to vector<16xi32>
      %parallel_loop3A_328 = arith.addi %parallel_loop3A_319, %parallel_loop3A_327 : vector<16xi32>
      %parallel_loop3A_329 = arith.addi %parallel_loop3A_328, %parallel_loop3A_325 : vector<16xi32>
      %parallel_loop3A_330 = arith.constant -65536 : i32
      %parallel_loop3A_331 = vector.broadcast %parallel_loop3A_330 : i32 to vector<16xi32>
      %parallel_loop3A_332 = arith.andi %parallel_loop3A_329, %parallel_loop3A_331 : vector<16xi32>
      %parallel_loop3A_333 = tpu.bitcast %parallel_loop3A_332 : vector<16xi32> -> vector<16xf32>
      %parallel_loop3A_334 = arith.constant 10890 : i32
      %parallel_loop3A_335 = vector.broadcast %parallel_loop3A_334 : i32 to vector<16xi32>
      %parallel_loop3A_336 = arith.addi %parallel_loop3A_96, %parallel_loop3A_335 : vector<16xi32>
      %parallel_loop3A_337 = tpu.vector_load_idx %arg9[%parallel_loop3A_336] : memref<26136xf32, #tpu.memory_space<vmem>>[vector<16xi32>], vector<16xf32>,
      %parallel_loop3A_338 = tpu.bitcast %parallel_loop3A_337 : vector<16xf32> -> vector<16xi32>
      %parallel_loop3A_339 = arith.constant 16 : i32
      %parallel_loop3A_340 = vector.broadcast %parallel_loop3A_339 : i32 to vector<16xi32>
      %parallel_loop3A_341 = arith.shrui %parallel_loop3A_338, %parallel_loop3A_340 : vector<16xi32>
      %parallel_loop3A_342 = arith.constant 1 : i32
      %parallel_loop3A_343 = vector.broadcast %parallel_loop3A_342 : i32 to vector<16xi32>
      %parallel_loop3A_344 = arith.andi %parallel_loop3A_341, %parallel_loop3A_343 : vector<16xi32>
      %parallel_loop3A_345 = arith.constant 32767 : i32
      %parallel_loop3A_346 = vector.broadcast %parallel_loop3A_345 : i32 to vector<16xi32>
      %parallel_loop3A_347 = arith.addi %parallel_loop3A_338, %parallel_loop3A_346 : vector<16xi32>
      %parallel_loop3A_348 = arith.addi %parallel_loop3A_347, %parallel_loop3A_344 : vector<16xi32>
      %parallel_loop3A_349 = arith.constant -65536 : i32
      %parallel_loop3A_350 = vector.broadcast %parallel_loop3A_349 : i32 to vector<16xi32>
      %parallel_loop3A_351 = arith.andi %parallel_loop3A_348, %parallel_loop3A_350 : vector<16xi32>
      %parallel_loop3A_352 = tpu.bitcast %parallel_loop3A_351 : vector<16xi32> -> vector<16xf32>
      %parallel_loop3A_353 = arith.constant 11979 : i32
      %parallel_loop3A_354 = vector.broadcast %parallel_loop3A_353 : i32 to vector<16xi32>
      %parallel_loop3A_355 = arith.addi %parallel_loop3A_96, %parallel_loop3A_354 : vector<16xi32>
      %parallel_loop3A_356 = tpu.vector_load_idx %arg9[%parallel_loop3A_355] : memref<26136xf32, #tpu.memory_space<vmem>>[vector<16xi32>], vector<16xf32>,
      %parallel_loop3A_357 = tpu.bitcast %parallel_loop3A_356 : vector<16xf32> -> vector<16xi32>
      %parallel_loop3A_358 = arith.constant 16 : i32
      %parallel_loop3A_359 = vector.broadcast %parallel_loop3A_358 : i32 to vector<16xi32>
      %parallel_loop3A_360 = arith.shrui %parallel_loop3A_357, %parallel_loop3A_359 : vector<16xi32>
      %parallel_loop3A_361 = arith.constant 1 : i32
      %parallel_loop3A_362 = vector.broadcast %parallel_loop3A_361 : i32 to vector<16xi32>
      %parallel_loop3A_363 = arith.andi %parallel_loop3A_360, %parallel_loop3A_362 : vector<16xi32>
      %parallel_loop3A_364 = arith.constant 32767 : i32
      %parallel_loop3A_365 = vector.broadcast %parallel_loop3A_364 : i32 to vector<16xi32>
      %parallel_loop3A_366 = arith.addi %parallel_loop3A_357, %parallel_loop3A_365 : vector<16xi32>
      %parallel_loop3A_367 = arith.addi %parallel_loop3A_366, %parallel_loop3A_363 : vector<16xi32>
      %parallel_loop3A_368 = arith.constant -65536 : i32
      %parallel_loop3A_369 = vector.broadcast %parallel_loop3A_368 : i32 to vector<16xi32>
      %parallel_loop3A_370 = arith.andi %parallel_loop3A_367, %parallel_loop3A_369 : vector<16xi32>
      %parallel_loop3A_371 = tpu.bitcast %parallel_loop3A_370 : vector<16xi32> -> vector<16xf32>
      %parallel_loop3A_372 = arith.constant 4356 : i32
      %parallel_loop3A_373 = vector.broadcast %parallel_loop3A_372 : i32 to vector<16xi32>
      %parallel_loop3A_374 = arith.addi %parallel_loop3A_96, %parallel_loop3A_373 : vector<16xi32>
      %parallel_loop3A_375 = tpu.vector_load_idx %arg10[%parallel_loop3A_374] : memref<13068xf32, #tpu.memory_space<vmem>>[vector<16xi32>], vector<16xf32>,
      %parallel_loop3A_376 = arith.constant 5445 : i32
      %parallel_loop3A_377 = vector.broadcast %parallel_loop3A_376 : i32 to vector<16xi32>
      %parallel_loop3A_378 = arith.addi %parallel_loop3A_96, %parallel_loop3A_377 : vector<16xi32>
      %parallel_loop3A_379 = tpu.vector_load_idx %arg10[%parallel_loop3A_378] : memref<13068xf32, #tpu.memory_space<vmem>>[vector<16xi32>], vector<16xf32>,
      %parallel_loop3A_380 = arith.mulf %parallel_loop3A_58, %parallel_loop3A_314 : vector<16xf32>
      %parallel_loop3A_381 = arith.mulf %parallel_loop3A_73, %parallel_loop3A_352 : vector<16xf32>
      %parallel_loop3A_382 = arith.addf %parallel_loop3A_380, %parallel_loop3A_381 : vector<16xf32>
      %parallel_loop3A_383 = arith.addf %parallel_loop3A_382, %parallel_loop3A_375 : vector<16xf32>
      %parallel_loop3A_384 = arith.mulf %parallel_loop3A_58, %parallel_loop3A_333 : vector<16xf32>
      %parallel_loop3A_385 = arith.mulf %parallel_loop3A_73, %parallel_loop3A_371 : vector<16xf32>
      %parallel_loop3A_386 = arith.addf %parallel_loop3A_384, %parallel_loop3A_385 : vector<16xf32>
      %parallel_loop3A_387 = arith.addf %parallel_loop3A_386, %parallel_loop3A_379 : vector<16xf32>
      %parallel_loop3A_388 = arith.addf %parallel_loop3A_383, %parallel_loop3A_387 : vector<16xf32>
      %parallel_loop3A_389 = arith.constant 1.000000e+00 : f32
      %parallel_loop3A_390 = vector.broadcast %parallel_loop3A_389 : f32 to vector<16xf32>
      %parallel_loop3A_391 = arith.subf %parallel_loop3A_390, %parallel_loop3A_388 : vector<16xf32>
      %parallel_loop3A_392 = arith.constant 0.000000e+00 : f32
      %parallel_loop3A_393 = vector.broadcast %parallel_loop3A_392 : f32 to vector<16xf32>
      %parallel_loop3A_394 = arith.maximumf %parallel_loop3A_391, %parallel_loop3A_393 : vector<16xf32>
      %parallel_loop3A_395 = arith.minimumf %parallel_loop3A_295, %parallel_loop3A_394 : vector<16xf32>
      %parallel_loop3A_396 = arith.constant 13068 : i32
      %parallel_loop3A_397 = vector.broadcast %parallel_loop3A_396 : i32 to vector<16xi32>
      %parallel_loop3A_398 = arith.addi %parallel_loop3A_96, %parallel_loop3A_397 : vector<16xi32>
      %parallel_loop3A_399 = tpu.vector_load_idx %arg9[%parallel_loop3A_398] : memref<26136xf32, #tpu.memory_space<vmem>>[vector<16xi32>], vector<16xf32>,
      %parallel_loop3A_400 = tpu.bitcast %parallel_loop3A_399 : vector<16xf32> -> vector<16xi32>
      %parallel_loop3A_401 = arith.constant 16 : i32
      %parallel_loop3A_402 = vector.broadcast %parallel_loop3A_401 : i32 to vector<16xi32>
      %parallel_loop3A_403 = arith.shrui %parallel_loop3A_400, %parallel_loop3A_402 : vector<16xi32>
      %parallel_loop3A_404 = arith.constant 1 : i32
      %parallel_loop3A_405 = vector.broadcast %parallel_loop3A_404 : i32 to vector<16xi32>
      %parallel_loop3A_406 = arith.andi %parallel_loop3A_403, %parallel_loop3A_405 : vector<16xi32>
      %parallel_loop3A_407 = arith.constant 32767 : i32
      %parallel_loop3A_408 = vector.broadcast %parallel_loop3A_407 : i32 to vector<16xi32>
      %parallel_loop3A_409 = arith.addi %parallel_loop3A_400, %parallel_loop3A_408 : vector<16xi32>
      %parallel_loop3A_410 = arith.addi %parallel_loop3A_409, %parallel_loop3A_406 : vector<16xi32>
      %parallel_loop3A_411 = arith.constant -65536 : i32
      %parallel_loop3A_412 = vector.broadcast %parallel_loop3A_411 : i32 to vector<16xi32>
      %parallel_loop3A_413 = arith.andi %parallel_loop3A_410, %parallel_loop3A_412 : vector<16xi32>
      %parallel_loop3A_414 = tpu.bitcast %parallel_loop3A_413 : vector<16xi32> -> vector<16xf32>
      %parallel_loop3A_415 = arith.constant 14157 : i32
      %parallel_loop3A_416 = vector.broadcast %parallel_loop3A_415 : i32 to vector<16xi32>
      %parallel_loop3A_417 = arith.addi %parallel_loop3A_96, %parallel_loop3A_416 : vector<16xi32>
      %parallel_loop3A_418 = tpu.vector_load_idx %arg9[%parallel_loop3A_417] : memref<26136xf32, #tpu.memory_space<vmem>>[vector<16xi32>], vector<16xf32>,
      %parallel_loop3A_419 = tpu.bitcast %parallel_loop3A_418 : vector<16xf32> -> vector<16xi32>
      %parallel_loop3A_420 = arith.constant 16 : i32
      %parallel_loop3A_421 = vector.broadcast %parallel_loop3A_420 : i32 to vector<16xi32>
      %parallel_loop3A_422 = arith.shrui %parallel_loop3A_419, %parallel_loop3A_421 : vector<16xi32>
      %parallel_loop3A_423 = arith.constant 1 : i32
      %parallel_loop3A_424 = vector.broadcast %parallel_loop3A_423 : i32 to vector<16xi32>
      %parallel_loop3A_425 = arith.andi %parallel_loop3A_422, %parallel_loop3A_424 : vector<16xi32>
      %parallel_loop3A_426 = arith.constant 32767 : i32
      %parallel_loop3A_427 = vector.broadcast %parallel_loop3A_426 : i32 to vector<16xi32>
      %parallel_loop3A_428 = arith.addi %parallel_loop3A_419, %parallel_loop3A_427 : vector<16xi32>
      %parallel_loop3A_429 = arith.addi %parallel_loop3A_428, %parallel_loop3A_425 : vector<16xi32>
      %parallel_loop3A_430 = arith.constant -65536 : i32
      %parallel_loop3A_431 = vector.broadcast %parallel_loop3A_430 : i32 to vector<16xi32>
      %parallel_loop3A_432 = arith.andi %parallel_loop3A_429, %parallel_loop3A_431 : vector<16xi32>
      %parallel_loop3A_433 = tpu.bitcast %parallel_loop3A_432 : vector<16xi32> -> vector<16xf32>
      %parallel_loop3A_434 = arith.constant 15246 : i32
      %parallel_loop3A_435 = vector.broadcast %parallel_loop3A_434 : i32 to vector<16xi32>
      %parallel_loop3A_436 = arith.addi %parallel_loop3A_96, %parallel_loop3A_435 : vector<16xi32>
      %parallel_loop3A_437 = tpu.vector_load_idx %arg9[%parallel_loop3A_436] : memref<26136xf32, #tpu.memory_space<vmem>>[vector<16xi32>], vector<16xf32>,
      %parallel_loop3A_438 = tpu.bitcast %parallel_loop3A_437 : vector<16xf32> -> vector<16xi32>
      %parallel_loop3A_439 = arith.constant 16 : i32
      %parallel_loop3A_440 = vector.broadcast %parallel_loop3A_439 : i32 to vector<16xi32>
      %parallel_loop3A_441 = arith.shrui %parallel_loop3A_438, %parallel_loop3A_440 : vector<16xi32>
      %parallel_loop3A_442 = arith.constant 1 : i32
      %parallel_loop3A_443 = vector.broadcast %parallel_loop3A_442 : i32 to vector<16xi32>
      %parallel_loop3A_444 = arith.andi %parallel_loop3A_441, %parallel_loop3A_443 : vector<16xi32>
      %parallel_loop3A_445 = arith.constant 32767 : i32
      %parallel_loop3A_446 = vector.broadcast %parallel_loop3A_445 : i32 to vector<16xi32>
      %parallel_loop3A_447 = arith.addi %parallel_loop3A_438, %parallel_loop3A_446 : vector<16xi32>
      %parallel_loop3A_448 = arith.addi %parallel_loop3A_447, %parallel_loop3A_444 : vector<16xi32>
      %parallel_loop3A_449 = arith.constant -65536 : i32
      %parallel_loop3A_450 = vector.broadcast %parallel_loop3A_449 : i32 to vector<16xi32>
      %parallel_loop3A_451 = arith.andi %parallel_loop3A_448, %parallel_loop3A_450 : vector<16xi32>
      %parallel_loop3A_452 = tpu.bitcast %parallel_loop3A_451 : vector<16xi32> -> vector<16xf32>
      %parallel_loop3A_453 = arith.constant 16335 : i32
      %parallel_loop3A_454 = vector.broadcast %parallel_loop3A_453 : i32 to vector<16xi32>
      %parallel_loop3A_455 = arith.addi %parallel_loop3A_96, %parallel_loop3A_454 : vector<16xi32>
      %parallel_loop3A_456 = tpu.vector_load_idx %arg9[%parallel_loop3A_455] : memref<26136xf32, #tpu.memory_space<vmem>>[vector<16xi32>], vector<16xf32>,
      %parallel_loop3A_457 = tpu.bitcast %parallel_loop3A_456 : vector<16xf32> -> vector<16xi32>
      %parallel_loop3A_458 = arith.constant 16 : i32
      %parallel_loop3A_459 = vector.broadcast %parallel_loop3A_458 : i32 to vector<16xi32>
      %parallel_loop3A_460 = arith.shrui %parallel_loop3A_457, %parallel_loop3A_459 : vector<16xi32>
      %parallel_loop3A_461 = arith.constant 1 : i32
      %parallel_loop3A_462 = vector.broadcast %parallel_loop3A_461 : i32 to vector<16xi32>
      %parallel_loop3A_463 = arith.andi %parallel_loop3A_460, %parallel_loop3A_462 : vector<16xi32>
      %parallel_loop3A_464 = arith.constant 32767 : i32
      %parallel_loop3A_465 = vector.broadcast %parallel_loop3A_464 : i32 to vector<16xi32>
      %parallel_loop3A_466 = arith.addi %parallel_loop3A_457, %parallel_loop3A_465 : vector<16xi32>
      %parallel_loop3A_467 = arith.addi %parallel_loop3A_466, %parallel_loop3A_463 : vector<16xi32>
      %parallel_loop3A_468 = arith.constant -65536 : i32
      %parallel_loop3A_469 = vector.broadcast %parallel_loop3A_468 : i32 to vector<16xi32>
      %parallel_loop3A_470 = arith.andi %parallel_loop3A_467, %parallel_loop3A_469 : vector<16xi32>
      %parallel_loop3A_471 = tpu.bitcast %parallel_loop3A_470 : vector<16xi32> -> vector<16xf32>
      %parallel_loop3A_472 = arith.constant 6534 : i32
      %parallel_loop3A_473 = vector.broadcast %parallel_loop3A_472 : i32 to vector<16xi32>
      %parallel_loop3A_474 = arith.addi %parallel_loop3A_96, %parallel_loop3A_473 : vector<16xi32>
      %parallel_loop3A_475 = tpu.vector_load_idx %arg10[%parallel_loop3A_474] : memref<13068xf32, #tpu.memory_space<vmem>>[vector<16xi32>], vector<16xf32>,
      %parallel_loop3A_476 = arith.constant 7623 : i32
      %parallel_loop3A_477 = vector.broadcast %parallel_loop3A_476 : i32 to vector<16xi32>
      %parallel_loop3A_478 = arith.addi %parallel_loop3A_96, %parallel_loop3A_477 : vector<16xi32>
      %parallel_loop3A_479 = tpu.vector_load_idx %arg10[%parallel_loop3A_478] : memref<13068xf32, #tpu.memory_space<vmem>>[vector<16xi32>], vector<16xf32>,
      %parallel_loop3A_480 = arith.mulf %parallel_loop3A_58, %parallel_loop3A_414 : vector<16xf32>
      %parallel_loop3A_481 = arith.mulf %parallel_loop3A_73, %parallel_loop3A_452 : vector<16xf32>
      %parallel_loop3A_482 = arith.addf %parallel_loop3A_480, %parallel_loop3A_481 : vector<16xf32>
      %parallel_loop3A_483 = arith.addf %parallel_loop3A_482, %parallel_loop3A_475 : vector<16xf32>
      %parallel_loop3A_484 = arith.mulf %parallel_loop3A_58, %parallel_loop3A_433 : vector<16xf32>
      %parallel_loop3A_485 = arith.mulf %parallel_loop3A_73, %parallel_loop3A_471 : vector<16xf32>
      %parallel_loop3A_486 = arith.addf %parallel_loop3A_484, %parallel_loop3A_485 : vector<16xf32>
      %parallel_loop3A_487 = arith.addf %parallel_loop3A_486, %parallel_loop3A_479 : vector<16xf32>
      %parallel_loop3A_488 = arith.addf %parallel_loop3A_483, %parallel_loop3A_487 : vector<16xf32>
      %parallel_loop3A_489 = arith.constant 1.000000e+00 : f32
      %parallel_loop3A_490 = vector.broadcast %parallel_loop3A_489 : f32 to vector<16xf32>
      %parallel_loop3A_491 = arith.subf %parallel_loop3A_490, %parallel_loop3A_488 : vector<16xf32>
      %parallel_loop3A_492 = arith.constant 0.000000e+00 : f32
      %parallel_loop3A_493 = vector.broadcast %parallel_loop3A_492 : f32 to vector<16xf32>
      %parallel_loop3A_494 = arith.maximumf %parallel_loop3A_491, %parallel_loop3A_493 : vector<16xf32>
      %parallel_loop3A_495 = arith.minimumf %parallel_loop3A_395, %parallel_loop3A_494 : vector<16xf32>
      %parallel_loop3A_496 = arith.constant 17424 : i32
      %parallel_loop3A_497 = vector.broadcast %parallel_loop3A_496 : i32 to vector<16xi32>
      %parallel_loop3A_498 = arith.addi %parallel_loop3A_96, %parallel_loop3A_497 : vector<16xi32>
      %parallel_loop3A_499 = tpu.vector_load_idx %arg9[%parallel_loop3A_498] : memref<26136xf32, #tpu.memory_space<vmem>>[vector<16xi32>], vector<16xf32>,
      %parallel_loop3A_500 = tpu.bitcast %parallel_loop3A_499 : vector<16xf32> -> vector<16xi32>
      %parallel_loop3A_501 = arith.constant 16 : i32
      %parallel_loop3A_502 = vector.broadcast %parallel_loop3A_501 : i32 to vector<16xi32>
      %parallel_loop3A_503 = arith.shrui %parallel_loop3A_500, %parallel_loop3A_502 : vector<16xi32>
      %parallel_loop3A_504 = arith.constant 1 : i32
      %parallel_loop3A_505 = vector.broadcast %parallel_loop3A_504 : i32 to vector<16xi32>
      %parallel_loop3A_506 = arith.andi %parallel_loop3A_503, %parallel_loop3A_505 : vector<16xi32>
      %parallel_loop3A_507 = arith.constant 32767 : i32
      %parallel_loop3A_508 = vector.broadcast %parallel_loop3A_507 : i32 to vector<16xi32>
      %parallel_loop3A_509 = arith.addi %parallel_loop3A_500, %parallel_loop3A_508 : vector<16xi32>
      %parallel_loop3A_510 = arith.addi %parallel_loop3A_509, %parallel_loop3A_506 : vector<16xi32>
      %parallel_loop3A_511 = arith.constant -65536 : i32
      %parallel_loop3A_512 = vector.broadcast %parallel_loop3A_511 : i32 to vector<16xi32>
      %parallel_loop3A_513 = arith.andi %parallel_loop3A_510, %parallel_loop3A_512 : vector<16xi32>
      %parallel_loop3A_514 = tpu.bitcast %parallel_loop3A_513 : vector<16xi32> -> vector<16xf32>
      %parallel_loop3A_515 = arith.constant 18513 : i32
      %parallel_loop3A_516 = vector.broadcast %parallel_loop3A_515 : i32 to vector<16xi32>
      %parallel_loop3A_517 = arith.addi %parallel_loop3A_96, %parallel_loop3A_516 : vector<16xi32>
      %parallel_loop3A_518 = tpu.vector_load_idx %arg9[%parallel_loop3A_517] : memref<26136xf32, #tpu.memory_space<vmem>>[vector<16xi32>], vector<16xf32>,
      %parallel_loop3A_519 = tpu.bitcast %parallel_loop3A_518 : vector<16xf32> -> vector<16xi32>
      %parallel_loop3A_520 = arith.constant 16 : i32
      %parallel_loop3A_521 = vector.broadcast %parallel_loop3A_520 : i32 to vector<16xi32>
      %parallel_loop3A_522 = arith.shrui %parallel_loop3A_519, %parallel_loop3A_521 : vector<16xi32>
      %parallel_loop3A_523 = arith.constant 1 : i32
      %parallel_loop3A_524 = vector.broadcast %parallel_loop3A_523 : i32 to vector<16xi32>
      %parallel_loop3A_525 = arith.andi %parallel_loop3A_522, %parallel_loop3A_524 : vector<16xi32>
      %parallel_loop3A_526 = arith.constant 32767 : i32
      %parallel_loop3A_527 = vector.broadcast %parallel_loop3A_526 : i32 to vector<16xi32>
      %parallel_loop3A_528 = arith.addi %parallel_loop3A_519, %parallel_loop3A_527 : vector<16xi32>
      %parallel_loop3A_529 = arith.addi %parallel_loop3A_528, %parallel_loop3A_525 : vector<16xi32>
      %parallel_loop3A_530 = arith.constant -65536 : i32
      %parallel_loop3A_531 = vector.broadcast %parallel_loop3A_530 : i32 to vector<16xi32>
      %parallel_loop3A_532 = arith.andi %parallel_loop3A_529, %parallel_loop3A_531 : vector<16xi32>
      %parallel_loop3A_533 = tpu.bitcast %parallel_loop3A_532 : vector<16xi32> -> vector<16xf32>
      %parallel_loop3A_534 = arith.constant 19602 : i32
      %parallel_loop3A_535 = vector.broadcast %parallel_loop3A_534 : i32 to vector<16xi32>
      %parallel_loop3A_536 = arith.addi %parallel_loop3A_96, %parallel_loop3A_535 : vector<16xi32>
      %parallel_loop3A_537 = tpu.vector_load_idx %arg9[%parallel_loop3A_536] : memref<26136xf32, #tpu.memory_space<vmem>>[vector<16xi32>], vector<16xf32>,
      %parallel_loop3A_538 = tpu.bitcast %parallel_loop3A_537 : vector<16xf32> -> vector<16xi32>
      %parallel_loop3A_539 = arith.constant 16 : i32
      %parallel_loop3A_540 = vector.broadcast %parallel_loop3A_539 : i32 to vector<16xi32>
      %parallel_loop3A_541 = arith.shrui %parallel_loop3A_538, %parallel_loop3A_540 : vector<16xi32>
      %parallel_loop3A_542 = arith.constant 1 : i32
      %parallel_loop3A_543 = vector.broadcast %parallel_loop3A_542 : i32 to vector<16xi32>
      %parallel_loop3A_544 = arith.andi %parallel_loop3A_541, %parallel_loop3A_543 : vector<16xi32>
      %parallel_loop3A_545 = arith.constant 32767 : i32
      %parallel_loop3A_546 = vector.broadcast %parallel_loop3A_545 : i32 to vector<16xi32>
      %parallel_loop3A_547 = arith.addi %parallel_loop3A_538, %parallel_loop3A_546 : vector<16xi32>
      %parallel_loop3A_548 = arith.addi %parallel_loop3A_547, %parallel_loop3A_544 : vector<16xi32>
      %parallel_loop3A_549 = arith.constant -65536 : i32
      %parallel_loop3A_550 = vector.broadcast %parallel_loop3A_549 : i32 to vector<16xi32>
      %parallel_loop3A_551 = arith.andi %parallel_loop3A_548, %parallel_loop3A_550 : vector<16xi32>
      %parallel_loop3A_552 = tpu.bitcast %parallel_loop3A_551 : vector<16xi32> -> vector<16xf32>
      %parallel_loop3A_553 = arith.constant 20691 : i32
      %parallel_loop3A_554 = vector.broadcast %parallel_loop3A_553 : i32 to vector<16xi32>
      %parallel_loop3A_555 = arith.addi %parallel_loop3A_96, %parallel_loop3A_554 : vector<16xi32>
      %parallel_loop3A_556 = tpu.vector_load_idx %arg9[%parallel_loop3A_555] : memref<26136xf32, #tpu.memory_space<vmem>>[vector<16xi32>], vector<16xf32>,
      %parallel_loop3A_557 = tpu.bitcast %parallel_loop3A_556 : vector<16xf32> -> vector<16xi32>
      %parallel_loop3A_558 = arith.constant 16 : i32
      %parallel_loop3A_559 = vector.broadcast %parallel_loop3A_558 : i32 to vector<16xi32>
      %parallel_loop3A_560 = arith.shrui %parallel_loop3A_557, %parallel_loop3A_559 : vector<16xi32>
      %parallel_loop3A_561 = arith.constant 1 : i32
      %parallel_loop3A_562 = vector.broadcast %parallel_loop3A_561 : i32 to vector<16xi32>
      %parallel_loop3A_563 = arith.andi %parallel_loop3A_560, %parallel_loop3A_562 : vector<16xi32>
      %parallel_loop3A_564 = arith.constant 32767 : i32
      %parallel_loop3A_565 = vector.broadcast %parallel_loop3A_564 : i32 to vector<16xi32>
      %parallel_loop3A_566 = arith.addi %parallel_loop3A_557, %parallel_loop3A_565 : vector<16xi32>
      %parallel_loop3A_567 = arith.addi %parallel_loop3A_566, %parallel_loop3A_563 : vector<16xi32>
      %parallel_loop3A_568 = arith.constant -65536 : i32
      %parallel_loop3A_569 = vector.broadcast %parallel_loop3A_568 : i32 to vector<16xi32>
      %parallel_loop3A_570 = arith.andi %parallel_loop3A_567, %parallel_loop3A_569 : vector<16xi32>
      %parallel_loop3A_571 = tpu.bitcast %parallel_loop3A_570 : vector<16xi32> -> vector<16xf32>
      %parallel_loop3A_572 = arith.constant 8712 : i32
      %parallel_loop3A_573 = vector.broadcast %parallel_loop3A_572 : i32 to vector<16xi32>
      %parallel_loop3A_574 = arith.addi %parallel_loop3A_96, %parallel_loop3A_573 : vector<16xi32>
      %parallel_loop3A_575 = tpu.vector_load_idx %arg10[%parallel_loop3A_574] : memref<13068xf32, #tpu.memory_space<vmem>>[vector<16xi32>], vector<16xf32>,
      %parallel_loop3A_576 = arith.constant 9801 : i32
      %parallel_loop3A_577 = vector.broadcast %parallel_loop3A_576 : i32 to vector<16xi32>
      %parallel_loop3A_578 = arith.addi %parallel_loop3A_96, %parallel_loop3A_577 : vector<16xi32>
      %parallel_loop3A_579 = tpu.vector_load_idx %arg10[%parallel_loop3A_578] : memref<13068xf32, #tpu.memory_space<vmem>>[vector<16xi32>], vector<16xf32>,
      %parallel_loop3A_580 = arith.mulf %parallel_loop3A_58, %parallel_loop3A_514 : vector<16xf32>
      %parallel_loop3A_581 = arith.mulf %parallel_loop3A_73, %parallel_loop3A_552 : vector<16xf32>
      %parallel_loop3A_582 = arith.addf %parallel_loop3A_580, %parallel_loop3A_581 : vector<16xf32>
      %parallel_loop3A_583 = arith.addf %parallel_loop3A_582, %parallel_loop3A_575 : vector<16xf32>
      %parallel_loop3A_584 = arith.mulf %parallel_loop3A_58, %parallel_loop3A_533 : vector<16xf32>
      %parallel_loop3A_585 = arith.mulf %parallel_loop3A_73, %parallel_loop3A_571 : vector<16xf32>
      %parallel_loop3A_586 = arith.addf %parallel_loop3A_584, %parallel_loop3A_585 : vector<16xf32>
      %parallel_loop3A_587 = arith.addf %parallel_loop3A_586, %parallel_loop3A_579 : vector<16xf32>
      %parallel_loop3A_588 = arith.addf %parallel_loop3A_583, %parallel_loop3A_587 : vector<16xf32>
      %parallel_loop3A_589 = arith.constant 1.000000e+00 : f32
      %parallel_loop3A_590 = vector.broadcast %parallel_loop3A_589 : f32 to vector<16xf32>
      %parallel_loop3A_591 = arith.subf %parallel_loop3A_590, %parallel_loop3A_588 : vector<16xf32>
      %parallel_loop3A_592 = arith.constant 0.000000e+00 : f32
      %parallel_loop3A_593 = vector.broadcast %parallel_loop3A_592 : f32 to vector<16xf32>
      %parallel_loop3A_594 = arith.maximumf %parallel_loop3A_591, %parallel_loop3A_593 : vector<16xf32>
      %parallel_loop3A_595 = arith.minimumf %parallel_loop3A_495, %parallel_loop3A_594 : vector<16xf32>
      %parallel_loop3A_596 = arith.constant 21780 : i32
      %parallel_loop3A_597 = vector.broadcast %parallel_loop3A_596 : i32 to vector<16xi32>
      %parallel_loop3A_598 = arith.addi %parallel_loop3A_96, %parallel_loop3A_597 : vector<16xi32>
      %parallel_loop3A_599 = tpu.vector_load_idx %arg9[%parallel_loop3A_598] : memref<26136xf32, #tpu.memory_space<vmem>>[vector<16xi32>], vector<16xf32>,
      %parallel_loop3A_600 = tpu.bitcast %parallel_loop3A_599 : vector<16xf32> -> vector<16xi32>
      %parallel_loop3A_601 = arith.constant 16 : i32
      %parallel_loop3A_602 = vector.broadcast %parallel_loop3A_601 : i32 to vector<16xi32>
      %parallel_loop3A_603 = arith.shrui %parallel_loop3A_600, %parallel_loop3A_602 : vector<16xi32>
      %parallel_loop3A_604 = arith.constant 1 : i32
      %parallel_loop3A_605 = vector.broadcast %parallel_loop3A_604 : i32 to vector<16xi32>
      %parallel_loop3A_606 = arith.andi %parallel_loop3A_603, %parallel_loop3A_605 : vector<16xi32>
      %parallel_loop3A_607 = arith.constant 32767 : i32
      %parallel_loop3A_608 = vector.broadcast %parallel_loop3A_607 : i32 to vector<16xi32>
      %parallel_loop3A_609 = arith.addi %parallel_loop3A_600, %parallel_loop3A_608 : vector<16xi32>
      %parallel_loop3A_610 = arith.addi %parallel_loop3A_609, %parallel_loop3A_606 : vector<16xi32>
      %parallel_loop3A_611 = arith.constant -65536 : i32
      %parallel_loop3A_612 = vector.broadcast %parallel_loop3A_611 : i32 to vector<16xi32>
      %parallel_loop3A_613 = arith.andi %parallel_loop3A_610, %parallel_loop3A_612 : vector<16xi32>
      %parallel_loop3A_614 = tpu.bitcast %parallel_loop3A_613 : vector<16xi32> -> vector<16xf32>
      %parallel_loop3A_615 = arith.constant 22869 : i32
      %parallel_loop3A_616 = vector.broadcast %parallel_loop3A_615 : i32 to vector<16xi32>
      %parallel_loop3A_617 = arith.addi %parallel_loop3A_96, %parallel_loop3A_616 : vector<16xi32>
      %parallel_loop3A_618 = tpu.vector_load_idx %arg9[%parallel_loop3A_617] : memref<26136xf32, #tpu.memory_space<vmem>>[vector<16xi32>], vector<16xf32>,
      %parallel_loop3A_619 = tpu.bitcast %parallel_loop3A_618 : vector<16xf32> -> vector<16xi32>
      %parallel_loop3A_620 = arith.constant 16 : i32
      %parallel_loop3A_621 = vector.broadcast %parallel_loop3A_620 : i32 to vector<16xi32>
      %parallel_loop3A_622 = arith.shrui %parallel_loop3A_619, %parallel_loop3A_621 : vector<16xi32>
      %parallel_loop3A_623 = arith.constant 1 : i32
      %parallel_loop3A_624 = vector.broadcast %parallel_loop3A_623 : i32 to vector<16xi32>
      %parallel_loop3A_625 = arith.andi %parallel_loop3A_622, %parallel_loop3A_624 : vector<16xi32>
      %parallel_loop3A_626 = arith.constant 32767 : i32
      %parallel_loop3A_627 = vector.broadcast %parallel_loop3A_626 : i32 to vector<16xi32>
      %parallel_loop3A_628 = arith.addi %parallel_loop3A_619, %parallel_loop3A_627 : vector<16xi32>
      %parallel_loop3A_629 = arith.addi %parallel_loop3A_628, %parallel_loop3A_625 : vector<16xi32>
      %parallel_loop3A_630 = arith.constant -65536 : i32
      %parallel_loop3A_631 = vector.broadcast %parallel_loop3A_630 : i32 to vector<16xi32>
      %parallel_loop3A_632 = arith.andi %parallel_loop3A_629, %parallel_loop3A_631 : vector<16xi32>
      %parallel_loop3A_633 = tpu.bitcast %parallel_loop3A_632 : vector<16xi32> -> vector<16xf32>
      %parallel_loop3A_634 = arith.constant 23958 : i32
      %parallel_loop3A_635 = vector.broadcast %parallel_loop3A_634 : i32 to vector<16xi32>
      %parallel_loop3A_636 = arith.addi %parallel_loop3A_96, %parallel_loop3A_635 : vector<16xi32>
      %parallel_loop3A_637 = tpu.vector_load_idx %arg9[%parallel_loop3A_636] : memref<26136xf32, #tpu.memory_space<vmem>>[vector<16xi32>], vector<16xf32>,
      %parallel_loop3A_638 = tpu.bitcast %parallel_loop3A_637 : vector<16xf32> -> vector<16xi32>
      %parallel_loop3A_639 = arith.constant 16 : i32
      %parallel_loop3A_640 = vector.broadcast %parallel_loop3A_639 : i32 to vector<16xi32>
      %parallel_loop3A_641 = arith.shrui %parallel_loop3A_638, %parallel_loop3A_640 : vector<16xi32>
      %parallel_loop3A_642 = arith.constant 1 : i32
      %parallel_loop3A_643 = vector.broadcast %parallel_loop3A_642 : i32 to vector<16xi32>
      %parallel_loop3A_644 = arith.andi %parallel_loop3A_641, %parallel_loop3A_643 : vector<16xi32>
      %parallel_loop3A_645 = arith.constant 32767 : i32
      %parallel_loop3A_646 = vector.broadcast %parallel_loop3A_645 : i32 to vector<16xi32>
      %parallel_loop3A_647 = arith.addi %parallel_loop3A_638, %parallel_loop3A_646 : vector<16xi32>
      %parallel_loop3A_648 = arith.addi %parallel_loop3A_647, %parallel_loop3A_644 : vector<16xi32>
      %parallel_loop3A_649 = arith.constant -65536 : i32
      %parallel_loop3A_650 = vector.broadcast %parallel_loop3A_649 : i32 to vector<16xi32>
      %parallel_loop3A_651 = arith.andi %parallel_loop3A_648, %parallel_loop3A_650 : vector<16xi32>
      %parallel_loop3A_652 = tpu.bitcast %parallel_loop3A_651 : vector<16xi32> -> vector<16xf32>
      %parallel_loop3A_653 = arith.constant 25047 : i32
      %parallel_loop3A_654 = vector.broadcast %parallel_loop3A_653 : i32 to vector<16xi32>
      %parallel_loop3A_655 = arith.addi %parallel_loop3A_96, %parallel_loop3A_654 : vector<16xi32>
      %parallel_loop3A_656 = tpu.vector_load_idx %arg9[%parallel_loop3A_655] : memref<26136xf32, #tpu.memory_space<vmem>>[vector<16xi32>], vector<16xf32>,
      %parallel_loop3A_657 = tpu.bitcast %parallel_loop3A_656 : vector<16xf32> -> vector<16xi32>
      %parallel_loop3A_658 = arith.constant 16 : i32
      %parallel_loop3A_659 = vector.broadcast %parallel_loop3A_658 : i32 to vector<16xi32>
      %parallel_loop3A_660 = arith.shrui %parallel_loop3A_657, %parallel_loop3A_659 : vector<16xi32>
      %parallel_loop3A_661 = arith.constant 1 : i32
      %parallel_loop3A_662 = vector.broadcast %parallel_loop3A_661 : i32 to vector<16xi32>
      %parallel_loop3A_663 = arith.andi %parallel_loop3A_660, %parallel_loop3A_662 : vector<16xi32>
      %parallel_loop3A_664 = arith.constant 32767 : i32
      %parallel_loop3A_665 = vector.broadcast %parallel_loop3A_664 : i32 to vector<16xi32>
      %parallel_loop3A_666 = arith.addi %parallel_loop3A_657, %parallel_loop3A_665 : vector<16xi32>
      %parallel_loop3A_667 = arith.addi %parallel_loop3A_666, %parallel_loop3A_663 : vector<16xi32>
      %parallel_loop3A_668 = arith.constant -65536 : i32
      %parallel_loop3A_669 = vector.broadcast %parallel_loop3A_668 : i32 to vector<16xi32>
      %parallel_loop3A_670 = arith.andi %parallel_loop3A_667, %parallel_loop3A_669 : vector<16xi32>
      %parallel_loop3A_671 = tpu.bitcast %parallel_loop3A_670 : vector<16xi32> -> vector<16xf32>
      %parallel_loop3A_672 = arith.constant 10890 : i32
      %parallel_loop3A_673 = vector.broadcast %parallel_loop3A_672 : i32 to vector<16xi32>
      %parallel_loop3A_674 = arith.addi %parallel_loop3A_96, %parallel_loop3A_673 : vector<16xi32>
      %parallel_loop3A_675 = tpu.vector_load_idx %arg10[%parallel_loop3A_674] : memref<13068xf32, #tpu.memory_space<vmem>>[vector<16xi32>], vector<16xf32>,
      %parallel_loop3A_676 = arith.constant 11979 : i32
      %parallel_loop3A_677 = vector.broadcast %parallel_loop3A_676 : i32 to vector<16xi32>
      %parallel_loop3A_678 = arith.addi %parallel_loop3A_96, %parallel_loop3A_677 : vector<16xi32>
      %parallel_loop3A_679 = tpu.vector_load_idx %arg10[%parallel_loop3A_678] : memref<13068xf32, #tpu.memory_space<vmem>>[vector<16xi32>], vector<16xf32>,
      %parallel_loop3A_680 = arith.mulf %parallel_loop3A_58, %parallel_loop3A_614 : vector<16xf32>
      %parallel_loop3A_681 = arith.mulf %parallel_loop3A_73, %parallel_loop3A_652 : vector<16xf32>
      %parallel_loop3A_682 = arith.addf %parallel_loop3A_680, %parallel_loop3A_681 : vector<16xf32>
      %parallel_loop3A_683 = arith.addf %parallel_loop3A_682, %parallel_loop3A_675 : vector<16xf32>
      %parallel_loop3A_684 = arith.mulf %parallel_loop3A_58, %parallel_loop3A_633 : vector<16xf32>
      %parallel_loop3A_685 = arith.mulf %parallel_loop3A_73, %parallel_loop3A_671 : vector<16xf32>
      %parallel_loop3A_686 = arith.addf %parallel_loop3A_684, %parallel_loop3A_685 : vector<16xf32>
      %parallel_loop3A_687 = arith.addf %parallel_loop3A_686, %parallel_loop3A_679 : vector<16xf32>
      %parallel_loop3A_688 = arith.addf %parallel_loop3A_683, %parallel_loop3A_687 : vector<16xf32>
      %parallel_loop3A_689 = arith.constant 1.000000e+00 : f32
      %parallel_loop3A_690 = vector.broadcast %parallel_loop3A_689 : f32 to vector<16xf32>
      %parallel_loop3A_691 = arith.subf %parallel_loop3A_690, %parallel_loop3A_688 : vector<16xf32>
      %parallel_loop3A_692 = arith.constant 0.000000e+00 : f32
      %parallel_loop3A_693 = vector.broadcast %parallel_loop3A_692 : f32 to vector<16xf32>
      %parallel_loop3A_694 = arith.maximumf %parallel_loop3A_691, %parallel_loop3A_693 : vector<16xf32>
      %parallel_loop3A_695 = arith.minimumf %parallel_loop3A_595, %parallel_loop3A_694 : vector<16xf32>
      %parallel_loop3A_696 = tpu.vector_load_idx %arg11[%parallel_loop3A_96] : memref<1089xf32, #tpu.memory_space<vmem>>[vector<16xi32>], vector<16xf32>,
      %parallel_loop3A_697 = tpu.bitcast %parallel_loop3A_696 : vector<16xf32> -> vector<16xi32>
      %parallel_loop3A_698 = arith.constant 16 : i32
      %parallel_loop3A_699 = vector.broadcast %parallel_loop3A_698 : i32 to vector<16xi32>
      %parallel_loop3A_700 = arith.shrui %parallel_loop3A_697, %parallel_loop3A_699 : vector<16xi32>
      %parallel_loop3A_701 = arith.constant 1 : i32
      %parallel_loop3A_702 = vector.broadcast %parallel_loop3A_701 : i32 to vector<16xi32>
      %parallel_loop3A_703 = arith.andi %parallel_loop3A_700, %parallel_loop3A_702 : vector<16xi32>
      %parallel_loop3A_704 = arith.constant 32767 : i32
      %parallel_loop3A_705 = vector.broadcast %parallel_loop3A_704 : i32 to vector<16xi32>
      %parallel_loop3A_706 = arith.addi %parallel_loop3A_697, %parallel_loop3A_705 : vector<16xi32>
      %parallel_loop3A_707 = arith.addi %parallel_loop3A_706, %parallel_loop3A_703 : vector<16xi32>
      %parallel_loop3A_708 = arith.constant -65536 : i32
      %parallel_loop3A_709 = vector.broadcast %parallel_loop3A_708 : i32 to vector<16xi32>
      %parallel_loop3A_710 = arith.andi %parallel_loop3A_707, %parallel_loop3A_709 : vector<16xi32>
      %parallel_loop3A_711 = tpu.bitcast %parallel_loop3A_710 : vector<16xi32> -> vector<16xf32>
      %parallel_loop3A_712 = tpu.bitcast %parallel_loop3A_695 : vector<16xf32> -> vector<16xi32>
      %parallel_loop3A_713 = arith.constant 16 : i32
      %parallel_loop3A_714 = vector.broadcast %parallel_loop3A_713 : i32 to vector<16xi32>
      %parallel_loop3A_715 = arith.shrui %parallel_loop3A_712, %parallel_loop3A_714 : vector<16xi32>
      %parallel_loop3A_716 = arith.constant 1 : i32
      %parallel_loop3A_717 = vector.broadcast %parallel_loop3A_716 : i32 to vector<16xi32>
      %parallel_loop3A_718 = arith.andi %parallel_loop3A_715, %parallel_loop3A_717 : vector<16xi32>
      %parallel_loop3A_719 = arith.constant 32767 : i32
      %parallel_loop3A_720 = vector.broadcast %parallel_loop3A_719 : i32 to vector<16xi32>
      %parallel_loop3A_721 = arith.addi %parallel_loop3A_712, %parallel_loop3A_720 : vector<16xi32>
      %parallel_loop3A_722 = arith.addi %parallel_loop3A_721, %parallel_loop3A_718 : vector<16xi32>
      %parallel_loop3A_723 = arith.constant -65536 : i32
      %parallel_loop3A_724 = vector.broadcast %parallel_loop3A_723 : i32 to vector<16xi32>
      %parallel_loop3A_725 = arith.andi %parallel_loop3A_722, %parallel_loop3A_724 : vector<16xi32>
      %parallel_loop3A_726 = tpu.bitcast %parallel_loop3A_725 : vector<16xi32> -> vector<16xf32>
      %parallel_loop3A_727 = arith.mulf %parallel_loop3A_726, %parallel_loop3A_711 : vector<16xf32>
      %parallel_loop3A_728 = arith.addf %parallel_loop3A_93, %parallel_loop3A_727 : vector<16xf32>
      %parallel_loop3A_729 = arith.constant 1 : i32
      %parallel_loop3A_730 = vector.broadcast %parallel_loop3A_729 : i32 to vector<16xi32>
      %parallel_loop3A_731 = arith.addi %parallel_loop3A_91, %parallel_loop3A_730 : vector<16xi32>
      %parallel_loop3A_732 = arith.constant 0 : i32
      %parallel_loop3A_733 = vector.broadcast %parallel_loop3A_732 : i32 to vector<16xi32>
      %parallel_loop3A_734 = arith.addi %parallel_loop3A_731, %parallel_loop3A_733 : vector<16xi32>
      %parallel_loop3A_735 = tpu.vector_load_idx %arg9[%parallel_loop3A_734] : memref<26136xf32, #tpu.memory_space<vmem>>[vector<16xi32>], vector<16xf32>,
      %parallel_loop3A_736 = tpu.bitcast %parallel_loop3A_735 : vector<16xf32> -> vector<16xi32>
      %parallel_loop3A_737 = arith.constant 16 : i32
      %parallel_loop3A_738 = vector.broadcast %parallel_loop3A_737 : i32 to vector<16xi32>
      %parallel_loop3A_739 = arith.shrui %parallel_loop3A_736, %parallel_loop3A_738 : vector<16xi32>
      %parallel_loop3A_740 = arith.constant 1 : i32
      %parallel_loop3A_741 = vector.broadcast %parallel_loop3A_740 : i32 to vector<16xi32>
      %parallel_loop3A_742 = arith.andi %parallel_loop3A_739, %parallel_loop3A_741 : vector<16xi32>
      %parallel_loop3A_743 = arith.constant 32767 : i32
      %parallel_loop3A_744 = vector.broadcast %parallel_loop3A_743 : i32 to vector<16xi32>
      %parallel_loop3A_745 = arith.addi %parallel_loop3A_736, %parallel_loop3A_744 : vector<16xi32>
      %parallel_loop3A_746 = arith.addi %parallel_loop3A_745, %parallel_loop3A_742 : vector<16xi32>
      %parallel_loop3A_747 = arith.constant -65536 : i32
      %parallel_loop3A_748 = vector.broadcast %parallel_loop3A_747 : i32 to vector<16xi32>
      %parallel_loop3A_749 = arith.andi %parallel_loop3A_746, %parallel_loop3A_748 : vector<16xi32>
      %parallel_loop3A_750 = tpu.bitcast %parallel_loop3A_749 : vector<16xi32> -> vector<16xf32>
      %parallel_loop3A_751 = arith.constant 1089 : i32
      %parallel_loop3A_752 = vector.broadcast %parallel_loop3A_751 : i32 to vector<16xi32>
      %parallel_loop3A_753 = arith.addi %parallel_loop3A_731, %parallel_loop3A_752 : vector<16xi32>
      %parallel_loop3A_754 = tpu.vector_load_idx %arg9[%parallel_loop3A_753] : memref<26136xf32, #tpu.memory_space<vmem>>[vector<16xi32>], vector<16xf32>,
      %parallel_loop3A_755 = tpu.bitcast %parallel_loop3A_754 : vector<16xf32> -> vector<16xi32>
      %parallel_loop3A_756 = arith.constant 16 : i32
      %parallel_loop3A_757 = vector.broadcast %parallel_loop3A_756 : i32 to vector<16xi32>
      %parallel_loop3A_758 = arith.shrui %parallel_loop3A_755, %parallel_loop3A_757 : vector<16xi32>
      %parallel_loop3A_759 = arith.constant 1 : i32
      %parallel_loop3A_760 = vector.broadcast %parallel_loop3A_759 : i32 to vector<16xi32>
      %parallel_loop3A_761 = arith.andi %parallel_loop3A_758, %parallel_loop3A_760 : vector<16xi32>
      %parallel_loop3A_762 = arith.constant 32767 : i32
      %parallel_loop3A_763 = vector.broadcast %parallel_loop3A_762 : i32 to vector<16xi32>
      %parallel_loop3A_764 = arith.addi %parallel_loop3A_755, %parallel_loop3A_763 : vector<16xi32>
      %parallel_loop3A_765 = arith.addi %parallel_loop3A_764, %parallel_loop3A_761 : vector<16xi32>
      %parallel_loop3A_766 = arith.constant -65536 : i32
      %parallel_loop3A_767 = vector.broadcast %parallel_loop3A_766 : i32 to vector<16xi32>
      %parallel_loop3A_768 = arith.andi %parallel_loop3A_765, %parallel_loop3A_767 : vector<16xi32>
      %parallel_loop3A_769 = tpu.bitcast %parallel_loop3A_768 : vector<16xi32> -> vector<16xf32>
      %parallel_loop3A_770 = arith.constant 2178 : i32
      %parallel_loop3A_771 = vector.broadcast %parallel_loop3A_770 : i32 to vector<16xi32>
      %parallel_loop3A_772 = arith.addi %parallel_loop3A_731, %parallel_loop3A_771 : vector<16xi32>
      %parallel_loop3A_773 = tpu.vector_load_idx %arg9[%parallel_loop3A_772] : memref<26136xf32, #tpu.memory_space<vmem>>[vector<16xi32>], vector<16xf32>,
      %parallel_loop3A_774 = tpu.bitcast %parallel_loop3A_773 : vector<16xf32> -> vector<16xi32>
      %parallel_loop3A_775 = arith.constant 16 : i32
      %parallel_loop3A_776 = vector.broadcast %parallel_loop3A_775 : i32 to vector<16xi32>
      %parallel_loop3A_777 = arith.shrui %parallel_loop3A_774, %parallel_loop3A_776 : vector<16xi32>
      %parallel_loop3A_778 = arith.constant 1 : i32
      %parallel_loop3A_779 = vector.broadcast %parallel_loop3A_778 : i32 to vector<16xi32>
      %parallel_loop3A_780 = arith.andi %parallel_loop3A_777, %parallel_loop3A_779 : vector<16xi32>
      %parallel_loop3A_781 = arith.constant 32767 : i32
      %parallel_loop3A_782 = vector.broadcast %parallel_loop3A_781 : i32 to vector<16xi32>
      %parallel_loop3A_783 = arith.addi %parallel_loop3A_774, %parallel_loop3A_782 : vector<16xi32>
      %parallel_loop3A_784 = arith.addi %parallel_loop3A_783, %parallel_loop3A_780 : vector<16xi32>
      %parallel_loop3A_785 = arith.constant -65536 : i32
      %parallel_loop3A_786 = vector.broadcast %parallel_loop3A_785 : i32 to vector<16xi32>
      %parallel_loop3A_787 = arith.andi %parallel_loop3A_784, %parallel_loop3A_786 : vector<16xi32>
      %parallel_loop3A_788 = tpu.bitcast %parallel_loop3A_787 : vector<16xi32> -> vector<16xf32>
      %parallel_loop3A_789 = arith.constant 3267 : i32
      %parallel_loop3A_790 = vector.broadcast %parallel_loop3A_789 : i32 to vector<16xi32>
      %parallel_loop3A_791 = arith.addi %parallel_loop3A_731, %parallel_loop3A_790 : vector<16xi32>
      %parallel_loop3A_792 = tpu.vector_load_idx %arg9[%parallel_loop3A_791] : memref<26136xf32, #tpu.memory_space<vmem>>[vector<16xi32>], vector<16xf32>,
      %parallel_loop3A_793 = tpu.bitcast %parallel_loop3A_792 : vector<16xf32> -> vector<16xi32>
      %parallel_loop3A_794 = arith.constant 16 : i32
      %parallel_loop3A_795 = vector.broadcast %parallel_loop3A_794 : i32 to vector<16xi32>
      %parallel_loop3A_796 = arith.shrui %parallel_loop3A_793, %parallel_loop3A_795 : vector<16xi32>
      %parallel_loop3A_797 = arith.constant 1 : i32
      %parallel_loop3A_798 = vector.broadcast %parallel_loop3A_797 : i32 to vector<16xi32>
      %parallel_loop3A_799 = arith.andi %parallel_loop3A_796, %parallel_loop3A_798 : vector<16xi32>
      %parallel_loop3A_800 = arith.constant 32767 : i32
      %parallel_loop3A_801 = vector.broadcast %parallel_loop3A_800 : i32 to vector<16xi32>
      %parallel_loop3A_802 = arith.addi %parallel_loop3A_793, %parallel_loop3A_801 : vector<16xi32>
      %parallel_loop3A_803 = arith.addi %parallel_loop3A_802, %parallel_loop3A_799 : vector<16xi32>
      %parallel_loop3A_804 = arith.constant -65536 : i32
      %parallel_loop3A_805 = vector.broadcast %parallel_loop3A_804 : i32 to vector<16xi32>
      %parallel_loop3A_806 = arith.andi %parallel_loop3A_803, %parallel_loop3A_805 : vector<16xi32>
      %parallel_loop3A_807 = tpu.bitcast %parallel_loop3A_806 : vector<16xi32> -> vector<16xf32>
      %parallel_loop3A_808 = arith.constant 0 : i32
      %parallel_loop3A_809 = vector.broadcast %parallel_loop3A_808 : i32 to vector<16xi32>
      %parallel_loop3A_810 = arith.addi %parallel_loop3A_731, %parallel_loop3A_809 : vector<16xi32>
      %parallel_loop3A_811 = tpu.vector_load_idx %arg10[%parallel_loop3A_810] : memref<13068xf32, #tpu.memory_space<vmem>>[vector<16xi32>], vector<16xf32>,
      %parallel_loop3A_812 = arith.constant 1089 : i32
      %parallel_loop3A_813 = vector.broadcast %parallel_loop3A_812 : i32 to vector<16xi32>
      %parallel_loop3A_814 = arith.addi %parallel_loop3A_731, %parallel_loop3A_813 : vector<16xi32>
      %parallel_loop3A_815 = tpu.vector_load_idx %arg10[%parallel_loop3A_814] : memref<13068xf32, #tpu.memory_space<vmem>>[vector<16xi32>], vector<16xf32>,
      %parallel_loop3A_816 = arith.mulf %parallel_loop3A_58, %parallel_loop3A_750 : vector<16xf32>
      %parallel_loop3A_817 = arith.mulf %parallel_loop3A_73, %parallel_loop3A_788 : vector<16xf32>
      %parallel_loop3A_818 = arith.addf %parallel_loop3A_816, %parallel_loop3A_817 : vector<16xf32>
      %parallel_loop3A_819 = arith.addf %parallel_loop3A_818, %parallel_loop3A_811 : vector<16xf32>
      %parallel_loop3A_820 = arith.mulf %parallel_loop3A_58, %parallel_loop3A_769 : vector<16xf32>
      %parallel_loop3A_821 = arith.mulf %parallel_loop3A_73, %parallel_loop3A_807 : vector<16xf32>
      %parallel_loop3A_822 = arith.addf %parallel_loop3A_820, %parallel_loop3A_821 : vector<16xf32>
      %parallel_loop3A_823 = arith.addf %parallel_loop3A_822, %parallel_loop3A_815 : vector<16xf32>
      %parallel_loop3A_824 = arith.addf %parallel_loop3A_819, %parallel_loop3A_823 : vector<16xf32>
      %parallel_loop3A_825 = arith.constant 1.000000e+00 : f32
      %parallel_loop3A_826 = vector.broadcast %parallel_loop3A_825 : f32 to vector<16xf32>
      %parallel_loop3A_827 = arith.subf %parallel_loop3A_826, %parallel_loop3A_824 : vector<16xf32>
      %parallel_loop3A_828 = arith.constant 0.000000e+00 : f32
      %parallel_loop3A_829 = vector.broadcast %parallel_loop3A_828 : f32 to vector<16xf32>
      %parallel_loop3A_830 = arith.maximumf %parallel_loop3A_827, %parallel_loop3A_829 : vector<16xf32>
      %parallel_loop3A_831 = arith.constant 4356 : i32
      %parallel_loop3A_832 = vector.broadcast %parallel_loop3A_831 : i32 to vector<16xi32>
      %parallel_loop3A_833 = arith.addi %parallel_loop3A_731, %parallel_loop3A_832 : vector<16xi32>
      %parallel_loop3A_834 = tpu.vector_load_idx %arg9[%parallel_loop3A_833] : memref<26136xf32, #tpu.memory_space<vmem>>[vector<16xi32>], vector<16xf32>,
      %parallel_loop3A_835 = tpu.bitcast %parallel_loop3A_834 : vector<16xf32> -> vector<16xi32>
      %parallel_loop3A_836 = arith.constant 16 : i32
      %parallel_loop3A_837 = vector.broadcast %parallel_loop3A_836 : i32 to vector<16xi32>
      %parallel_loop3A_838 = arith.shrui %parallel_loop3A_835, %parallel_loop3A_837 : vector<16xi32>
      %parallel_loop3A_839 = arith.constant 1 : i32
      %parallel_loop3A_840 = vector.broadcast %parallel_loop3A_839 : i32 to vector<16xi32>
      %parallel_loop3A_841 = arith.andi %parallel_loop3A_838, %parallel_loop3A_840 : vector<16xi32>
      %parallel_loop3A_842 = arith.constant 32767 : i32
      %parallel_loop3A_843 = vector.broadcast %parallel_loop3A_842 : i32 to vector<16xi32>
      %parallel_loop3A_844 = arith.addi %parallel_loop3A_835, %parallel_loop3A_843 : vector<16xi32>
      %parallel_loop3A_845 = arith.addi %parallel_loop3A_844, %parallel_loop3A_841 : vector<16xi32>
      %parallel_loop3A_846 = arith.constant -65536 : i32
      %parallel_loop3A_847 = vector.broadcast %parallel_loop3A_846 : i32 to vector<16xi32>
      %parallel_loop3A_848 = arith.andi %parallel_loop3A_845, %parallel_loop3A_847 : vector<16xi32>
      %parallel_loop3A_849 = tpu.bitcast %parallel_loop3A_848 : vector<16xi32> -> vector<16xf32>
      %parallel_loop3A_850 = arith.constant 5445 : i32
      %parallel_loop3A_851 = vector.broadcast %parallel_loop3A_850 : i32 to vector<16xi32>
      %parallel_loop3A_852 = arith.addi %parallel_loop3A_731, %parallel_loop3A_851 : vector<16xi32>
      %parallel_loop3A_853 = tpu.vector_load_idx %arg9[%parallel_loop3A_852] : memref<26136xf32, #tpu.memory_space<vmem>>[vector<16xi32>], vector<16xf32>,
      %parallel_loop3A_854 = tpu.bitcast %parallel_loop3A_853 : vector<16xf32> -> vector<16xi32>
      %parallel_loop3A_855 = arith.constant 16 : i32
      %parallel_loop3A_856 = vector.broadcast %parallel_loop3A_855 : i32 to vector<16xi32>
      %parallel_loop3A_857 = arith.shrui %parallel_loop3A_854, %parallel_loop3A_856 : vector<16xi32>
      %parallel_loop3A_858 = arith.constant 1 : i32
      %parallel_loop3A_859 = vector.broadcast %parallel_loop3A_858 : i32 to vector<16xi32>
      %parallel_loop3A_860 = arith.andi %parallel_loop3A_857, %parallel_loop3A_859 : vector<16xi32>
      %parallel_loop3A_861 = arith.constant 32767 : i32
      %parallel_loop3A_862 = vector.broadcast %parallel_loop3A_861 : i32 to vector<16xi32>
      %parallel_loop3A_863 = arith.addi %parallel_loop3A_854, %parallel_loop3A_862 : vector<16xi32>
      %parallel_loop3A_864 = arith.addi %parallel_loop3A_863, %parallel_loop3A_860 : vector<16xi32>
      %parallel_loop3A_865 = arith.constant -65536 : i32
      %parallel_loop3A_866 = vector.broadcast %parallel_loop3A_865 : i32 to vector<16xi32>
      %parallel_loop3A_867 = arith.andi %parallel_loop3A_864, %parallel_loop3A_866 : vector<16xi32>
      %parallel_loop3A_868 = tpu.bitcast %parallel_loop3A_867 : vector<16xi32> -> vector<16xf32>
      %parallel_loop3A_869 = arith.constant 6534 : i32
      %parallel_loop3A_870 = vector.broadcast %parallel_loop3A_869 : i32 to vector<16xi32>
      %parallel_loop3A_871 = arith.addi %parallel_loop3A_731, %parallel_loop3A_870 : vector<16xi32>
      %parallel_loop3A_872 = tpu.vector_load_idx %arg9[%parallel_loop3A_871] : memref<26136xf32, #tpu.memory_space<vmem>>[vector<16xi32>], vector<16xf32>,
      %parallel_loop3A_873 = tpu.bitcast %parallel_loop3A_872 : vector<16xf32> -> vector<16xi32>
      %parallel_loop3A_874 = arith.constant 16 : i32
      %parallel_loop3A_875 = vector.broadcast %parallel_loop3A_874 : i32 to vector<16xi32>
      %parallel_loop3A_876 = arith.shrui %parallel_loop3A_873, %parallel_loop3A_875 : vector<16xi32>
      %parallel_loop3A_877 = arith.constant 1 : i32
      %parallel_loop3A_878 = vector.broadcast %parallel_loop3A_877 : i32 to vector<16xi32>
      %parallel_loop3A_879 = arith.andi %parallel_loop3A_876, %parallel_loop3A_878 : vector<16xi32>
      %parallel_loop3A_880 = arith.constant 32767 : i32
      %parallel_loop3A_881 = vector.broadcast %parallel_loop3A_880 : i32 to vector<16xi32>
      %parallel_loop3A_882 = arith.addi %parallel_loop3A_873, %parallel_loop3A_881 : vector<16xi32>
      %parallel_loop3A_883 = arith.addi %parallel_loop3A_882, %parallel_loop3A_879 : vector<16xi32>
      %parallel_loop3A_884 = arith.constant -65536 : i32
      %parallel_loop3A_885 = vector.broadcast %parallel_loop3A_884 : i32 to vector<16xi32>
      %parallel_loop3A_886 = arith.andi %parallel_loop3A_883, %parallel_loop3A_885 : vector<16xi32>
      %parallel_loop3A_887 = tpu.bitcast %parallel_loop3A_886 : vector<16xi32> -> vector<16xf32>
      %parallel_loop3A_888 = arith.constant 7623 : i32
      %parallel_loop3A_889 = vector.broadcast %parallel_loop3A_888 : i32 to vector<16xi32>
      %parallel_loop3A_890 = arith.addi %parallel_loop3A_731, %parallel_loop3A_889 : vector<16xi32>
      %parallel_loop3A_891 = tpu.vector_load_idx %arg9[%parallel_loop3A_890] : memref<26136xf32, #tpu.memory_space<vmem>>[vector<16xi32>], vector<16xf32>,
      %parallel_loop3A_892 = tpu.bitcast %parallel_loop3A_891 : vector<16xf32> -> vector<16xi32>
      %parallel_loop3A_893 = arith.constant 16 : i32
      %parallel_loop3A_894 = vector.broadcast %parallel_loop3A_893 : i32 to vector<16xi32>
      %parallel_loop3A_895 = arith.shrui %parallel_loop3A_892, %parallel_loop3A_894 : vector<16xi32>
      %parallel_loop3A_896 = arith.constant 1 : i32
      %parallel_loop3A_897 = vector.broadcast %parallel_loop3A_896 : i32 to vector<16xi32>
      %parallel_loop3A_898 = arith.andi %parallel_loop3A_895, %parallel_loop3A_897 : vector<16xi32>
      %parallel_loop3A_899 = arith.constant 32767 : i32
      %parallel_loop3A_900 = vector.broadcast %parallel_loop3A_899 : i32 to vector<16xi32>
      %parallel_loop3A_901 = arith.addi %parallel_loop3A_892, %parallel_loop3A_900 : vector<16xi32>
      %parallel_loop3A_902 = arith.addi %parallel_loop3A_901, %parallel_loop3A_898 : vector<16xi32>
      %parallel_loop3A_903 = arith.constant -65536 : i32
      %parallel_loop3A_904 = vector.broadcast %parallel_loop3A_903 : i32 to vector<16xi32>
      %parallel_loop3A_905 = arith.andi %parallel_loop3A_902, %parallel_loop3A_904 : vector<16xi32>
      %parallel_loop3A_906 = tpu.bitcast %parallel_loop3A_905 : vector<16xi32> -> vector<16xf32>
      %parallel_loop3A_907 = arith.constant 2178 : i32
      %parallel_loop3A_908 = vector.broadcast %parallel_loop3A_907 : i32 to vector<16xi32>
      %parallel_loop3A_909 = arith.addi %parallel_loop3A_731, %parallel_loop3A_908 : vector<16xi32>
      %parallel_loop3A_910 = tpu.vector_load_idx %arg10[%parallel_loop3A_909] : memref<13068xf32, #tpu.memory_space<vmem>>[vector<16xi32>], vector<16xf32>,
      %parallel_loop3A_911 = arith.constant 3267 : i32
      %parallel_loop3A_912 = vector.broadcast %parallel_loop3A_911 : i32 to vector<16xi32>
      %parallel_loop3A_913 = arith.addi %parallel_loop3A_731, %parallel_loop3A_912 : vector<16xi32>
      %parallel_loop3A_914 = tpu.vector_load_idx %arg10[%parallel_loop3A_913] : memref<13068xf32, #tpu.memory_space<vmem>>[vector<16xi32>], vector<16xf32>,
      %parallel_loop3A_915 = arith.mulf %parallel_loop3A_58, %parallel_loop3A_849 : vector<16xf32>
      %parallel_loop3A_916 = arith.mulf %parallel_loop3A_73, %parallel_loop3A_887 : vector<16xf32>
      %parallel_loop3A_917 = arith.addf %parallel_loop3A_915, %parallel_loop3A_916 : vector<16xf32>
      %parallel_loop3A_918 = arith.addf %parallel_loop3A_917, %parallel_loop3A_910 : vector<16xf32>
      %parallel_loop3A_919 = arith.mulf %parallel_loop3A_58, %parallel_loop3A_868 : vector<16xf32>
      %parallel_loop3A_920 = arith.mulf %parallel_loop3A_73, %parallel_loop3A_906 : vector<16xf32>
      %parallel_loop3A_921 = arith.addf %parallel_loop3A_919, %parallel_loop3A_920 : vector<16xf32>
      %parallel_loop3A_922 = arith.addf %parallel_loop3A_921, %parallel_loop3A_914 : vector<16xf32>
      %parallel_loop3A_923 = arith.addf %parallel_loop3A_918, %parallel_loop3A_922 : vector<16xf32>
      %parallel_loop3A_924 = arith.constant 1.000000e+00 : f32
      %parallel_loop3A_925 = vector.broadcast %parallel_loop3A_924 : f32 to vector<16xf32>
      %parallel_loop3A_926 = arith.subf %parallel_loop3A_925, %parallel_loop3A_923 : vector<16xf32>
      %parallel_loop3A_927 = arith.constant 0.000000e+00 : f32
      %parallel_loop3A_928 = vector.broadcast %parallel_loop3A_927 : f32 to vector<16xf32>
      %parallel_loop3A_929 = arith.maximumf %parallel_loop3A_926, %parallel_loop3A_928 : vector<16xf32>
      %parallel_loop3A_930 = arith.minimumf %parallel_loop3A_830, %parallel_loop3A_929 : vector<16xf32>
      %parallel_loop3A_931 = arith.constant 8712 : i32
      %parallel_loop3A_932 = vector.broadcast %parallel_loop3A_931 : i32 to vector<16xi32>
      %parallel_loop3A_933 = arith.addi %parallel_loop3A_731, %parallel_loop3A_932 : vector<16xi32>
      %parallel_loop3A_934 = tpu.vector_load_idx %arg9[%parallel_loop3A_933] : memref<26136xf32, #tpu.memory_space<vmem>>[vector<16xi32>], vector<16xf32>,
      %parallel_loop3A_935 = tpu.bitcast %parallel_loop3A_934 : vector<16xf32> -> vector<16xi32>
      %parallel_loop3A_936 = arith.constant 16 : i32
      %parallel_loop3A_937 = vector.broadcast %parallel_loop3A_936 : i32 to vector<16xi32>
      %parallel_loop3A_938 = arith.shrui %parallel_loop3A_935, %parallel_loop3A_937 : vector<16xi32>
      %parallel_loop3A_939 = arith.constant 1 : i32
      %parallel_loop3A_940 = vector.broadcast %parallel_loop3A_939 : i32 to vector<16xi32>
      %parallel_loop3A_941 = arith.andi %parallel_loop3A_938, %parallel_loop3A_940 : vector<16xi32>
      %parallel_loop3A_942 = arith.constant 32767 : i32
      %parallel_loop3A_943 = vector.broadcast %parallel_loop3A_942 : i32 to vector<16xi32>
      %parallel_loop3A_944 = arith.addi %parallel_loop3A_935, %parallel_loop3A_943 : vector<16xi32>
      %parallel_loop3A_945 = arith.addi %parallel_loop3A_944, %parallel_loop3A_941 : vector<16xi32>
      %parallel_loop3A_946 = arith.constant -65536 : i32
      %parallel_loop3A_947 = vector.broadcast %parallel_loop3A_946 : i32 to vector<16xi32>
      %parallel_loop3A_948 = arith.andi %parallel_loop3A_945, %parallel_loop3A_947 : vector<16xi32>
      %parallel_loop3A_949 = tpu.bitcast %parallel_loop3A_948 : vector<16xi32> -> vector<16xf32>
      %parallel_loop3A_950 = arith.constant 9801 : i32
      %parallel_loop3A_951 = vector.broadcast %parallel_loop3A_950 : i32 to vector<16xi32>
      %parallel_loop3A_952 = arith.addi %parallel_loop3A_731, %parallel_loop3A_951 : vector<16xi32>
      %parallel_loop3A_953 = tpu.vector_load_idx %arg9[%parallel_loop3A_952] : memref<26136xf32, #tpu.memory_space<vmem>>[vector<16xi32>], vector<16xf32>,
      %parallel_loop3A_954 = tpu.bitcast %parallel_loop3A_953 : vector<16xf32> -> vector<16xi32>
      %parallel_loop3A_955 = arith.constant 16 : i32
      %parallel_loop3A_956 = vector.broadcast %parallel_loop3A_955 : i32 to vector<16xi32>
      %parallel_loop3A_957 = arith.shrui %parallel_loop3A_954, %parallel_loop3A_956 : vector<16xi32>
      %parallel_loop3A_958 = arith.constant 1 : i32
      %parallel_loop3A_959 = vector.broadcast %parallel_loop3A_958 : i32 to vector<16xi32>
      %parallel_loop3A_960 = arith.andi %parallel_loop3A_957, %parallel_loop3A_959 : vector<16xi32>
      %parallel_loop3A_961 = arith.constant 32767 : i32
      %parallel_loop3A_962 = vector.broadcast %parallel_loop3A_961 : i32 to vector<16xi32>
      %parallel_loop3A_963 = arith.addi %parallel_loop3A_954, %parallel_loop3A_962 : vector<16xi32>
      %parallel_loop3A_964 = arith.addi %parallel_loop3A_963, %parallel_loop3A_960 : vector<16xi32>
      %parallel_loop3A_965 = arith.constant -65536 : i32
      %parallel_loop3A_966 = vector.broadcast %parallel_loop3A_965 : i32 to vector<16xi32>
      %parallel_loop3A_967 = arith.andi %parallel_loop3A_964, %parallel_loop3A_966 : vector<16xi32>
      %parallel_loop3A_968 = tpu.bitcast %parallel_loop3A_967 : vector<16xi32> -> vector<16xf32>
      %parallel_loop3A_969 = arith.constant 10890 : i32
      %parallel_loop3A_970 = vector.broadcast %parallel_loop3A_969 : i32 to vector<16xi32>
      %parallel_loop3A_971 = arith.addi %parallel_loop3A_731, %parallel_loop3A_970 : vector<16xi32>
      %parallel_loop3A_972 = tpu.vector_load_idx %arg9[%parallel_loop3A_971] : memref<26136xf32, #tpu.memory_space<vmem>>[vector<16xi32>], vector<16xf32>,
      %parallel_loop3A_973 = tpu.bitcast %parallel_loop3A_972 : vector<16xf32> -> vector<16xi32>
      %parallel_loop3A_974 = arith.constant 16 : i32
      %parallel_loop3A_975 = vector.broadcast %parallel_loop3A_974 : i32 to vector<16xi32>
      %parallel_loop3A_976 = arith.shrui %parallel_loop3A_973, %parallel_loop3A_975 : vector<16xi32>
      %parallel_loop3A_977 = arith.constant 1 : i32
      %parallel_loop3A_978 = vector.broadcast %parallel_loop3A_977 : i32 to vector<16xi32>
      %parallel_loop3A_979 = arith.andi %parallel_loop3A_976, %parallel_loop3A_978 : vector<16xi32>
      %parallel_loop3A_980 = arith.constant 32767 : i32
      %parallel_loop3A_981 = vector.broadcast %parallel_loop3A_980 : i32 to vector<16xi32>
      %parallel_loop3A_982 = arith.addi %parallel_loop3A_973, %parallel_loop3A_981 : vector<16xi32>
      %parallel_loop3A_983 = arith.addi %parallel_loop3A_982, %parallel_loop3A_979 : vector<16xi32>
      %parallel_loop3A_984 = arith.constant -65536 : i32
      %parallel_loop3A_985 = vector.broadcast %parallel_loop3A_984 : i32 to vector<16xi32>
      %parallel_loop3A_986 = arith.andi %parallel_loop3A_983, %parallel_loop3A_985 : vector<16xi32>
      %parallel_loop3A_987 = tpu.bitcast %parallel_loop3A_986 : vector<16xi32> -> vector<16xf32>
      %parallel_loop3A_988 = arith.constant 11979 : i32
      %parallel_loop3A_989 = vector.broadcast %parallel_loop3A_988 : i32 to vector<16xi32>
      %parallel_loop3A_990 = arith.addi %parallel_loop3A_731, %parallel_loop3A_989 : vector<16xi32>
      %parallel_loop3A_991 = tpu.vector_load_idx %arg9[%parallel_loop3A_990] : memref<26136xf32, #tpu.memory_space<vmem>>[vector<16xi32>], vector<16xf32>,
      %parallel_loop3A_992 = tpu.bitcast %parallel_loop3A_991 : vector<16xf32> -> vector<16xi32>
      %parallel_loop3A_993 = arith.constant 16 : i32
      %parallel_loop3A_994 = vector.broadcast %parallel_loop3A_993 : i32 to vector<16xi32>
      %parallel_loop3A_995 = arith.shrui %parallel_loop3A_992, %parallel_loop3A_994 : vector<16xi32>
      %parallel_loop3A_996 = arith.constant 1 : i32
      %parallel_loop3A_997 = vector.broadcast %parallel_loop3A_996 : i32 to vector<16xi32>
      %parallel_loop3A_998 = arith.andi %parallel_loop3A_995, %parallel_loop3A_997 : vector<16xi32>
      %parallel_loop3A_999 = arith.constant 32767 : i32
      %parallel_loop3A_1000 = vector.broadcast %parallel_loop3A_999 : i32 to vector<16xi32>
      %parallel_loop3A_1001 = arith.addi %parallel_loop3A_992, %parallel_loop3A_1000 : vector<16xi32>
      %parallel_loop3A_1002 = arith.addi %parallel_loop3A_1001, %parallel_loop3A_998 : vector<16xi32>
      %parallel_loop3A_1003 = arith.constant -65536 : i32
      %parallel_loop3A_1004 = vector.broadcast %parallel_loop3A_1003 : i32 to vector<16xi32>
      %parallel_loop3A_1005 = arith.andi %parallel_loop3A_1002, %parallel_loop3A_1004 : vector<16xi32>
      %parallel_loop3A_1006 = tpu.bitcast %parallel_loop3A_1005 : vector<16xi32> -> vector<16xf32>
      %parallel_loop3A_1007 = arith.constant 4356 : i32
      %parallel_loop3A_1008 = vector.broadcast %parallel_loop3A_1007 : i32 to vector<16xi32>
      %parallel_loop3A_1009 = arith.addi %parallel_loop3A_731, %parallel_loop3A_1008 : vector<16xi32>
      %parallel_loop3A_1010 = tpu.vector_load_idx %arg10[%parallel_loop3A_1009] : memref<13068xf32, #tpu.memory_space<vmem>>[vector<16xi32>], vector<16xf32>,
      %parallel_loop3A_1011 = arith.constant 5445 : i32
      %parallel_loop3A_1012 = vector.broadcast %parallel_loop3A_1011 : i32 to vector<16xi32>
      %parallel_loop3A_1013 = arith.addi %parallel_loop3A_731, %parallel_loop3A_1012 : vector<16xi32>
      %parallel_loop3A_1014 = tpu.vector_load_idx %arg10[%parallel_loop3A_1013] : memref<13068xf32, #tpu.memory_space<vmem>>[vector<16xi32>], vector<16xf32>,
      %parallel_loop3A_1015 = arith.mulf %parallel_loop3A_58, %parallel_loop3A_949 : vector<16xf32>
      %parallel_loop3A_1016 = arith.mulf %parallel_loop3A_73, %parallel_loop3A_987 : vector<16xf32>
      %parallel_loop3A_1017 = arith.addf %parallel_loop3A_1015, %parallel_loop3A_1016 : vector<16xf32>
      %parallel_loop3A_1018 = arith.addf %parallel_loop3A_1017, %parallel_loop3A_1010 : vector<16xf32>
      %parallel_loop3A_1019 = arith.mulf %parallel_loop3A_58, %parallel_loop3A_968 : vector<16xf32>
      %parallel_loop3A_1020 = arith.mulf %parallel_loop3A_73, %parallel_loop3A_1006 : vector<16xf32>
      %parallel_loop3A_1021 = arith.addf %parallel_loop3A_1019, %parallel_loop3A_1020 : vector<16xf32>
      %parallel_loop3A_1022 = arith.addf %parallel_loop3A_1021, %parallel_loop3A_1014 : vector<16xf32>
      %parallel_loop3A_1023 = arith.addf %parallel_loop3A_1018, %parallel_loop3A_1022 : vector<16xf32>
      %parallel_loop3A_1024 = arith.constant 1.000000e+00 : f32
      %parallel_loop3A_1025 = vector.broadcast %parallel_loop3A_1024 : f32 to vector<16xf32>
      %parallel_loop3A_1026 = arith.subf %parallel_loop3A_1025, %parallel_loop3A_1023 : vector<16xf32>
      %parallel_loop3A_1027 = arith.constant 0.000000e+00 : f32
      %parallel_loop3A_1028 = vector.broadcast %parallel_loop3A_1027 : f32 to vector<16xf32>
      %parallel_loop3A_1029 = arith.maximumf %parallel_loop3A_1026, %parallel_loop3A_1028 : vector<16xf32>
      %parallel_loop3A_1030 = arith.minimumf %parallel_loop3A_930, %parallel_loop3A_1029 : vector<16xf32>
      %parallel_loop3A_1031 = arith.constant 13068 : i32
      %parallel_loop3A_1032 = vector.broadcast %parallel_loop3A_1031 : i32 to vector<16xi32>
      %parallel_loop3A_1033 = arith.addi %parallel_loop3A_731, %parallel_loop3A_1032 : vector<16xi32>
      %parallel_loop3A_1034 = tpu.vector_load_idx %arg9[%parallel_loop3A_1033] : memref<26136xf32, #tpu.memory_space<vmem>>[vector<16xi32>], vector<16xf32>,
      %parallel_loop3A_1035 = tpu.bitcast %parallel_loop3A_1034 : vector<16xf32> -> vector<16xi32>
      %parallel_loop3A_1036 = arith.constant 16 : i32
      %parallel_loop3A_1037 = vector.broadcast %parallel_loop3A_1036 : i32 to vector<16xi32>
      %parallel_loop3A_1038 = arith.shrui %parallel_loop3A_1035, %parallel_loop3A_1037 : vector<16xi32>
      %parallel_loop3A_1039 = arith.constant 1 : i32
      %parallel_loop3A_1040 = vector.broadcast %parallel_loop3A_1039 : i32 to vector<16xi32>
      %parallel_loop3A_1041 = arith.andi %parallel_loop3A_1038, %parallel_loop3A_1040 : vector<16xi32>
      %parallel_loop3A_1042 = arith.constant 32767 : i32
      %parallel_loop3A_1043 = vector.broadcast %parallel_loop3A_1042 : i32 to vector<16xi32>
      %parallel_loop3A_1044 = arith.addi %parallel_loop3A_1035, %parallel_loop3A_1043 : vector<16xi32>
      %parallel_loop3A_1045 = arith.addi %parallel_loop3A_1044, %parallel_loop3A_1041 : vector<16xi32>
      %parallel_loop3A_1046 = arith.constant -65536 : i32
      %parallel_loop3A_1047 = vector.broadcast %parallel_loop3A_1046 : i32 to vector<16xi32>
      %parallel_loop3A_1048 = arith.andi %parallel_loop3A_1045, %parallel_loop3A_1047 : vector<16xi32>
      %parallel_loop3A_1049 = tpu.bitcast %parallel_loop3A_1048 : vector<16xi32> -> vector<16xf32>
      %parallel_loop3A_1050 = arith.constant 14157 : i32
      %parallel_loop3A_1051 = vector.broadcast %parallel_loop3A_1050 : i32 to vector<16xi32>
      %parallel_loop3A_1052 = arith.addi %parallel_loop3A_731, %parallel_loop3A_1051 : vector<16xi32>
      %parallel_loop3A_1053 = tpu.vector_load_idx %arg9[%parallel_loop3A_1052] : memref<26136xf32, #tpu.memory_space<vmem>>[vector<16xi32>], vector<16xf32>,
      %parallel_loop3A_1054 = tpu.bitcast %parallel_loop3A_1053 : vector<16xf32> -> vector<16xi32>
      %parallel_loop3A_1055 = arith.constant 16 : i32
      %parallel_loop3A_1056 = vector.broadcast %parallel_loop3A_1055 : i32 to vector<16xi32>
      %parallel_loop3A_1057 = arith.shrui %parallel_loop3A_1054, %parallel_loop3A_1056 : vector<16xi32>
      %parallel_loop3A_1058 = arith.constant 1 : i32
      %parallel_loop3A_1059 = vector.broadcast %parallel_loop3A_1058 : i32 to vector<16xi32>
      %parallel_loop3A_1060 = arith.andi %parallel_loop3A_1057, %parallel_loop3A_1059 : vector<16xi32>
      %parallel_loop3A_1061 = arith.constant 32767 : i32
      %parallel_loop3A_1062 = vector.broadcast %parallel_loop3A_1061 : i32 to vector<16xi32>
      %parallel_loop3A_1063 = arith.addi %parallel_loop3A_1054, %parallel_loop3A_1062 : vector<16xi32>
      %parallel_loop3A_1064 = arith.addi %parallel_loop3A_1063, %parallel_loop3A_1060 : vector<16xi32>
      %parallel_loop3A_1065 = arith.constant -65536 : i32
      %parallel_loop3A_1066 = vector.broadcast %parallel_loop3A_1065 : i32 to vector<16xi32>
      %parallel_loop3A_1067 = arith.andi %parallel_loop3A_1064, %parallel_loop3A_1066 : vector<16xi32>
      %parallel_loop3A_1068 = tpu.bitcast %parallel_loop3A_1067 : vector<16xi32> -> vector<16xf32>
      %parallel_loop3A_1069 = arith.constant 15246 : i32
      %parallel_loop3A_1070 = vector.broadcast %parallel_loop3A_1069 : i32 to vector<16xi32>
      %parallel_loop3A_1071 = arith.addi %parallel_loop3A_731, %parallel_loop3A_1070 : vector<16xi32>
      %parallel_loop3A_1072 = tpu.vector_load_idx %arg9[%parallel_loop3A_1071] : memref<26136xf32, #tpu.memory_space<vmem>>[vector<16xi32>], vector<16xf32>,
      %parallel_loop3A_1073 = tpu.bitcast %parallel_loop3A_1072 : vector<16xf32> -> vector<16xi32>
      %parallel_loop3A_1074 = arith.constant 16 : i32
      %parallel_loop3A_1075 = vector.broadcast %parallel_loop3A_1074 : i32 to vector<16xi32>
      %parallel_loop3A_1076 = arith.shrui %parallel_loop3A_1073, %parallel_loop3A_1075 : vector<16xi32>
      %parallel_loop3A_1077 = arith.constant 1 : i32
      %parallel_loop3A_1078 = vector.broadcast %parallel_loop3A_1077 : i32 to vector<16xi32>
      %parallel_loop3A_1079 = arith.andi %parallel_loop3A_1076, %parallel_loop3A_1078 : vector<16xi32>
      %parallel_loop3A_1080 = arith.constant 32767 : i32
      %parallel_loop3A_1081 = vector.broadcast %parallel_loop3A_1080 : i32 to vector<16xi32>
      %parallel_loop3A_1082 = arith.addi %parallel_loop3A_1073, %parallel_loop3A_1081 : vector<16xi32>
      %parallel_loop3A_1083 = arith.addi %parallel_loop3A_1082, %parallel_loop3A_1079 : vector<16xi32>
      %parallel_loop3A_1084 = arith.constant -65536 : i32
      %parallel_loop3A_1085 = vector.broadcast %parallel_loop3A_1084 : i32 to vector<16xi32>
      %parallel_loop3A_1086 = arith.andi %parallel_loop3A_1083, %parallel_loop3A_1085 : vector<16xi32>
      %parallel_loop3A_1087 = tpu.bitcast %parallel_loop3A_1086 : vector<16xi32> -> vector<16xf32>
      %parallel_loop3A_1088 = arith.constant 16335 : i32
      %parallel_loop3A_1089 = vector.broadcast %parallel_loop3A_1088 : i32 to vector<16xi32>
      %parallel_loop3A_1090 = arith.addi %parallel_loop3A_731, %parallel_loop3A_1089 : vector<16xi32>
      %parallel_loop3A_1091 = tpu.vector_load_idx %arg9[%parallel_loop3A_1090] : memref<26136xf32, #tpu.memory_space<vmem>>[vector<16xi32>], vector<16xf32>,
      %parallel_loop3A_1092 = tpu.bitcast %parallel_loop3A_1091 : vector<16xf32> -> vector<16xi32>
      %parallel_loop3A_1093 = arith.constant 16 : i32
      %parallel_loop3A_1094 = vector.broadcast %parallel_loop3A_1093 : i32 to vector<16xi32>
      %parallel_loop3A_1095 = arith.shrui %parallel_loop3A_1092, %parallel_loop3A_1094 : vector<16xi32>
      %parallel_loop3A_1096 = arith.constant 1 : i32
      %parallel_loop3A_1097 = vector.broadcast %parallel_loop3A_1096 : i32 to vector<16xi32>
      %parallel_loop3A_1098 = arith.andi %parallel_loop3A_1095, %parallel_loop3A_1097 : vector<16xi32>
      %parallel_loop3A_1099 = arith.constant 32767 : i32
      %parallel_loop3A_1100 = vector.broadcast %parallel_loop3A_1099 : i32 to vector<16xi32>
      %parallel_loop3A_1101 = arith.addi %parallel_loop3A_1092, %parallel_loop3A_1100 : vector<16xi32>
      %parallel_loop3A_1102 = arith.addi %parallel_loop3A_1101, %parallel_loop3A_1098 : vector<16xi32>
      %parallel_loop3A_1103 = arith.constant -65536 : i32
      %parallel_loop3A_1104 = vector.broadcast %parallel_loop3A_1103 : i32 to vector<16xi32>
      %parallel_loop3A_1105 = arith.andi %parallel_loop3A_1102, %parallel_loop3A_1104 : vector<16xi32>
      %parallel_loop3A_1106 = tpu.bitcast %parallel_loop3A_1105 : vector<16xi32> -> vector<16xf32>
      %parallel_loop3A_1107 = arith.constant 6534 : i32
      %parallel_loop3A_1108 = vector.broadcast %parallel_loop3A_1107 : i32 to vector<16xi32>
      %parallel_loop3A_1109 = arith.addi %parallel_loop3A_731, %parallel_loop3A_1108 : vector<16xi32>
      %parallel_loop3A_1110 = tpu.vector_load_idx %arg10[%parallel_loop3A_1109] : memref<13068xf32, #tpu.memory_space<vmem>>[vector<16xi32>], vector<16xf32>,
      %parallel_loop3A_1111 = arith.constant 7623 : i32
      %parallel_loop3A_1112 = vector.broadcast %parallel_loop3A_1111 : i32 to vector<16xi32>
      %parallel_loop3A_1113 = arith.addi %parallel_loop3A_731, %parallel_loop3A_1112 : vector<16xi32>
      %parallel_loop3A_1114 = tpu.vector_load_idx %arg10[%parallel_loop3A_1113] : memref<13068xf32, #tpu.memory_space<vmem>>[vector<16xi32>], vector<16xf32>,
      %parallel_loop3A_1115 = arith.mulf %parallel_loop3A_58, %parallel_loop3A_1049 : vector<16xf32>
      %parallel_loop3A_1116 = arith.mulf %parallel_loop3A_73, %parallel_loop3A_1087 : vector<16xf32>
      %parallel_loop3A_1117 = arith.addf %parallel_loop3A_1115, %parallel_loop3A_1116 : vector<16xf32>
      %parallel_loop3A_1118 = arith.addf %parallel_loop3A_1117, %parallel_loop3A_1110 : vector<16xf32>
      %parallel_loop3A_1119 = arith.mulf %parallel_loop3A_58, %parallel_loop3A_1068 : vector<16xf32>
      %parallel_loop3A_1120 = arith.mulf %parallel_loop3A_73, %parallel_loop3A_1106 : vector<16xf32>
      %parallel_loop3A_1121 = arith.addf %parallel_loop3A_1119, %parallel_loop3A_1120 : vector<16xf32>
      %parallel_loop3A_1122 = arith.addf %parallel_loop3A_1121, %parallel_loop3A_1114 : vector<16xf32>
      %parallel_loop3A_1123 = arith.addf %parallel_loop3A_1118, %parallel_loop3A_1122 : vector<16xf32>
      %parallel_loop3A_1124 = arith.constant 1.000000e+00 : f32
      %parallel_loop3A_1125 = vector.broadcast %parallel_loop3A_1124 : f32 to vector<16xf32>
      %parallel_loop3A_1126 = arith.subf %parallel_loop3A_1125, %parallel_loop3A_1123 : vector<16xf32>
      %parallel_loop3A_1127 = arith.constant 0.000000e+00 : f32
      %parallel_loop3A_1128 = vector.broadcast %parallel_loop3A_1127 : f32 to vector<16xf32>
      %parallel_loop3A_1129 = arith.maximumf %parallel_loop3A_1126, %parallel_loop3A_1128 : vector<16xf32>
      %parallel_loop3A_1130 = arith.minimumf %parallel_loop3A_1030, %parallel_loop3A_1129 : vector<16xf32>
      %parallel_loop3A_1131 = arith.constant 17424 : i32
      %parallel_loop3A_1132 = vector.broadcast %parallel_loop3A_1131 : i32 to vector<16xi32>
      %parallel_loop3A_1133 = arith.addi %parallel_loop3A_731, %parallel_loop3A_1132 : vector<16xi32>
      %parallel_loop3A_1134 = tpu.vector_load_idx %arg9[%parallel_loop3A_1133] : memref<26136xf32, #tpu.memory_space<vmem>>[vector<16xi32>], vector<16xf32>,
      %parallel_loop3A_1135 = tpu.bitcast %parallel_loop3A_1134 : vector<16xf32> -> vector<16xi32>
      %parallel_loop3A_1136 = arith.constant 16 : i32
      %parallel_loop3A_1137 = vector.broadcast %parallel_loop3A_1136 : i32 to vector<16xi32>
      %parallel_loop3A_1138 = arith.shrui %parallel_loop3A_1135, %parallel_loop3A_1137 : vector<16xi32>
      %parallel_loop3A_1139 = arith.constant 1 : i32
      %parallel_loop3A_1140 = vector.broadcast %parallel_loop3A_1139 : i32 to vector<16xi32>
      %parallel_loop3A_1141 = arith.andi %parallel_loop3A_1138, %parallel_loop3A_1140 : vector<16xi32>
      %parallel_loop3A_1142 = arith.constant 32767 : i32
      %parallel_loop3A_1143 = vector.broadcast %parallel_loop3A_1142 : i32 to vector<16xi32>
      %parallel_loop3A_1144 = arith.addi %parallel_loop3A_1135, %parallel_loop3A_1143 : vector<16xi32>
      %parallel_loop3A_1145 = arith.addi %parallel_loop3A_1144, %parallel_loop3A_1141 : vector<16xi32>
      %parallel_loop3A_1146 = arith.constant -65536 : i32
      %parallel_loop3A_1147 = vector.broadcast %parallel_loop3A_1146 : i32 to vector<16xi32>
      %parallel_loop3A_1148 = arith.andi %parallel_loop3A_1145, %parallel_loop3A_1147 : vector<16xi32>
      %parallel_loop3A_1149 = tpu.bitcast %parallel_loop3A_1148 : vector<16xi32> -> vector<16xf32>
      %parallel_loop3A_1150 = arith.constant 18513 : i32
      %parallel_loop3A_1151 = vector.broadcast %parallel_loop3A_1150 : i32 to vector<16xi32>
      %parallel_loop3A_1152 = arith.addi %parallel_loop3A_731, %parallel_loop3A_1151 : vector<16xi32>
      %parallel_loop3A_1153 = tpu.vector_load_idx %arg9[%parallel_loop3A_1152] : memref<26136xf32, #tpu.memory_space<vmem>>[vector<16xi32>], vector<16xf32>,
      %parallel_loop3A_1154 = tpu.bitcast %parallel_loop3A_1153 : vector<16xf32> -> vector<16xi32>
      %parallel_loop3A_1155 = arith.constant 16 : i32
      %parallel_loop3A_1156 = vector.broadcast %parallel_loop3A_1155 : i32 to vector<16xi32>
      %parallel_loop3A_1157 = arith.shrui %parallel_loop3A_1154, %parallel_loop3A_1156 : vector<16xi32>
      %parallel_loop3A_1158 = arith.constant 1 : i32
      %parallel_loop3A_1159 = vector.broadcast %parallel_loop3A_1158 : i32 to vector<16xi32>
      %parallel_loop3A_1160 = arith.andi %parallel_loop3A_1157, %parallel_loop3A_1159 : vector<16xi32>
      %parallel_loop3A_1161 = arith.constant 32767 : i32
      %parallel_loop3A_1162 = vector.broadcast %parallel_loop3A_1161 : i32 to vector<16xi32>
      %parallel_loop3A_1163 = arith.addi %parallel_loop3A_1154, %parallel_loop3A_1162 : vector<16xi32>
      %parallel_loop3A_1164 = arith.addi %parallel_loop3A_1163, %parallel_loop3A_1160 : vector<16xi32>
      %parallel_loop3A_1165 = arith.constant -65536 : i32
      %parallel_loop3A_1166 = vector.broadcast %parallel_loop3A_1165 : i32 to vector<16xi32>
      %parallel_loop3A_1167 = arith.andi %parallel_loop3A_1164, %parallel_loop3A_1166 : vector<16xi32>
      %parallel_loop3A_1168 = tpu.bitcast %parallel_loop3A_1167 : vector<16xi32> -> vector<16xf32>
      %parallel_loop3A_1169 = arith.constant 19602 : i32
      %parallel_loop3A_1170 = vector.broadcast %parallel_loop3A_1169 : i32 to vector<16xi32>
      %parallel_loop3A_1171 = arith.addi %parallel_loop3A_731, %parallel_loop3A_1170 : vector<16xi32>
      %parallel_loop3A_1172 = tpu.vector_load_idx %arg9[%parallel_loop3A_1171] : memref<26136xf32, #tpu.memory_space<vmem>>[vector<16xi32>], vector<16xf32>,
      %parallel_loop3A_1173 = tpu.bitcast %parallel_loop3A_1172 : vector<16xf32> -> vector<16xi32>
      %parallel_loop3A_1174 = arith.constant 16 : i32
      %parallel_loop3A_1175 = vector.broadcast %parallel_loop3A_1174 : i32 to vector<16xi32>
      %parallel_loop3A_1176 = arith.shrui %parallel_loop3A_1173, %parallel_loop3A_1175 : vector<16xi32>
      %parallel_loop3A_1177 = arith.constant 1 : i32
      %parallel_loop3A_1178 = vector.broadcast %parallel_loop3A_1177 : i32 to vector<16xi32>
      %parallel_loop3A_1179 = arith.andi %parallel_loop3A_1176, %parallel_loop3A_1178 : vector<16xi32>
      %parallel_loop3A_1180 = arith.constant 32767 : i32
      %parallel_loop3A_1181 = vector.broadcast %parallel_loop3A_1180 : i32 to vector<16xi32>
      %parallel_loop3A_1182 = arith.addi %parallel_loop3A_1173, %parallel_loop3A_1181 : vector<16xi32>
      %parallel_loop3A_1183 = arith.addi %parallel_loop3A_1182, %parallel_loop3A_1179 : vector<16xi32>
      %parallel_loop3A_1184 = arith.constant -65536 : i32
      %parallel_loop3A_1185 = vector.broadcast %parallel_loop3A_1184 : i32 to vector<16xi32>
      %parallel_loop3A_1186 = arith.andi %parallel_loop3A_1183, %parallel_loop3A_1185 : vector<16xi32>
      %parallel_loop3A_1187 = tpu.bitcast %parallel_loop3A_1186 : vector<16xi32> -> vector<16xf32>
      %parallel_loop3A_1188 = arith.constant 20691 : i32
      %parallel_loop3A_1189 = vector.broadcast %parallel_loop3A_1188 : i32 to vector<16xi32>
      %parallel_loop3A_1190 = arith.addi %parallel_loop3A_731, %parallel_loop3A_1189 : vector<16xi32>
      %parallel_loop3A_1191 = tpu.vector_load_idx %arg9[%parallel_loop3A_1190] : memref<26136xf32, #tpu.memory_space<vmem>>[vector<16xi32>], vector<16xf32>,
      %parallel_loop3A_1192 = tpu.bitcast %parallel_loop3A_1191 : vector<16xf32> -> vector<16xi32>
      %parallel_loop3A_1193 = arith.constant 16 : i32
      %parallel_loop3A_1194 = vector.broadcast %parallel_loop3A_1193 : i32 to vector<16xi32>
      %parallel_loop3A_1195 = arith.shrui %parallel_loop3A_1192, %parallel_loop3A_1194 : vector<16xi32>
      %parallel_loop3A_1196 = arith.constant 1 : i32
      %parallel_loop3A_1197 = vector.broadcast %parallel_loop3A_1196 : i32 to vector<16xi32>
      %parallel_loop3A_1198 = arith.andi %parallel_loop3A_1195, %parallel_loop3A_1197 : vector<16xi32>
      %parallel_loop3A_1199 = arith.constant 32767 : i32
      %parallel_loop3A_1200 = vector.broadcast %parallel_loop3A_1199 : i32 to vector<16xi32>
      %parallel_loop3A_1201 = arith.addi %parallel_loop3A_1192, %parallel_loop3A_1200 : vector<16xi32>
      %parallel_loop3A_1202 = arith.addi %parallel_loop3A_1201, %parallel_loop3A_1198 : vector<16xi32>
      %parallel_loop3A_1203 = arith.constant -65536 : i32
      %parallel_loop3A_1204 = vector.broadcast %parallel_loop3A_1203 : i32 to vector<16xi32>
      %parallel_loop3A_1205 = arith.andi %parallel_loop3A_1202, %parallel_loop3A_1204 : vector<16xi32>
      %parallel_loop3A_1206 = tpu.bitcast %parallel_loop3A_1205 : vector<16xi32> -> vector<16xf32>
      %parallel_loop3A_1207 = arith.constant 8712 : i32
      %parallel_loop3A_1208 = vector.broadcast %parallel_loop3A_1207 : i32 to vector<16xi32>
      %parallel_loop3A_1209 = arith.addi %parallel_loop3A_731, %parallel_loop3A_1208 : vector<16xi32>
      %parallel_loop3A_1210 = tpu.vector_load_idx %arg10[%parallel_loop3A_1209] : memref<13068xf32, #tpu.memory_space<vmem>>[vector<16xi32>], vector<16xf32>,
      %parallel_loop3A_1211 = arith.constant 9801 : i32
      %parallel_loop3A_1212 = vector.broadcast %parallel_loop3A_1211 : i32 to vector<16xi32>
      %parallel_loop3A_1213 = arith.addi %parallel_loop3A_731, %parallel_loop3A_1212 : vector<16xi32>
      %parallel_loop3A_1214 = tpu.vector_load_idx %arg10[%parallel_loop3A_1213] : memref<13068xf32, #tpu.memory_space<vmem>>[vector<16xi32>], vector<16xf32>,
      %parallel_loop3A_1215 = arith.mulf %parallel_loop3A_58, %parallel_loop3A_1149 : vector<16xf32>
      %parallel_loop3A_1216 = arith.mulf %parallel_loop3A_73, %parallel_loop3A_1187 : vector<16xf32>
      %parallel_loop3A_1217 = arith.addf %parallel_loop3A_1215, %parallel_loop3A_1216 : vector<16xf32>
      %parallel_loop3A_1218 = arith.addf %parallel_loop3A_1217, %parallel_loop3A_1210 : vector<16xf32>
      %parallel_loop3A_1219 = arith.mulf %parallel_loop3A_58, %parallel_loop3A_1168 : vector<16xf32>
      %parallel_loop3A_1220 = arith.mulf %parallel_loop3A_73, %parallel_loop3A_1206 : vector<16xf32>
      %parallel_loop3A_1221 = arith.addf %parallel_loop3A_1219, %parallel_loop3A_1220 : vector<16xf32>
      %parallel_loop3A_1222 = arith.addf %parallel_loop3A_1221, %parallel_loop3A_1214 : vector<16xf32>
      %parallel_loop3A_1223 = arith.addf %parallel_loop3A_1218, %parallel_loop3A_1222 : vector<16xf32>
      %parallel_loop3A_1224 = arith.constant 1.000000e+00 : f32
      %parallel_loop3A_1225 = vector.broadcast %parallel_loop3A_1224 : f32 to vector<16xf32>
      %parallel_loop3A_1226 = arith.subf %parallel_loop3A_1225, %parallel_loop3A_1223 : vector<16xf32>
      %parallel_loop3A_1227 = arith.constant 0.000000e+00 : f32
      %parallel_loop3A_1228 = vector.broadcast %parallel_loop3A_1227 : f32 to vector<16xf32>
      %parallel_loop3A_1229 = arith.maximumf %parallel_loop3A_1226, %parallel_loop3A_1228 : vector<16xf32>
      %parallel_loop3A_1230 = arith.minimumf %parallel_loop3A_1130, %parallel_loop3A_1229 : vector<16xf32>
      %parallel_loop3A_1231 = arith.constant 21780 : i32
      %parallel_loop3A_1232 = vector.broadcast %parallel_loop3A_1231 : i32 to vector<16xi32>
      %parallel_loop3A_1233 = arith.addi %parallel_loop3A_731, %parallel_loop3A_1232 : vector<16xi32>
      %parallel_loop3A_1234 = tpu.vector_load_idx %arg9[%parallel_loop3A_1233] : memref<26136xf32, #tpu.memory_space<vmem>>[vector<16xi32>], vector<16xf32>,
      %parallel_loop3A_1235 = tpu.bitcast %parallel_loop3A_1234 : vector<16xf32> -> vector<16xi32>
      %parallel_loop3A_1236 = arith.constant 16 : i32
      %parallel_loop3A_1237 = vector.broadcast %parallel_loop3A_1236 : i32 to vector<16xi32>
      %parallel_loop3A_1238 = arith.shrui %parallel_loop3A_1235, %parallel_loop3A_1237 : vector<16xi32>
      %parallel_loop3A_1239 = arith.constant 1 : i32
      %parallel_loop3A_1240 = vector.broadcast %parallel_loop3A_1239 : i32 to vector<16xi32>
      %parallel_loop3A_1241 = arith.andi %parallel_loop3A_1238, %parallel_loop3A_1240 : vector<16xi32>
      %parallel_loop3A_1242 = arith.constant 32767 : i32
      %parallel_loop3A_1243 = vector.broadcast %parallel_loop3A_1242 : i32 to vector<16xi32>
      %parallel_loop3A_1244 = arith.addi %parallel_loop3A_1235, %parallel_loop3A_1243 : vector<16xi32>
      %parallel_loop3A_1245 = arith.addi %parallel_loop3A_1244, %parallel_loop3A_1241 : vector<16xi32>
      %parallel_loop3A_1246 = arith.constant -65536 : i32
      %parallel_loop3A_1247 = vector.broadcast %parallel_loop3A_1246 : i32 to vector<16xi32>
      %parallel_loop3A_1248 = arith.andi %parallel_loop3A_1245, %parallel_loop3A_1247 : vector<16xi32>
      %parallel_loop3A_1249 = tpu.bitcast %parallel_loop3A_1248 : vector<16xi32> -> vector<16xf32>
      %parallel_loop3A_1250 = arith.constant 22869 : i32
      %parallel_loop3A_1251 = vector.broadcast %parallel_loop3A_1250 : i32 to vector<16xi32>
      %parallel_loop3A_1252 = arith.addi %parallel_loop3A_731, %parallel_loop3A_1251 : vector<16xi32>
      %parallel_loop3A_1253 = tpu.vector_load_idx %arg9[%parallel_loop3A_1252] : memref<26136xf32, #tpu.memory_space<vmem>>[vector<16xi32>], vector<16xf32>,
      %parallel_loop3A_1254 = tpu.bitcast %parallel_loop3A_1253 : vector<16xf32> -> vector<16xi32>
      %parallel_loop3A_1255 = arith.constant 16 : i32
      %parallel_loop3A_1256 = vector.broadcast %parallel_loop3A_1255 : i32 to vector<16xi32>
      %parallel_loop3A_1257 = arith.shrui %parallel_loop3A_1254, %parallel_loop3A_1256 : vector<16xi32>
      %parallel_loop3A_1258 = arith.constant 1 : i32
      %parallel_loop3A_1259 = vector.broadcast %parallel_loop3A_1258 : i32 to vector<16xi32>
      %parallel_loop3A_1260 = arith.andi %parallel_loop3A_1257, %parallel_loop3A_1259 : vector<16xi32>
      %parallel_loop3A_1261 = arith.constant 32767 : i32
      %parallel_loop3A_1262 = vector.broadcast %parallel_loop3A_1261 : i32 to vector<16xi32>
      %parallel_loop3A_1263 = arith.addi %parallel_loop3A_1254, %parallel_loop3A_1262 : vector<16xi32>
      %parallel_loop3A_1264 = arith.addi %parallel_loop3A_1263, %parallel_loop3A_1260 : vector<16xi32>
      %parallel_loop3A_1265 = arith.constant -65536 : i32
      %parallel_loop3A_1266 = vector.broadcast %parallel_loop3A_1265 : i32 to vector<16xi32>
      %parallel_loop3A_1267 = arith.andi %parallel_loop3A_1264, %parallel_loop3A_1266 : vector<16xi32>
      %parallel_loop3A_1268 = tpu.bitcast %parallel_loop3A_1267 : vector<16xi32> -> vector<16xf32>
      %parallel_loop3A_1269 = arith.constant 23958 : i32
      %parallel_loop3A_1270 = vector.broadcast %parallel_loop3A_1269 : i32 to vector<16xi32>
      %parallel_loop3A_1271 = arith.addi %parallel_loop3A_731, %parallel_loop3A_1270 : vector<16xi32>
      %parallel_loop3A_1272 = tpu.vector_load_idx %arg9[%parallel_loop3A_1271] : memref<26136xf32, #tpu.memory_space<vmem>>[vector<16xi32>], vector<16xf32>,
      %parallel_loop3A_1273 = tpu.bitcast %parallel_loop3A_1272 : vector<16xf32> -> vector<16xi32>
      %parallel_loop3A_1274 = arith.constant 16 : i32
      %parallel_loop3A_1275 = vector.broadcast %parallel_loop3A_1274 : i32 to vector<16xi32>
      %parallel_loop3A_1276 = arith.shrui %parallel_loop3A_1273, %parallel_loop3A_1275 : vector<16xi32>
      %parallel_loop3A_1277 = arith.constant 1 : i32
      %parallel_loop3A_1278 = vector.broadcast %parallel_loop3A_1277 : i32 to vector<16xi32>
      %parallel_loop3A_1279 = arith.andi %parallel_loop3A_1276, %parallel_loop3A_1278 : vector<16xi32>
      %parallel_loop3A_1280 = arith.constant 32767 : i32
      %parallel_loop3A_1281 = vector.broadcast %parallel_loop3A_1280 : i32 to vector<16xi32>
      %parallel_loop3A_1282 = arith.addi %parallel_loop3A_1273, %parallel_loop3A_1281 : vector<16xi32>
      %parallel_loop3A_1283 = arith.addi %parallel_loop3A_1282, %parallel_loop3A_1279 : vector<16xi32>
      %parallel_loop3A_1284 = arith.constant -65536 : i32
      %parallel_loop3A_1285 = vector.broadcast %parallel_loop3A_1284 : i32 to vector<16xi32>
      %parallel_loop3A_1286 = arith.andi %parallel_loop3A_1283, %parallel_loop3A_1285 : vector<16xi32>
      %parallel_loop3A_1287 = tpu.bitcast %parallel_loop3A_1286 : vector<16xi32> -> vector<16xf32>
      %parallel_loop3A_1288 = arith.constant 25047 : i32
      %parallel_loop3A_1289 = vector.broadcast %parallel_loop3A_1288 : i32 to vector<16xi32>
      %parallel_loop3A_1290 = arith.addi %parallel_loop3A_731, %parallel_loop3A_1289 : vector<16xi32>
      %parallel_loop3A_1291 = tpu.vector_load_idx %arg9[%parallel_loop3A_1290] : memref<26136xf32, #tpu.memory_space<vmem>>[vector<16xi32>], vector<16xf32>,
      %parallel_loop3A_1292 = tpu.bitcast %parallel_loop3A_1291 : vector<16xf32> -> vector<16xi32>
      %parallel_loop3A_1293 = arith.constant 16 : i32
      %parallel_loop3A_1294 = vector.broadcast %parallel_loop3A_1293 : i32 to vector<16xi32>
      %parallel_loop3A_1295 = arith.shrui %parallel_loop3A_1292, %parallel_loop3A_1294 : vector<16xi32>
      %parallel_loop3A_1296 = arith.constant 1 : i32
      %parallel_loop3A_1297 = vector.broadcast %parallel_loop3A_1296 : i32 to vector<16xi32>
      %parallel_loop3A_1298 = arith.andi %parallel_loop3A_1295, %parallel_loop3A_1297 : vector<16xi32>
      %parallel_loop3A_1299 = arith.constant 32767 : i32
      %parallel_loop3A_1300 = vector.broadcast %parallel_loop3A_1299 : i32 to vector<16xi32>
      %parallel_loop3A_1301 = arith.addi %parallel_loop3A_1292, %parallel_loop3A_1300 : vector<16xi32>
      %parallel_loop3A_1302 = arith.addi %parallel_loop3A_1301, %parallel_loop3A_1298 : vector<16xi32>
      %parallel_loop3A_1303 = arith.constant -65536 : i32
      %parallel_loop3A_1304 = vector.broadcast %parallel_loop3A_1303 : i32 to vector<16xi32>
      %parallel_loop3A_1305 = arith.andi %parallel_loop3A_1302, %parallel_loop3A_1304 : vector<16xi32>
      %parallel_loop3A_1306 = tpu.bitcast %parallel_loop3A_1305 : vector<16xi32> -> vector<16xf32>
      %parallel_loop3A_1307 = arith.constant 10890 : i32
      %parallel_loop3A_1308 = vector.broadcast %parallel_loop3A_1307 : i32 to vector<16xi32>
      %parallel_loop3A_1309 = arith.addi %parallel_loop3A_731, %parallel_loop3A_1308 : vector<16xi32>
      %parallel_loop3A_1310 = tpu.vector_load_idx %arg10[%parallel_loop3A_1309] : memref<13068xf32, #tpu.memory_space<vmem>>[vector<16xi32>], vector<16xf32>,
      %parallel_loop3A_1311 = arith.constant 11979 : i32
      %parallel_loop3A_1312 = vector.broadcast %parallel_loop3A_1311 : i32 to vector<16xi32>
      %parallel_loop3A_1313 = arith.addi %parallel_loop3A_731, %parallel_loop3A_1312 : vector<16xi32>
      %parallel_loop3A_1314 = tpu.vector_load_idx %arg10[%parallel_loop3A_1313] : memref<13068xf32, #tpu.memory_space<vmem>>[vector<16xi32>], vector<16xf32>,
      %parallel_loop3A_1315 = arith.mulf %parallel_loop3A_58, %parallel_loop3A_1249 : vector<16xf32>
      %parallel_loop3A_1316 = arith.mulf %parallel_loop3A_73, %parallel_loop3A_1287 : vector<16xf32>
      %parallel_loop3A_1317 = arith.addf %parallel_loop3A_1315, %parallel_loop3A_1316 : vector<16xf32>
      %parallel_loop3A_1318 = arith.addf %parallel_loop3A_1317, %parallel_loop3A_1310 : vector<16xf32>
      %parallel_loop3A_1319 = arith.mulf %parallel_loop3A_58, %parallel_loop3A_1268 : vector<16xf32>
      %parallel_loop3A_1320 = arith.mulf %parallel_loop3A_73, %parallel_loop3A_1306 : vector<16xf32>
      %parallel_loop3A_1321 = arith.addf %parallel_loop3A_1319, %parallel_loop3A_1320 : vector<16xf32>
      %parallel_loop3A_1322 = arith.addf %parallel_loop3A_1321, %parallel_loop3A_1314 : vector<16xf32>
      %parallel_loop3A_1323 = arith.addf %parallel_loop3A_1318, %parallel_loop3A_1322 : vector<16xf32>
      %parallel_loop3A_1324 = arith.constant 1.000000e+00 : f32
      %parallel_loop3A_1325 = vector.broadcast %parallel_loop3A_1324 : f32 to vector<16xf32>
      %parallel_loop3A_1326 = arith.subf %parallel_loop3A_1325, %parallel_loop3A_1323 : vector<16xf32>
      %parallel_loop3A_1327 = arith.constant 0.000000e+00 : f32
      %parallel_loop3A_1328 = vector.broadcast %parallel_loop3A_1327 : f32 to vector<16xf32>
      %parallel_loop3A_1329 = arith.maximumf %parallel_loop3A_1326, %parallel_loop3A_1328 : vector<16xf32>
      %parallel_loop3A_1330 = arith.minimumf %parallel_loop3A_1230, %parallel_loop3A_1329 : vector<16xf32>
      %parallel_loop3A_1331 = tpu.vector_load_idx %arg11[%parallel_loop3A_731] : memref<1089xf32, #tpu.memory_space<vmem>>[vector<16xi32>], vector<16xf32>,
      %parallel_loop3A_1332 = tpu.bitcast %parallel_loop3A_1331 : vector<16xf32> -> vector<16xi32>
      %parallel_loop3A_1333 = arith.constant 16 : i32
      %parallel_loop3A_1334 = vector.broadcast %parallel_loop3A_1333 : i32 to vector<16xi32>
      %parallel_loop3A_1335 = arith.shrui %parallel_loop3A_1332, %parallel_loop3A_1334 : vector<16xi32>
      %parallel_loop3A_1336 = arith.constant 1 : i32
      %parallel_loop3A_1337 = vector.broadcast %parallel_loop3A_1336 : i32 to vector<16xi32>
      %parallel_loop3A_1338 = arith.andi %parallel_loop3A_1335, %parallel_loop3A_1337 : vector<16xi32>
      %parallel_loop3A_1339 = arith.constant 32767 : i32
      %parallel_loop3A_1340 = vector.broadcast %parallel_loop3A_1339 : i32 to vector<16xi32>
      %parallel_loop3A_1341 = arith.addi %parallel_loop3A_1332, %parallel_loop3A_1340 : vector<16xi32>
      %parallel_loop3A_1342 = arith.addi %parallel_loop3A_1341, %parallel_loop3A_1338 : vector<16xi32>
      %parallel_loop3A_1343 = arith.constant -65536 : i32
      %parallel_loop3A_1344 = vector.broadcast %parallel_loop3A_1343 : i32 to vector<16xi32>
      %parallel_loop3A_1345 = arith.andi %parallel_loop3A_1342, %parallel_loop3A_1344 : vector<16xi32>
      %parallel_loop3A_1346 = tpu.bitcast %parallel_loop3A_1345 : vector<16xi32> -> vector<16xf32>
      %parallel_loop3A_1347 = tpu.bitcast %parallel_loop3A_1330 : vector<16xf32> -> vector<16xi32>
      %parallel_loop3A_1348 = arith.constant 16 : i32
      %parallel_loop3A_1349 = vector.broadcast %parallel_loop3A_1348 : i32 to vector<16xi32>
      %parallel_loop3A_1350 = arith.shrui %parallel_loop3A_1347, %parallel_loop3A_1349 : vector<16xi32>
      %parallel_loop3A_1351 = arith.constant 1 : i32
      %parallel_loop3A_1352 = vector.broadcast %parallel_loop3A_1351 : i32 to vector<16xi32>
      %parallel_loop3A_1353 = arith.andi %parallel_loop3A_1350, %parallel_loop3A_1352 : vector<16xi32>
      %parallel_loop3A_1354 = arith.constant 32767 : i32
      %parallel_loop3A_1355 = vector.broadcast %parallel_loop3A_1354 : i32 to vector<16xi32>
      %parallel_loop3A_1356 = arith.addi %parallel_loop3A_1347, %parallel_loop3A_1355 : vector<16xi32>
      %parallel_loop3A_1357 = arith.addi %parallel_loop3A_1356, %parallel_loop3A_1353 : vector<16xi32>
      %parallel_loop3A_1358 = arith.constant -65536 : i32
      %parallel_loop3A_1359 = vector.broadcast %parallel_loop3A_1358 : i32 to vector<16xi32>
      %parallel_loop3A_1360 = arith.andi %parallel_loop3A_1357, %parallel_loop3A_1359 : vector<16xi32>
      %parallel_loop3A_1361 = tpu.bitcast %parallel_loop3A_1360 : vector<16xi32> -> vector<16xf32>
      %parallel_loop3A_1362 = arith.mulf %parallel_loop3A_1361, %parallel_loop3A_1346 : vector<16xf32>
      %parallel_loop3A_1363 = arith.addf %parallel_loop3A_728, %parallel_loop3A_1362 : vector<16xf32>
      %parallel_loop3A_1364 = arith.constant 33 : i32
      %parallel_loop3A_1365 = vector.broadcast %parallel_loop3A_1364 : i32 to vector<16xi32>
      %parallel_loop3A_1366 = arith.addi %parallel_loop3A_91, %parallel_loop3A_1365 : vector<16xi32>
      %parallel_loop3A_1367 = arith.constant 0 : i32
      %parallel_loop3A_1368 = vector.broadcast %parallel_loop3A_1367 : i32 to vector<16xi32>
      %parallel_loop3A_1369 = arith.addi %parallel_loop3A_1366, %parallel_loop3A_1368 : vector<16xi32>
      %parallel_loop3A_1370 = tpu.vector_load_idx %arg9[%parallel_loop3A_1369] : memref<26136xf32, #tpu.memory_space<vmem>>[vector<16xi32>], vector<16xf32>,
      %parallel_loop3A_1371 = tpu.bitcast %parallel_loop3A_1370 : vector<16xf32> -> vector<16xi32>
      %parallel_loop3A_1372 = arith.constant 16 : i32
      %parallel_loop3A_1373 = vector.broadcast %parallel_loop3A_1372 : i32 to vector<16xi32>
      %parallel_loop3A_1374 = arith.shrui %parallel_loop3A_1371, %parallel_loop3A_1373 : vector<16xi32>
      %parallel_loop3A_1375 = arith.constant 1 : i32
      %parallel_loop3A_1376 = vector.broadcast %parallel_loop3A_1375 : i32 to vector<16xi32>
      %parallel_loop3A_1377 = arith.andi %parallel_loop3A_1374, %parallel_loop3A_1376 : vector<16xi32>
      %parallel_loop3A_1378 = arith.constant 32767 : i32
      %parallel_loop3A_1379 = vector.broadcast %parallel_loop3A_1378 : i32 to vector<16xi32>
      %parallel_loop3A_1380 = arith.addi %parallel_loop3A_1371, %parallel_loop3A_1379 : vector<16xi32>
      %parallel_loop3A_1381 = arith.addi %parallel_loop3A_1380, %parallel_loop3A_1377 : vector<16xi32>
      %parallel_loop3A_1382 = arith.constant -65536 : i32
      %parallel_loop3A_1383 = vector.broadcast %parallel_loop3A_1382 : i32 to vector<16xi32>
      %parallel_loop3A_1384 = arith.andi %parallel_loop3A_1381, %parallel_loop3A_1383 : vector<16xi32>
      %parallel_loop3A_1385 = tpu.bitcast %parallel_loop3A_1384 : vector<16xi32> -> vector<16xf32>
      %parallel_loop3A_1386 = arith.constant 1089 : i32
      %parallel_loop3A_1387 = vector.broadcast %parallel_loop3A_1386 : i32 to vector<16xi32>
      %parallel_loop3A_1388 = arith.addi %parallel_loop3A_1366, %parallel_loop3A_1387 : vector<16xi32>
      %parallel_loop3A_1389 = tpu.vector_load_idx %arg9[%parallel_loop3A_1388] : memref<26136xf32, #tpu.memory_space<vmem>>[vector<16xi32>], vector<16xf32>,
      %parallel_loop3A_1390 = tpu.bitcast %parallel_loop3A_1389 : vector<16xf32> -> vector<16xi32>
      %parallel_loop3A_1391 = arith.constant 16 : i32
      %parallel_loop3A_1392 = vector.broadcast %parallel_loop3A_1391 : i32 to vector<16xi32>
      %parallel_loop3A_1393 = arith.shrui %parallel_loop3A_1390, %parallel_loop3A_1392 : vector<16xi32>
      %parallel_loop3A_1394 = arith.constant 1 : i32
      %parallel_loop3A_1395 = vector.broadcast %parallel_loop3A_1394 : i32 to vector<16xi32>
      %parallel_loop3A_1396 = arith.andi %parallel_loop3A_1393, %parallel_loop3A_1395 : vector<16xi32>
      %parallel_loop3A_1397 = arith.constant 32767 : i32
      %parallel_loop3A_1398 = vector.broadcast %parallel_loop3A_1397 : i32 to vector<16xi32>
      %parallel_loop3A_1399 = arith.addi %parallel_loop3A_1390, %parallel_loop3A_1398 : vector<16xi32>
      %parallel_loop3A_1400 = arith.addi %parallel_loop3A_1399, %parallel_loop3A_1396 : vector<16xi32>
      %parallel_loop3A_1401 = arith.constant -65536 : i32
      %parallel_loop3A_1402 = vector.broadcast %parallel_loop3A_1401 : i32 to vector<16xi32>
      %parallel_loop3A_1403 = arith.andi %parallel_loop3A_1400, %parallel_loop3A_1402 : vector<16xi32>
      %parallel_loop3A_1404 = tpu.bitcast %parallel_loop3A_1403 : vector<16xi32> -> vector<16xf32>
      %parallel_loop3A_1405 = arith.constant 2178 : i32
      %parallel_loop3A_1406 = vector.broadcast %parallel_loop3A_1405 : i32 to vector<16xi32>
      %parallel_loop3A_1407 = arith.addi %parallel_loop3A_1366, %parallel_loop3A_1406 : vector<16xi32>
      %parallel_loop3A_1408 = tpu.vector_load_idx %arg9[%parallel_loop3A_1407] : memref<26136xf32, #tpu.memory_space<vmem>>[vector<16xi32>], vector<16xf32>,
      %parallel_loop3A_1409 = tpu.bitcast %parallel_loop3A_1408 : vector<16xf32> -> vector<16xi32>
      %parallel_loop3A_1410 = arith.constant 16 : i32
      %parallel_loop3A_1411 = vector.broadcast %parallel_loop3A_1410 : i32 to vector<16xi32>
      %parallel_loop3A_1412 = arith.shrui %parallel_loop3A_1409, %parallel_loop3A_1411 : vector<16xi32>
      %parallel_loop3A_1413 = arith.constant 1 : i32
      %parallel_loop3A_1414 = vector.broadcast %parallel_loop3A_1413 : i32 to vector<16xi32>
      %parallel_loop3A_1415 = arith.andi %parallel_loop3A_1412, %parallel_loop3A_1414 : vector<16xi32>
      %parallel_loop3A_1416 = arith.constant 32767 : i32
      %parallel_loop3A_1417 = vector.broadcast %parallel_loop3A_1416 : i32 to vector<16xi32>
      %parallel_loop3A_1418 = arith.addi %parallel_loop3A_1409, %parallel_loop3A_1417 : vector<16xi32>
      %parallel_loop3A_1419 = arith.addi %parallel_loop3A_1418, %parallel_loop3A_1415 : vector<16xi32>
      %parallel_loop3A_1420 = arith.constant -65536 : i32
      %parallel_loop3A_1421 = vector.broadcast %parallel_loop3A_1420 : i32 to vector<16xi32>
      %parallel_loop3A_1422 = arith.andi %parallel_loop3A_1419, %parallel_loop3A_1421 : vector<16xi32>
      %parallel_loop3A_1423 = tpu.bitcast %parallel_loop3A_1422 : vector<16xi32> -> vector<16xf32>
      %parallel_loop3A_1424 = arith.constant 3267 : i32
      %parallel_loop3A_1425 = vector.broadcast %parallel_loop3A_1424 : i32 to vector<16xi32>
      %parallel_loop3A_1426 = arith.addi %parallel_loop3A_1366, %parallel_loop3A_1425 : vector<16xi32>
      %parallel_loop3A_1427 = tpu.vector_load_idx %arg9[%parallel_loop3A_1426] : memref<26136xf32, #tpu.memory_space<vmem>>[vector<16xi32>], vector<16xf32>,
      %parallel_loop3A_1428 = tpu.bitcast %parallel_loop3A_1427 : vector<16xf32> -> vector<16xi32>
      %parallel_loop3A_1429 = arith.constant 16 : i32
      %parallel_loop3A_1430 = vector.broadcast %parallel_loop3A_1429 : i32 to vector<16xi32>
      %parallel_loop3A_1431 = arith.shrui %parallel_loop3A_1428, %parallel_loop3A_1430 : vector<16xi32>
      %parallel_loop3A_1432 = arith.constant 1 : i32
      %parallel_loop3A_1433 = vector.broadcast %parallel_loop3A_1432 : i32 to vector<16xi32>
      %parallel_loop3A_1434 = arith.andi %parallel_loop3A_1431, %parallel_loop3A_1433 : vector<16xi32>
      %parallel_loop3A_1435 = arith.constant 32767 : i32
      %parallel_loop3A_1436 = vector.broadcast %parallel_loop3A_1435 : i32 to vector<16xi32>
      %parallel_loop3A_1437 = arith.addi %parallel_loop3A_1428, %parallel_loop3A_1436 : vector<16xi32>
      %parallel_loop3A_1438 = arith.addi %parallel_loop3A_1437, %parallel_loop3A_1434 : vector<16xi32>
      %parallel_loop3A_1439 = arith.constant -65536 : i32
      %parallel_loop3A_1440 = vector.broadcast %parallel_loop3A_1439 : i32 to vector<16xi32>
      %parallel_loop3A_1441 = arith.andi %parallel_loop3A_1438, %parallel_loop3A_1440 : vector<16xi32>
      %parallel_loop3A_1442 = tpu.bitcast %parallel_loop3A_1441 : vector<16xi32> -> vector<16xf32>
      %parallel_loop3A_1443 = arith.constant 0 : i32
      %parallel_loop3A_1444 = vector.broadcast %parallel_loop3A_1443 : i32 to vector<16xi32>
      %parallel_loop3A_1445 = arith.addi %parallel_loop3A_1366, %parallel_loop3A_1444 : vector<16xi32>
      %parallel_loop3A_1446 = tpu.vector_load_idx %arg10[%parallel_loop3A_1445] : memref<13068xf32, #tpu.memory_space<vmem>>[vector<16xi32>], vector<16xf32>,
      %parallel_loop3A_1447 = arith.constant 1089 : i32
      %parallel_loop3A_1448 = vector.broadcast %parallel_loop3A_1447 : i32 to vector<16xi32>
      %parallel_loop3A_1449 = arith.addi %parallel_loop3A_1366, %parallel_loop3A_1448 : vector<16xi32>
      %parallel_loop3A_1450 = tpu.vector_load_idx %arg10[%parallel_loop3A_1449] : memref<13068xf32, #tpu.memory_space<vmem>>[vector<16xi32>], vector<16xf32>,
      %parallel_loop3A_1451 = arith.mulf %parallel_loop3A_58, %parallel_loop3A_1385 : vector<16xf32>
      %parallel_loop3A_1452 = arith.mulf %parallel_loop3A_73, %parallel_loop3A_1423 : vector<16xf32>
      %parallel_loop3A_1453 = arith.addf %parallel_loop3A_1451, %parallel_loop3A_1452 : vector<16xf32>
      %parallel_loop3A_1454 = arith.addf %parallel_loop3A_1453, %parallel_loop3A_1446 : vector<16xf32>
      %parallel_loop3A_1455 = arith.mulf %parallel_loop3A_58, %parallel_loop3A_1404 : vector<16xf32>
      %parallel_loop3A_1456 = arith.mulf %parallel_loop3A_73, %parallel_loop3A_1442 : vector<16xf32>
      %parallel_loop3A_1457 = arith.addf %parallel_loop3A_1455, %parallel_loop3A_1456 : vector<16xf32>
      %parallel_loop3A_1458 = arith.addf %parallel_loop3A_1457, %parallel_loop3A_1450 : vector<16xf32>
      %parallel_loop3A_1459 = arith.addf %parallel_loop3A_1454, %parallel_loop3A_1458 : vector<16xf32>
      %parallel_loop3A_1460 = arith.constant 1.000000e+00 : f32
      %parallel_loop3A_1461 = vector.broadcast %parallel_loop3A_1460 : f32 to vector<16xf32>
      %parallel_loop3A_1462 = arith.subf %parallel_loop3A_1461, %parallel_loop3A_1459 : vector<16xf32>
      %parallel_loop3A_1463 = arith.constant 0.000000e+00 : f32
      %parallel_loop3A_1464 = vector.broadcast %parallel_loop3A_1463 : f32 to vector<16xf32>
      %parallel_loop3A_1465 = arith.maximumf %parallel_loop3A_1462, %parallel_loop3A_1464 : vector<16xf32>
      %parallel_loop3A_1466 = arith.constant 4356 : i32
      %parallel_loop3A_1467 = vector.broadcast %parallel_loop3A_1466 : i32 to vector<16xi32>
      %parallel_loop3A_1468 = arith.addi %parallel_loop3A_1366, %parallel_loop3A_1467 : vector<16xi32>
      %parallel_loop3A_1469 = tpu.vector_load_idx %arg9[%parallel_loop3A_1468] : memref<26136xf32, #tpu.memory_space<vmem>>[vector<16xi32>], vector<16xf32>,
      %parallel_loop3A_1470 = tpu.bitcast %parallel_loop3A_1469 : vector<16xf32> -> vector<16xi32>
      %parallel_loop3A_1471 = arith.constant 16 : i32
      %parallel_loop3A_1472 = vector.broadcast %parallel_loop3A_1471 : i32 to vector<16xi32>
      %parallel_loop3A_1473 = arith.shrui %parallel_loop3A_1470, %parallel_loop3A_1472 : vector<16xi32>
      %parallel_loop3A_1474 = arith.constant 1 : i32
      %parallel_loop3A_1475 = vector.broadcast %parallel_loop3A_1474 : i32 to vector<16xi32>
      %parallel_loop3A_1476 = arith.andi %parallel_loop3A_1473, %parallel_loop3A_1475 : vector<16xi32>
      %parallel_loop3A_1477 = arith.constant 32767 : i32
      %parallel_loop3A_1478 = vector.broadcast %parallel_loop3A_1477 : i32 to vector<16xi32>
      %parallel_loop3A_1479 = arith.addi %parallel_loop3A_1470, %parallel_loop3A_1478 : vector<16xi32>
      %parallel_loop3A_1480 = arith.addi %parallel_loop3A_1479, %parallel_loop3A_1476 : vector<16xi32>
      %parallel_loop3A_1481 = arith.constant -65536 : i32
      %parallel_loop3A_1482 = vector.broadcast %parallel_loop3A_1481 : i32 to vector<16xi32>
      %parallel_loop3A_1483 = arith.andi %parallel_loop3A_1480, %parallel_loop3A_1482 : vector<16xi32>
      %parallel_loop3A_1484 = tpu.bitcast %parallel_loop3A_1483 : vector<16xi32> -> vector<16xf32>
      %parallel_loop3A_1485 = arith.constant 5445 : i32
      %parallel_loop3A_1486 = vector.broadcast %parallel_loop3A_1485 : i32 to vector<16xi32>
      %parallel_loop3A_1487 = arith.addi %parallel_loop3A_1366, %parallel_loop3A_1486 : vector<16xi32>
      %parallel_loop3A_1488 = tpu.vector_load_idx %arg9[%parallel_loop3A_1487] : memref<26136xf32, #tpu.memory_space<vmem>>[vector<16xi32>], vector<16xf32>,
      %parallel_loop3A_1489 = tpu.bitcast %parallel_loop3A_1488 : vector<16xf32> -> vector<16xi32>
      %parallel_loop3A_1490 = arith.constant 16 : i32
      %parallel_loop3A_1491 = vector.broadcast %parallel_loop3A_1490 : i32 to vector<16xi32>
      %parallel_loop3A_1492 = arith.shrui %parallel_loop3A_1489, %parallel_loop3A_1491 : vector<16xi32>
      %parallel_loop3A_1493 = arith.constant 1 : i32
      %parallel_loop3A_1494 = vector.broadcast %parallel_loop3A_1493 : i32 to vector<16xi32>
      %parallel_loop3A_1495 = arith.andi %parallel_loop3A_1492, %parallel_loop3A_1494 : vector<16xi32>
      %parallel_loop3A_1496 = arith.constant 32767 : i32
      %parallel_loop3A_1497 = vector.broadcast %parallel_loop3A_1496 : i32 to vector<16xi32>
      %parallel_loop3A_1498 = arith.addi %parallel_loop3A_1489, %parallel_loop3A_1497 : vector<16xi32>
      %parallel_loop3A_1499 = arith.addi %parallel_loop3A_1498, %parallel_loop3A_1495 : vector<16xi32>
      %parallel_loop3A_1500 = arith.constant -65536 : i32
      %parallel_loop3A_1501 = vector.broadcast %parallel_loop3A_1500 : i32 to vector<16xi32>
      %parallel_loop3A_1502 = arith.andi %parallel_loop3A_1499, %parallel_loop3A_1501 : vector<16xi32>
      %parallel_loop3A_1503 = tpu.bitcast %parallel_loop3A_1502 : vector<16xi32> -> vector<16xf32>
      %parallel_loop3A_1504 = arith.constant 6534 : i32
      %parallel_loop3A_1505 = vector.broadcast %parallel_loop3A_1504 : i32 to vector<16xi32>
      %parallel_loop3A_1506 = arith.addi %parallel_loop3A_1366, %parallel_loop3A_1505 : vector<16xi32>
      %parallel_loop3A_1507 = tpu.vector_load_idx %arg9[%parallel_loop3A_1506] : memref<26136xf32, #tpu.memory_space<vmem>>[vector<16xi32>], vector<16xf32>,
      %parallel_loop3A_1508 = tpu.bitcast %parallel_loop3A_1507 : vector<16xf32> -> vector<16xi32>
      %parallel_loop3A_1509 = arith.constant 16 : i32
      %parallel_loop3A_1510 = vector.broadcast %parallel_loop3A_1509 : i32 to vector<16xi32>
      %parallel_loop3A_1511 = arith.shrui %parallel_loop3A_1508, %parallel_loop3A_1510 : vector<16xi32>
      %parallel_loop3A_1512 = arith.constant 1 : i32
      %parallel_loop3A_1513 = vector.broadcast %parallel_loop3A_1512 : i32 to vector<16xi32>
      %parallel_loop3A_1514 = arith.andi %parallel_loop3A_1511, %parallel_loop3A_1513 : vector<16xi32>
      %parallel_loop3A_1515 = arith.constant 32767 : i32
      %parallel_loop3A_1516 = vector.broadcast %parallel_loop3A_1515 : i32 to vector<16xi32>
      %parallel_loop3A_1517 = arith.addi %parallel_loop3A_1508, %parallel_loop3A_1516 : vector<16xi32>
      %parallel_loop3A_1518 = arith.addi %parallel_loop3A_1517, %parallel_loop3A_1514 : vector<16xi32>
      %parallel_loop3A_1519 = arith.constant -65536 : i32
      %parallel_loop3A_1520 = vector.broadcast %parallel_loop3A_1519 : i32 to vector<16xi32>
      %parallel_loop3A_1521 = arith.andi %parallel_loop3A_1518, %parallel_loop3A_1520 : vector<16xi32>
      %parallel_loop3A_1522 = tpu.bitcast %parallel_loop3A_1521 : vector<16xi32> -> vector<16xf32>
      %parallel_loop3A_1523 = arith.constant 7623 : i32
      %parallel_loop3A_1524 = vector.broadcast %parallel_loop3A_1523 : i32 to vector<16xi32>
      %parallel_loop3A_1525 = arith.addi %parallel_loop3A_1366, %parallel_loop3A_1524 : vector<16xi32>
      %parallel_loop3A_1526 = tpu.vector_load_idx %arg9[%parallel_loop3A_1525] : memref<26136xf32, #tpu.memory_space<vmem>>[vector<16xi32>], vector<16xf32>,
      %parallel_loop3A_1527 = tpu.bitcast %parallel_loop3A_1526 : vector<16xf32> -> vector<16xi32>
      %parallel_loop3A_1528 = arith.constant 16 : i32
      %parallel_loop3A_1529 = vector.broadcast %parallel_loop3A_1528 : i32 to vector<16xi32>
      %parallel_loop3A_1530 = arith.shrui %parallel_loop3A_1527, %parallel_loop3A_1529 : vector<16xi32>
      %parallel_loop3A_1531 = arith.constant 1 : i32
      %parallel_loop3A_1532 = vector.broadcast %parallel_loop3A_1531 : i32 to vector<16xi32>
      %parallel_loop3A_1533 = arith.andi %parallel_loop3A_1530, %parallel_loop3A_1532 : vector<16xi32>
      %parallel_loop3A_1534 = arith.constant 32767 : i32
      %parallel_loop3A_1535 = vector.broadcast %parallel_loop3A_1534 : i32 to vector<16xi32>
      %parallel_loop3A_1536 = arith.addi %parallel_loop3A_1527, %parallel_loop3A_1535 : vector<16xi32>
      %parallel_loop3A_1537 = arith.addi %parallel_loop3A_1536, %parallel_loop3A_1533 : vector<16xi32>
      %parallel_loop3A_1538 = arith.constant -65536 : i32
      %parallel_loop3A_1539 = vector.broadcast %parallel_loop3A_1538 : i32 to vector<16xi32>
      %parallel_loop3A_1540 = arith.andi %parallel_loop3A_1537, %parallel_loop3A_1539 : vector<16xi32>
      %parallel_loop3A_1541 = tpu.bitcast %parallel_loop3A_1540 : vector<16xi32> -> vector<16xf32>
      %parallel_loop3A_1542 = arith.constant 2178 : i32
      %parallel_loop3A_1543 = vector.broadcast %parallel_loop3A_1542 : i32 to vector<16xi32>
      %parallel_loop3A_1544 = arith.addi %parallel_loop3A_1366, %parallel_loop3A_1543 : vector<16xi32>
      %parallel_loop3A_1545 = tpu.vector_load_idx %arg10[%parallel_loop3A_1544] : memref<13068xf32, #tpu.memory_space<vmem>>[vector<16xi32>], vector<16xf32>,
      %parallel_loop3A_1546 = arith.constant 3267 : i32
      %parallel_loop3A_1547 = vector.broadcast %parallel_loop3A_1546 : i32 to vector<16xi32>
      %parallel_loop3A_1548 = arith.addi %parallel_loop3A_1366, %parallel_loop3A_1547 : vector<16xi32>
      %parallel_loop3A_1549 = tpu.vector_load_idx %arg10[%parallel_loop3A_1548] : memref<13068xf32, #tpu.memory_space<vmem>>[vector<16xi32>], vector<16xf32>,
      %parallel_loop3A_1550 = arith.mulf %parallel_loop3A_58, %parallel_loop3A_1484 : vector<16xf32>
      %parallel_loop3A_1551 = arith.mulf %parallel_loop3A_73, %parallel_loop3A_1522 : vector<16xf32>
      %parallel_loop3A_1552 = arith.addf %parallel_loop3A_1550, %parallel_loop3A_1551 : vector<16xf32>
      %parallel_loop3A_1553 = arith.addf %parallel_loop3A_1552, %parallel_loop3A_1545 : vector<16xf32>
      %parallel_loop3A_1554 = arith.mulf %parallel_loop3A_58, %parallel_loop3A_1503 : vector<16xf32>
      %parallel_loop3A_1555 = arith.mulf %parallel_loop3A_73, %parallel_loop3A_1541 : vector<16xf32>
      %parallel_loop3A_1556 = arith.addf %parallel_loop3A_1554, %parallel_loop3A_1555 : vector<16xf32>
      %parallel_loop3A_1557 = arith.addf %parallel_loop3A_1556, %parallel_loop3A_1549 : vector<16xf32>
      %parallel_loop3A_1558 = arith.addf %parallel_loop3A_1553, %parallel_loop3A_1557 : vector<16xf32>
      %parallel_loop3A_1559 = arith.constant 1.000000e+00 : f32
      %parallel_loop3A_1560 = vector.broadcast %parallel_loop3A_1559 : f32 to vector<16xf32>
      %parallel_loop3A_1561 = arith.subf %parallel_loop3A_1560, %parallel_loop3A_1558 : vector<16xf32>
      %parallel_loop3A_1562 = arith.constant 0.000000e+00 : f32
      %parallel_loop3A_1563 = vector.broadcast %parallel_loop3A_1562 : f32 to vector<16xf32>
      %parallel_loop3A_1564 = arith.maximumf %parallel_loop3A_1561, %parallel_loop3A_1563 : vector<16xf32>
      %parallel_loop3A_1565 = arith.minimumf %parallel_loop3A_1465, %parallel_loop3A_1564 : vector<16xf32>
      %parallel_loop3A_1566 = arith.constant 8712 : i32
      %parallel_loop3A_1567 = vector.broadcast %parallel_loop3A_1566 : i32 to vector<16xi32>
      %parallel_loop3A_1568 = arith.addi %parallel_loop3A_1366, %parallel_loop3A_1567 : vector<16xi32>
      %parallel_loop3A_1569 = tpu.vector_load_idx %arg9[%parallel_loop3A_1568] : memref<26136xf32, #tpu.memory_space<vmem>>[vector<16xi32>], vector<16xf32>,
      %parallel_loop3A_1570 = tpu.bitcast %parallel_loop3A_1569 : vector<16xf32> -> vector<16xi32>
      %parallel_loop3A_1571 = arith.constant 16 : i32
      %parallel_loop3A_1572 = vector.broadcast %parallel_loop3A_1571 : i32 to vector<16xi32>
      %parallel_loop3A_1573 = arith.shrui %parallel_loop3A_1570, %parallel_loop3A_1572 : vector<16xi32>
      %parallel_loop3A_1574 = arith.constant 1 : i32
      %parallel_loop3A_1575 = vector.broadcast %parallel_loop3A_1574 : i32 to vector<16xi32>
      %parallel_loop3A_1576 = arith.andi %parallel_loop3A_1573, %parallel_loop3A_1575 : vector<16xi32>
      %parallel_loop3A_1577 = arith.constant 32767 : i32
      %parallel_loop3A_1578 = vector.broadcast %parallel_loop3A_1577 : i32 to vector<16xi32>
      %parallel_loop3A_1579 = arith.addi %parallel_loop3A_1570, %parallel_loop3A_1578 : vector<16xi32>
      %parallel_loop3A_1580 = arith.addi %parallel_loop3A_1579, %parallel_loop3A_1576 : vector<16xi32>
      %parallel_loop3A_1581 = arith.constant -65536 : i32
      %parallel_loop3A_1582 = vector.broadcast %parallel_loop3A_1581 : i32 to vector<16xi32>
      %parallel_loop3A_1583 = arith.andi %parallel_loop3A_1580, %parallel_loop3A_1582 : vector<16xi32>
      %parallel_loop3A_1584 = tpu.bitcast %parallel_loop3A_1583 : vector<16xi32> -> vector<16xf32>
      %parallel_loop3A_1585 = arith.constant 9801 : i32
      %parallel_loop3A_1586 = vector.broadcast %parallel_loop3A_1585 : i32 to vector<16xi32>
      %parallel_loop3A_1587 = arith.addi %parallel_loop3A_1366, %parallel_loop3A_1586 : vector<16xi32>
      %parallel_loop3A_1588 = tpu.vector_load_idx %arg9[%parallel_loop3A_1587] : memref<26136xf32, #tpu.memory_space<vmem>>[vector<16xi32>], vector<16xf32>,
      %parallel_loop3A_1589 = tpu.bitcast %parallel_loop3A_1588 : vector<16xf32> -> vector<16xi32>
      %parallel_loop3A_1590 = arith.constant 16 : i32
      %parallel_loop3A_1591 = vector.broadcast %parallel_loop3A_1590 : i32 to vector<16xi32>
      %parallel_loop3A_1592 = arith.shrui %parallel_loop3A_1589, %parallel_loop3A_1591 : vector<16xi32>
      %parallel_loop3A_1593 = arith.constant 1 : i32
      %parallel_loop3A_1594 = vector.broadcast %parallel_loop3A_1593 : i32 to vector<16xi32>
      %parallel_loop3A_1595 = arith.andi %parallel_loop3A_1592, %parallel_loop3A_1594 : vector<16xi32>
      %parallel_loop3A_1596 = arith.constant 32767 : i32
      %parallel_loop3A_1597 = vector.broadcast %parallel_loop3A_1596 : i32 to vector<16xi32>
      %parallel_loop3A_1598 = arith.addi %parallel_loop3A_1589, %parallel_loop3A_1597 : vector<16xi32>
      %parallel_loop3A_1599 = arith.addi %parallel_loop3A_1598, %parallel_loop3A_1595 : vector<16xi32>
      %parallel_loop3A_1600 = arith.constant -65536 : i32
      %parallel_loop3A_1601 = vector.broadcast %parallel_loop3A_1600 : i32 to vector<16xi32>
      %parallel_loop3A_1602 = arith.andi %parallel_loop3A_1599, %parallel_loop3A_1601 : vector<16xi32>
      %parallel_loop3A_1603 = tpu.bitcast %parallel_loop3A_1602 : vector<16xi32> -> vector<16xf32>
      %parallel_loop3A_1604 = arith.constant 10890 : i32
      %parallel_loop3A_1605 = vector.broadcast %parallel_loop3A_1604 : i32 to vector<16xi32>
      %parallel_loop3A_1606 = arith.addi %parallel_loop3A_1366, %parallel_loop3A_1605 : vector<16xi32>
      %parallel_loop3A_1607 = tpu.vector_load_idx %arg9[%parallel_loop3A_1606] : memref<26136xf32, #tpu.memory_space<vmem>>[vector<16xi32>], vector<16xf32>,
      %parallel_loop3A_1608 = tpu.bitcast %parallel_loop3A_1607 : vector<16xf32> -> vector<16xi32>
      %parallel_loop3A_1609 = arith.constant 16 : i32
      %parallel_loop3A_1610 = vector.broadcast %parallel_loop3A_1609 : i32 to vector<16xi32>
      %parallel_loop3A_1611 = arith.shrui %parallel_loop3A_1608, %parallel_loop3A_1610 : vector<16xi32>
      %parallel_loop3A_1612 = arith.constant 1 : i32
      %parallel_loop3A_1613 = vector.broadcast %parallel_loop3A_1612 : i32 to vector<16xi32>
      %parallel_loop3A_1614 = arith.andi %parallel_loop3A_1611, %parallel_loop3A_1613 : vector<16xi32>
      %parallel_loop3A_1615 = arith.constant 32767 : i32
      %parallel_loop3A_1616 = vector.broadcast %parallel_loop3A_1615 : i32 to vector<16xi32>
      %parallel_loop3A_1617 = arith.addi %parallel_loop3A_1608, %parallel_loop3A_1616 : vector<16xi32>
      %parallel_loop3A_1618 = arith.addi %parallel_loop3A_1617, %parallel_loop3A_1614 : vector<16xi32>
      %parallel_loop3A_1619 = arith.constant -65536 : i32
      %parallel_loop3A_1620 = vector.broadcast %parallel_loop3A_1619 : i32 to vector<16xi32>
      %parallel_loop3A_1621 = arith.andi %parallel_loop3A_1618, %parallel_loop3A_1620 : vector<16xi32>
      %parallel_loop3A_1622 = tpu.bitcast %parallel_loop3A_1621 : vector<16xi32> -> vector<16xf32>
      %parallel_loop3A_1623 = arith.constant 11979 : i32
      %parallel_loop3A_1624 = vector.broadcast %parallel_loop3A_1623 : i32 to vector<16xi32>
      %parallel_loop3A_1625 = arith.addi %parallel_loop3A_1366, %parallel_loop3A_1624 : vector<16xi32>
      %parallel_loop3A_1626 = tpu.vector_load_idx %arg9[%parallel_loop3A_1625] : memref<26136xf32, #tpu.memory_space<vmem>>[vector<16xi32>], vector<16xf32>,
      %parallel_loop3A_1627 = tpu.bitcast %parallel_loop3A_1626 : vector<16xf32> -> vector<16xi32>
      %parallel_loop3A_1628 = arith.constant 16 : i32
      %parallel_loop3A_1629 = vector.broadcast %parallel_loop3A_1628 : i32 to vector<16xi32>
      %parallel_loop3A_1630 = arith.shrui %parallel_loop3A_1627, %parallel_loop3A_1629 : vector<16xi32>
      %parallel_loop3A_1631 = arith.constant 1 : i32
      %parallel_loop3A_1632 = vector.broadcast %parallel_loop3A_1631 : i32 to vector<16xi32>
      %parallel_loop3A_1633 = arith.andi %parallel_loop3A_1630, %parallel_loop3A_1632 : vector<16xi32>
      %parallel_loop3A_1634 = arith.constant 32767 : i32
      %parallel_loop3A_1635 = vector.broadcast %parallel_loop3A_1634 : i32 to vector<16xi32>
      %parallel_loop3A_1636 = arith.addi %parallel_loop3A_1627, %parallel_loop3A_1635 : vector<16xi32>
      %parallel_loop3A_1637 = arith.addi %parallel_loop3A_1636, %parallel_loop3A_1633 : vector<16xi32>
      %parallel_loop3A_1638 = arith.constant -65536 : i32
      %parallel_loop3A_1639 = vector.broadcast %parallel_loop3A_1638 : i32 to vector<16xi32>
      %parallel_loop3A_1640 = arith.andi %parallel_loop3A_1637, %parallel_loop3A_1639 : vector<16xi32>
      %parallel_loop3A_1641 = tpu.bitcast %parallel_loop3A_1640 : vector<16xi32> -> vector<16xf32>
      %parallel_loop3A_1642 = arith.constant 4356 : i32
      %parallel_loop3A_1643 = vector.broadcast %parallel_loop3A_1642 : i32 to vector<16xi32>
      %parallel_loop3A_1644 = arith.addi %parallel_loop3A_1366, %parallel_loop3A_1643 : vector<16xi32>
      %parallel_loop3A_1645 = tpu.vector_load_idx %arg10[%parallel_loop3A_1644] : memref<13068xf32, #tpu.memory_space<vmem>>[vector<16xi32>], vector<16xf32>,
      %parallel_loop3A_1646 = arith.constant 5445 : i32
      %parallel_loop3A_1647 = vector.broadcast %parallel_loop3A_1646 : i32 to vector<16xi32>
      %parallel_loop3A_1648 = arith.addi %parallel_loop3A_1366, %parallel_loop3A_1647 : vector<16xi32>
      %parallel_loop3A_1649 = tpu.vector_load_idx %arg10[%parallel_loop3A_1648] : memref<13068xf32, #tpu.memory_space<vmem>>[vector<16xi32>], vector<16xf32>,
      %parallel_loop3A_1650 = arith.mulf %parallel_loop3A_58, %parallel_loop3A_1584 : vector<16xf32>
      %parallel_loop3A_1651 = arith.mulf %parallel_loop3A_73, %parallel_loop3A_1622 : vector<16xf32>
      %parallel_loop3A_1652 = arith.addf %parallel_loop3A_1650, %parallel_loop3A_1651 : vector<16xf32>
      %parallel_loop3A_1653 = arith.addf %parallel_loop3A_1652, %parallel_loop3A_1645 : vector<16xf32>
      %parallel_loop3A_1654 = arith.mulf %parallel_loop3A_58, %parallel_loop3A_1603 : vector<16xf32>
      %parallel_loop3A_1655 = arith.mulf %parallel_loop3A_73, %parallel_loop3A_1641 : vector<16xf32>
      %parallel_loop3A_1656 = arith.addf %parallel_loop3A_1654, %parallel_loop3A_1655 : vector<16xf32>
      %parallel_loop3A_1657 = arith.addf %parallel_loop3A_1656, %parallel_loop3A_1649 : vector<16xf32>
      %parallel_loop3A_1658 = arith.addf %parallel_loop3A_1653, %parallel_loop3A_1657 : vector<16xf32>
      %parallel_loop3A_1659 = arith.constant 1.000000e+00 : f32
      %parallel_loop3A_1660 = vector.broadcast %parallel_loop3A_1659 : f32 to vector<16xf32>
      %parallel_loop3A_1661 = arith.subf %parallel_loop3A_1660, %parallel_loop3A_1658 : vector<16xf32>
      %parallel_loop3A_1662 = arith.constant 0.000000e+00 : f32
      %parallel_loop3A_1663 = vector.broadcast %parallel_loop3A_1662 : f32 to vector<16xf32>
      %parallel_loop3A_1664 = arith.maximumf %parallel_loop3A_1661, %parallel_loop3A_1663 : vector<16xf32>
      %parallel_loop3A_1665 = arith.minimumf %parallel_loop3A_1565, %parallel_loop3A_1664 : vector<16xf32>
      %parallel_loop3A_1666 = arith.constant 13068 : i32
      %parallel_loop3A_1667 = vector.broadcast %parallel_loop3A_1666 : i32 to vector<16xi32>
      %parallel_loop3A_1668 = arith.addi %parallel_loop3A_1366, %parallel_loop3A_1667 : vector<16xi32>
      %parallel_loop3A_1669 = tpu.vector_load_idx %arg9[%parallel_loop3A_1668] : memref<26136xf32, #tpu.memory_space<vmem>>[vector<16xi32>], vector<16xf32>,
      %parallel_loop3A_1670 = tpu.bitcast %parallel_loop3A_1669 : vector<16xf32> -> vector<16xi32>
      %parallel_loop3A_1671 = arith.constant 16 : i32
      %parallel_loop3A_1672 = vector.broadcast %parallel_loop3A_1671 : i32 to vector<16xi32>
      %parallel_loop3A_1673 = arith.shrui %parallel_loop3A_1670, %parallel_loop3A_1672 : vector<16xi32>
      %parallel_loop3A_1674 = arith.constant 1 : i32
      %parallel_loop3A_1675 = vector.broadcast %parallel_loop3A_1674 : i32 to vector<16xi32>
      %parallel_loop3A_1676 = arith.andi %parallel_loop3A_1673, %parallel_loop3A_1675 : vector<16xi32>
      %parallel_loop3A_1677 = arith.constant 32767 : i32
      %parallel_loop3A_1678 = vector.broadcast %parallel_loop3A_1677 : i32 to vector<16xi32>
      %parallel_loop3A_1679 = arith.addi %parallel_loop3A_1670, %parallel_loop3A_1678 : vector<16xi32>
      %parallel_loop3A_1680 = arith.addi %parallel_loop3A_1679, %parallel_loop3A_1676 : vector<16xi32>
      %parallel_loop3A_1681 = arith.constant -65536 : i32
      %parallel_loop3A_1682 = vector.broadcast %parallel_loop3A_1681 : i32 to vector<16xi32>
      %parallel_loop3A_1683 = arith.andi %parallel_loop3A_1680, %parallel_loop3A_1682 : vector<16xi32>
      %parallel_loop3A_1684 = tpu.bitcast %parallel_loop3A_1683 : vector<16xi32> -> vector<16xf32>
      %parallel_loop3A_1685 = arith.constant 14157 : i32
      %parallel_loop3A_1686 = vector.broadcast %parallel_loop3A_1685 : i32 to vector<16xi32>
      %parallel_loop3A_1687 = arith.addi %parallel_loop3A_1366, %parallel_loop3A_1686 : vector<16xi32>
      %parallel_loop3A_1688 = tpu.vector_load_idx %arg9[%parallel_loop3A_1687] : memref<26136xf32, #tpu.memory_space<vmem>>[vector<16xi32>], vector<16xf32>,
      %parallel_loop3A_1689 = tpu.bitcast %parallel_loop3A_1688 : vector<16xf32> -> vector<16xi32>
      %parallel_loop3A_1690 = arith.constant 16 : i32
      %parallel_loop3A_1691 = vector.broadcast %parallel_loop3A_1690 : i32 to vector<16xi32>
      %parallel_loop3A_1692 = arith.shrui %parallel_loop3A_1689, %parallel_loop3A_1691 : vector<16xi32>
      %parallel_loop3A_1693 = arith.constant 1 : i32
      %parallel_loop3A_1694 = vector.broadcast %parallel_loop3A_1693 : i32 to vector<16xi32>
      %parallel_loop3A_1695 = arith.andi %parallel_loop3A_1692, %parallel_loop3A_1694 : vector<16xi32>
      %parallel_loop3A_1696 = arith.constant 32767 : i32
      %parallel_loop3A_1697 = vector.broadcast %parallel_loop3A_1696 : i32 to vector<16xi32>
      %parallel_loop3A_1698 = arith.addi %parallel_loop3A_1689, %parallel_loop3A_1697 : vector<16xi32>
      %parallel_loop3A_1699 = arith.addi %parallel_loop3A_1698, %parallel_loop3A_1695 : vector<16xi32>
      %parallel_loop3A_1700 = arith.constant -65536 : i32
      %parallel_loop3A_1701 = vector.broadcast %parallel_loop3A_1700 : i32 to vector<16xi32>
      %parallel_loop3A_1702 = arith.andi %parallel_loop3A_1699, %parallel_loop3A_1701 : vector<16xi32>
      %parallel_loop3A_1703 = tpu.bitcast %parallel_loop3A_1702 : vector<16xi32> -> vector<16xf32>
      %parallel_loop3A_1704 = arith.constant 15246 : i32
      %parallel_loop3A_1705 = vector.broadcast %parallel_loop3A_1704 : i32 to vector<16xi32>
      %parallel_loop3A_1706 = arith.addi %parallel_loop3A_1366, %parallel_loop3A_1705 : vector<16xi32>
      %parallel_loop3A_1707 = tpu.vector_load_idx %arg9[%parallel_loop3A_1706] : memref<26136xf32, #tpu.memory_space<vmem>>[vector<16xi32>], vector<16xf32>,
      %parallel_loop3A_1708 = tpu.bitcast %parallel_loop3A_1707 : vector<16xf32> -> vector<16xi32>
      %parallel_loop3A_1709 = arith.constant 16 : i32
      %parallel_loop3A_1710 = vector.broadcast %parallel_loop3A_1709 : i32 to vector<16xi32>
      %parallel_loop3A_1711 = arith.shrui %parallel_loop3A_1708, %parallel_loop3A_1710 : vector<16xi32>
      %parallel_loop3A_1712 = arith.constant 1 : i32
      %parallel_loop3A_1713 = vector.broadcast %parallel_loop3A_1712 : i32 to vector<16xi32>
      %parallel_loop3A_1714 = arith.andi %parallel_loop3A_1711, %parallel_loop3A_1713 : vector<16xi32>
      %parallel_loop3A_1715 = arith.constant 32767 : i32
      %parallel_loop3A_1716 = vector.broadcast %parallel_loop3A_1715 : i32 to vector<16xi32>
      %parallel_loop3A_1717 = arith.addi %parallel_loop3A_1708, %parallel_loop3A_1716 : vector<16xi32>
      %parallel_loop3A_1718 = arith.addi %parallel_loop3A_1717, %parallel_loop3A_1714 : vector<16xi32>
      %parallel_loop3A_1719 = arith.constant -65536 : i32
      %parallel_loop3A_1720 = vector.broadcast %parallel_loop3A_1719 : i32 to vector<16xi32>
      %parallel_loop3A_1721 = arith.andi %parallel_loop3A_1718, %parallel_loop3A_1720 : vector<16xi32>
      %parallel_loop3A_1722 = tpu.bitcast %parallel_loop3A_1721 : vector<16xi32> -> vector<16xf32>
      %parallel_loop3A_1723 = arith.constant 16335 : i32
      %parallel_loop3A_1724 = vector.broadcast %parallel_loop3A_1723 : i32 to vector<16xi32>
      %parallel_loop3A_1725 = arith.addi %parallel_loop3A_1366, %parallel_loop3A_1724 : vector<16xi32>
      %parallel_loop3A_1726 = tpu.vector_load_idx %arg9[%parallel_loop3A_1725] : memref<26136xf32, #tpu.memory_space<vmem>>[vector<16xi32>], vector<16xf32>,
      %parallel_loop3A_1727 = tpu.bitcast %parallel_loop3A_1726 : vector<16xf32> -> vector<16xi32>
      %parallel_loop3A_1728 = arith.constant 16 : i32
      %parallel_loop3A_1729 = vector.broadcast %parallel_loop3A_1728 : i32 to vector<16xi32>
      %parallel_loop3A_1730 = arith.shrui %parallel_loop3A_1727, %parallel_loop3A_1729 : vector<16xi32>
      %parallel_loop3A_1731 = arith.constant 1 : i32
      %parallel_loop3A_1732 = vector.broadcast %parallel_loop3A_1731 : i32 to vector<16xi32>
      %parallel_loop3A_1733 = arith.andi %parallel_loop3A_1730, %parallel_loop3A_1732 : vector<16xi32>
      %parallel_loop3A_1734 = arith.constant 32767 : i32
      %parallel_loop3A_1735 = vector.broadcast %parallel_loop3A_1734 : i32 to vector<16xi32>
      %parallel_loop3A_1736 = arith.addi %parallel_loop3A_1727, %parallel_loop3A_1735 : vector<16xi32>
      %parallel_loop3A_1737 = arith.addi %parallel_loop3A_1736, %parallel_loop3A_1733 : vector<16xi32>
      %parallel_loop3A_1738 = arith.constant -65536 : i32
      %parallel_loop3A_1739 = vector.broadcast %parallel_loop3A_1738 : i32 to vector<16xi32>
      %parallel_loop3A_1740 = arith.andi %parallel_loop3A_1737, %parallel_loop3A_1739 : vector<16xi32>
      %parallel_loop3A_1741 = tpu.bitcast %parallel_loop3A_1740 : vector<16xi32> -> vector<16xf32>
      %parallel_loop3A_1742 = arith.constant 6534 : i32
      %parallel_loop3A_1743 = vector.broadcast %parallel_loop3A_1742 : i32 to vector<16xi32>
      %parallel_loop3A_1744 = arith.addi %parallel_loop3A_1366, %parallel_loop3A_1743 : vector<16xi32>
      %parallel_loop3A_1745 = tpu.vector_load_idx %arg10[%parallel_loop3A_1744] : memref<13068xf32, #tpu.memory_space<vmem>>[vector<16xi32>], vector<16xf32>,
      %parallel_loop3A_1746 = arith.constant 7623 : i32
      %parallel_loop3A_1747 = vector.broadcast %parallel_loop3A_1746 : i32 to vector<16xi32>
      %parallel_loop3A_1748 = arith.addi %parallel_loop3A_1366, %parallel_loop3A_1747 : vector<16xi32>
      %parallel_loop3A_1749 = tpu.vector_load_idx %arg10[%parallel_loop3A_1748] : memref<13068xf32, #tpu.memory_space<vmem>>[vector<16xi32>], vector<16xf32>,
      %parallel_loop3A_1750 = arith.mulf %parallel_loop3A_58, %parallel_loop3A_1684 : vector<16xf32>
      %parallel_loop3A_1751 = arith.mulf %parallel_loop3A_73, %parallel_loop3A_1722 : vector<16xf32>
      %parallel_loop3A_1752 = arith.addf %parallel_loop3A_1750, %parallel_loop3A_1751 : vector<16xf32>
      %parallel_loop3A_1753 = arith.addf %parallel_loop3A_1752, %parallel_loop3A_1745 : vector<16xf32>
      %parallel_loop3A_1754 = arith.mulf %parallel_loop3A_58, %parallel_loop3A_1703 : vector<16xf32>
      %parallel_loop3A_1755 = arith.mulf %parallel_loop3A_73, %parallel_loop3A_1741 : vector<16xf32>
      %parallel_loop3A_1756 = arith.addf %parallel_loop3A_1754, %parallel_loop3A_1755 : vector<16xf32>
      %parallel_loop3A_1757 = arith.addf %parallel_loop3A_1756, %parallel_loop3A_1749 : vector<16xf32>
      %parallel_loop3A_1758 = arith.addf %parallel_loop3A_1753, %parallel_loop3A_1757 : vector<16xf32>
      %parallel_loop3A_1759 = arith.constant 1.000000e+00 : f32
      %parallel_loop3A_1760 = vector.broadcast %parallel_loop3A_1759 : f32 to vector<16xf32>
      %parallel_loop3A_1761 = arith.subf %parallel_loop3A_1760, %parallel_loop3A_1758 : vector<16xf32>
      %parallel_loop3A_1762 = arith.constant 0.000000e+00 : f32
      %parallel_loop3A_1763 = vector.broadcast %parallel_loop3A_1762 : f32 to vector<16xf32>
      %parallel_loop3A_1764 = arith.maximumf %parallel_loop3A_1761, %parallel_loop3A_1763 : vector<16xf32>
      %parallel_loop3A_1765 = arith.minimumf %parallel_loop3A_1665, %parallel_loop3A_1764 : vector<16xf32>
      %parallel_loop3A_1766 = arith.constant 17424 : i32
      %parallel_loop3A_1767 = vector.broadcast %parallel_loop3A_1766 : i32 to vector<16xi32>
      %parallel_loop3A_1768 = arith.addi %parallel_loop3A_1366, %parallel_loop3A_1767 : vector<16xi32>
      %parallel_loop3A_1769 = tpu.vector_load_idx %arg9[%parallel_loop3A_1768] : memref<26136xf32, #tpu.memory_space<vmem>>[vector<16xi32>], vector<16xf32>,
      %parallel_loop3A_1770 = tpu.bitcast %parallel_loop3A_1769 : vector<16xf32> -> vector<16xi32>
      %parallel_loop3A_1771 = arith.constant 16 : i32
      %parallel_loop3A_1772 = vector.broadcast %parallel_loop3A_1771 : i32 to vector<16xi32>
      %parallel_loop3A_1773 = arith.shrui %parallel_loop3A_1770, %parallel_loop3A_1772 : vector<16xi32>
      %parallel_loop3A_1774 = arith.constant 1 : i32
      %parallel_loop3A_1775 = vector.broadcast %parallel_loop3A_1774 : i32 to vector<16xi32>
      %parallel_loop3A_1776 = arith.andi %parallel_loop3A_1773, %parallel_loop3A_1775 : vector<16xi32>
      %parallel_loop3A_1777 = arith.constant 32767 : i32
      %parallel_loop3A_1778 = vector.broadcast %parallel_loop3A_1777 : i32 to vector<16xi32>
      %parallel_loop3A_1779 = arith.addi %parallel_loop3A_1770, %parallel_loop3A_1778 : vector<16xi32>
      %parallel_loop3A_1780 = arith.addi %parallel_loop3A_1779, %parallel_loop3A_1776 : vector<16xi32>
      %parallel_loop3A_1781 = arith.constant -65536 : i32
      %parallel_loop3A_1782 = vector.broadcast %parallel_loop3A_1781 : i32 to vector<16xi32>
      %parallel_loop3A_1783 = arith.andi %parallel_loop3A_1780, %parallel_loop3A_1782 : vector<16xi32>
      %parallel_loop3A_1784 = tpu.bitcast %parallel_loop3A_1783 : vector<16xi32> -> vector<16xf32>
      %parallel_loop3A_1785 = arith.constant 18513 : i32
      %parallel_loop3A_1786 = vector.broadcast %parallel_loop3A_1785 : i32 to vector<16xi32>
      %parallel_loop3A_1787 = arith.addi %parallel_loop3A_1366, %parallel_loop3A_1786 : vector<16xi32>
      %parallel_loop3A_1788 = tpu.vector_load_idx %arg9[%parallel_loop3A_1787] : memref<26136xf32, #tpu.memory_space<vmem>>[vector<16xi32>], vector<16xf32>,
      %parallel_loop3A_1789 = tpu.bitcast %parallel_loop3A_1788 : vector<16xf32> -> vector<16xi32>
      %parallel_loop3A_1790 = arith.constant 16 : i32
      %parallel_loop3A_1791 = vector.broadcast %parallel_loop3A_1790 : i32 to vector<16xi32>
      %parallel_loop3A_1792 = arith.shrui %parallel_loop3A_1789, %parallel_loop3A_1791 : vector<16xi32>
      %parallel_loop3A_1793 = arith.constant 1 : i32
      %parallel_loop3A_1794 = vector.broadcast %parallel_loop3A_1793 : i32 to vector<16xi32>
      %parallel_loop3A_1795 = arith.andi %parallel_loop3A_1792, %parallel_loop3A_1794 : vector<16xi32>
      %parallel_loop3A_1796 = arith.constant 32767 : i32
      %parallel_loop3A_1797 = vector.broadcast %parallel_loop3A_1796 : i32 to vector<16xi32>
      %parallel_loop3A_1798 = arith.addi %parallel_loop3A_1789, %parallel_loop3A_1797 : vector<16xi32>
      %parallel_loop3A_1799 = arith.addi %parallel_loop3A_1798, %parallel_loop3A_1795 : vector<16xi32>
      %parallel_loop3A_1800 = arith.constant -65536 : i32
      %parallel_loop3A_1801 = vector.broadcast %parallel_loop3A_1800 : i32 to vector<16xi32>
      %parallel_loop3A_1802 = arith.andi %parallel_loop3A_1799, %parallel_loop3A_1801 : vector<16xi32>
      %parallel_loop3A_1803 = tpu.bitcast %parallel_loop3A_1802 : vector<16xi32> -> vector<16xf32>
      %parallel_loop3A_1804 = arith.constant 19602 : i32
      %parallel_loop3A_1805 = vector.broadcast %parallel_loop3A_1804 : i32 to vector<16xi32>
      %parallel_loop3A_1806 = arith.addi %parallel_loop3A_1366, %parallel_loop3A_1805 : vector<16xi32>
      %parallel_loop3A_1807 = tpu.vector_load_idx %arg9[%parallel_loop3A_1806] : memref<26136xf32, #tpu.memory_space<vmem>>[vector<16xi32>], vector<16xf32>,
      %parallel_loop3A_1808 = tpu.bitcast %parallel_loop3A_1807 : vector<16xf32> -> vector<16xi32>
      %parallel_loop3A_1809 = arith.constant 16 : i32
      %parallel_loop3A_1810 = vector.broadcast %parallel_loop3A_1809 : i32 to vector<16xi32>
      %parallel_loop3A_1811 = arith.shrui %parallel_loop3A_1808, %parallel_loop3A_1810 : vector<16xi32>
      %parallel_loop3A_1812 = arith.constant 1 : i32
      %parallel_loop3A_1813 = vector.broadcast %parallel_loop3A_1812 : i32 to vector<16xi32>
      %parallel_loop3A_1814 = arith.andi %parallel_loop3A_1811, %parallel_loop3A_1813 : vector<16xi32>
      %parallel_loop3A_1815 = arith.constant 32767 : i32
      %parallel_loop3A_1816 = vector.broadcast %parallel_loop3A_1815 : i32 to vector<16xi32>
      %parallel_loop3A_1817 = arith.addi %parallel_loop3A_1808, %parallel_loop3A_1816 : vector<16xi32>
      %parallel_loop3A_1818 = arith.addi %parallel_loop3A_1817, %parallel_loop3A_1814 : vector<16xi32>
      %parallel_loop3A_1819 = arith.constant -65536 : i32
      %parallel_loop3A_1820 = vector.broadcast %parallel_loop3A_1819 : i32 to vector<16xi32>
      %parallel_loop3A_1821 = arith.andi %parallel_loop3A_1818, %parallel_loop3A_1820 : vector<16xi32>
      %parallel_loop3A_1822 = tpu.bitcast %parallel_loop3A_1821 : vector<16xi32> -> vector<16xf32>
      %parallel_loop3A_1823 = arith.constant 20691 : i32
      %parallel_loop3A_1824 = vector.broadcast %parallel_loop3A_1823 : i32 to vector<16xi32>
      %parallel_loop3A_1825 = arith.addi %parallel_loop3A_1366, %parallel_loop3A_1824 : vector<16xi32>
      %parallel_loop3A_1826 = tpu.vector_load_idx %arg9[%parallel_loop3A_1825] : memref<26136xf32, #tpu.memory_space<vmem>>[vector<16xi32>], vector<16xf32>,
      %parallel_loop3A_1827 = tpu.bitcast %parallel_loop3A_1826 : vector<16xf32> -> vector<16xi32>
      %parallel_loop3A_1828 = arith.constant 16 : i32
      %parallel_loop3A_1829 = vector.broadcast %parallel_loop3A_1828 : i32 to vector<16xi32>
      %parallel_loop3A_1830 = arith.shrui %parallel_loop3A_1827, %parallel_loop3A_1829 : vector<16xi32>
      %parallel_loop3A_1831 = arith.constant 1 : i32
      %parallel_loop3A_1832 = vector.broadcast %parallel_loop3A_1831 : i32 to vector<16xi32>
      %parallel_loop3A_1833 = arith.andi %parallel_loop3A_1830, %parallel_loop3A_1832 : vector<16xi32>
      %parallel_loop3A_1834 = arith.constant 32767 : i32
      %parallel_loop3A_1835 = vector.broadcast %parallel_loop3A_1834 : i32 to vector<16xi32>
      %parallel_loop3A_1836 = arith.addi %parallel_loop3A_1827, %parallel_loop3A_1835 : vector<16xi32>
      %parallel_loop3A_1837 = arith.addi %parallel_loop3A_1836, %parallel_loop3A_1833 : vector<16xi32>
      %parallel_loop3A_1838 = arith.constant -65536 : i32
      %parallel_loop3A_1839 = vector.broadcast %parallel_loop3A_1838 : i32 to vector<16xi32>
      %parallel_loop3A_1840 = arith.andi %parallel_loop3A_1837, %parallel_loop3A_1839 : vector<16xi32>
      %parallel_loop3A_1841 = tpu.bitcast %parallel_loop3A_1840 : vector<16xi32> -> vector<16xf32>
      %parallel_loop3A_1842 = arith.constant 8712 : i32
      %parallel_loop3A_1843 = vector.broadcast %parallel_loop3A_1842 : i32 to vector<16xi32>
      %parallel_loop3A_1844 = arith.addi %parallel_loop3A_1366, %parallel_loop3A_1843 : vector<16xi32>
      %parallel_loop3A_1845 = tpu.vector_load_idx %arg10[%parallel_loop3A_1844] : memref<13068xf32, #tpu.memory_space<vmem>>[vector<16xi32>], vector<16xf32>,
      %parallel_loop3A_1846 = arith.constant 9801 : i32
      %parallel_loop3A_1847 = vector.broadcast %parallel_loop3A_1846 : i32 to vector<16xi32>
      %parallel_loop3A_1848 = arith.addi %parallel_loop3A_1366, %parallel_loop3A_1847 : vector<16xi32>
      %parallel_loop3A_1849 = tpu.vector_load_idx %arg10[%parallel_loop3A_1848] : memref<13068xf32, #tpu.memory_space<vmem>>[vector<16xi32>], vector<16xf32>,
      %parallel_loop3A_1850 = arith.mulf %parallel_loop3A_58, %parallel_loop3A_1784 : vector<16xf32>
      %parallel_loop3A_1851 = arith.mulf %parallel_loop3A_73, %parallel_loop3A_1822 : vector<16xf32>
      %parallel_loop3A_1852 = arith.addf %parallel_loop3A_1850, %parallel_loop3A_1851 : vector<16xf32>
      %parallel_loop3A_1853 = arith.addf %parallel_loop3A_1852, %parallel_loop3A_1845 : vector<16xf32>
      %parallel_loop3A_1854 = arith.mulf %parallel_loop3A_58, %parallel_loop3A_1803 : vector<16xf32>
      %parallel_loop3A_1855 = arith.mulf %parallel_loop3A_73, %parallel_loop3A_1841 : vector<16xf32>
      %parallel_loop3A_1856 = arith.addf %parallel_loop3A_1854, %parallel_loop3A_1855 : vector<16xf32>
      %parallel_loop3A_1857 = arith.addf %parallel_loop3A_1856, %parallel_loop3A_1849 : vector<16xf32>
      %parallel_loop3A_1858 = arith.addf %parallel_loop3A_1853, %parallel_loop3A_1857 : vector<16xf32>
      %parallel_loop3A_1859 = arith.constant 1.000000e+00 : f32
      %parallel_loop3A_1860 = vector.broadcast %parallel_loop3A_1859 : f32 to vector<16xf32>
      %parallel_loop3A_1861 = arith.subf %parallel_loop3A_1860, %parallel_loop3A_1858 : vector<16xf32>
      %parallel_loop3A_1862 = arith.constant 0.000000e+00 : f32
      %parallel_loop3A_1863 = vector.broadcast %parallel_loop3A_1862 : f32 to vector<16xf32>
      %parallel_loop3A_1864 = arith.maximumf %parallel_loop3A_1861, %parallel_loop3A_1863 : vector<16xf32>
      %parallel_loop3A_1865 = arith.minimumf %parallel_loop3A_1765, %parallel_loop3A_1864 : vector<16xf32>
      %parallel_loop3A_1866 = arith.constant 21780 : i32
      %parallel_loop3A_1867 = vector.broadcast %parallel_loop3A_1866 : i32 to vector<16xi32>
      %parallel_loop3A_1868 = arith.addi %parallel_loop3A_1366, %parallel_loop3A_1867 : vector<16xi32>
      %parallel_loop3A_1869 = tpu.vector_load_idx %arg9[%parallel_loop3A_1868] : memref<26136xf32, #tpu.memory_space<vmem>>[vector<16xi32>], vector<16xf32>,
      %parallel_loop3A_1870 = tpu.bitcast %parallel_loop3A_1869 : vector<16xf32> -> vector<16xi32>
      %parallel_loop3A_1871 = arith.constant 16 : i32
      %parallel_loop3A_1872 = vector.broadcast %parallel_loop3A_1871 : i32 to vector<16xi32>
      %parallel_loop3A_1873 = arith.shrui %parallel_loop3A_1870, %parallel_loop3A_1872 : vector<16xi32>
      %parallel_loop3A_1874 = arith.constant 1 : i32
      %parallel_loop3A_1875 = vector.broadcast %parallel_loop3A_1874 : i32 to vector<16xi32>
      %parallel_loop3A_1876 = arith.andi %parallel_loop3A_1873, %parallel_loop3A_1875 : vector<16xi32>
      %parallel_loop3A_1877 = arith.constant 32767 : i32
      %parallel_loop3A_1878 = vector.broadcast %parallel_loop3A_1877 : i32 to vector<16xi32>
      %parallel_loop3A_1879 = arith.addi %parallel_loop3A_1870, %parallel_loop3A_1878 : vector<16xi32>
      %parallel_loop3A_1880 = arith.addi %parallel_loop3A_1879, %parallel_loop3A_1876 : vector<16xi32>
      %parallel_loop3A_1881 = arith.constant -65536 : i32
      %parallel_loop3A_1882 = vector.broadcast %parallel_loop3A_1881 : i32 to vector<16xi32>
      %parallel_loop3A_1883 = arith.andi %parallel_loop3A_1880, %parallel_loop3A_1882 : vector<16xi32>
      %parallel_loop3A_1884 = tpu.bitcast %parallel_loop3A_1883 : vector<16xi32> -> vector<16xf32>
      %parallel_loop3A_1885 = arith.constant 22869 : i32
      %parallel_loop3A_1886 = vector.broadcast %parallel_loop3A_1885 : i32 to vector<16xi32>
      %parallel_loop3A_1887 = arith.addi %parallel_loop3A_1366, %parallel_loop3A_1886 : vector<16xi32>
      %parallel_loop3A_1888 = tpu.vector_load_idx %arg9[%parallel_loop3A_1887] : memref<26136xf32, #tpu.memory_space<vmem>>[vector<16xi32>], vector<16xf32>,
      %parallel_loop3A_1889 = tpu.bitcast %parallel_loop3A_1888 : vector<16xf32> -> vector<16xi32>
      %parallel_loop3A_1890 = arith.constant 16 : i32
      %parallel_loop3A_1891 = vector.broadcast %parallel_loop3A_1890 : i32 to vector<16xi32>
      %parallel_loop3A_1892 = arith.shrui %parallel_loop3A_1889, %parallel_loop3A_1891 : vector<16xi32>
      %parallel_loop3A_1893 = arith.constant 1 : i32
      %parallel_loop3A_1894 = vector.broadcast %parallel_loop3A_1893 : i32 to vector<16xi32>
      %parallel_loop3A_1895 = arith.andi %parallel_loop3A_1892, %parallel_loop3A_1894 : vector<16xi32>
      %parallel_loop3A_1896 = arith.constant 32767 : i32
      %parallel_loop3A_1897 = vector.broadcast %parallel_loop3A_1896 : i32 to vector<16xi32>
      %parallel_loop3A_1898 = arith.addi %parallel_loop3A_1889, %parallel_loop3A_1897 : vector<16xi32>
      %parallel_loop3A_1899 = arith.addi %parallel_loop3A_1898, %parallel_loop3A_1895 : vector<16xi32>
      %parallel_loop3A_1900 = arith.constant -65536 : i32
      %parallel_loop3A_1901 = vector.broadcast %parallel_loop3A_1900 : i32 to vector<16xi32>
      %parallel_loop3A_1902 = arith.andi %parallel_loop3A_1899, %parallel_loop3A_1901 : vector<16xi32>
      %parallel_loop3A_1903 = tpu.bitcast %parallel_loop3A_1902 : vector<16xi32> -> vector<16xf32>
      %parallel_loop3A_1904 = arith.constant 23958 : i32
      %parallel_loop3A_1905 = vector.broadcast %parallel_loop3A_1904 : i32 to vector<16xi32>
      %parallel_loop3A_1906 = arith.addi %parallel_loop3A_1366, %parallel_loop3A_1905 : vector<16xi32>
      %parallel_loop3A_1907 = tpu.vector_load_idx %arg9[%parallel_loop3A_1906] : memref<26136xf32, #tpu.memory_space<vmem>>[vector<16xi32>], vector<16xf32>,
      %parallel_loop3A_1908 = tpu.bitcast %parallel_loop3A_1907 : vector<16xf32> -> vector<16xi32>
      %parallel_loop3A_1909 = arith.constant 16 : i32
      %parallel_loop3A_1910 = vector.broadcast %parallel_loop3A_1909 : i32 to vector<16xi32>
      %parallel_loop3A_1911 = arith.shrui %parallel_loop3A_1908, %parallel_loop3A_1910 : vector<16xi32>
      %parallel_loop3A_1912 = arith.constant 1 : i32
      %parallel_loop3A_1913 = vector.broadcast %parallel_loop3A_1912 : i32 to vector<16xi32>
      %parallel_loop3A_1914 = arith.andi %parallel_loop3A_1911, %parallel_loop3A_1913 : vector<16xi32>
      %parallel_loop3A_1915 = arith.constant 32767 : i32
      %parallel_loop3A_1916 = vector.broadcast %parallel_loop3A_1915 : i32 to vector<16xi32>
      %parallel_loop3A_1917 = arith.addi %parallel_loop3A_1908, %parallel_loop3A_1916 : vector<16xi32>
      %parallel_loop3A_1918 = arith.addi %parallel_loop3A_1917, %parallel_loop3A_1914 : vector<16xi32>
      %parallel_loop3A_1919 = arith.constant -65536 : i32
      %parallel_loop3A_1920 = vector.broadcast %parallel_loop3A_1919 : i32 to vector<16xi32>
      %parallel_loop3A_1921 = arith.andi %parallel_loop3A_1918, %parallel_loop3A_1920 : vector<16xi32>
      %parallel_loop3A_1922 = tpu.bitcast %parallel_loop3A_1921 : vector<16xi32> -> vector<16xf32>
      %parallel_loop3A_1923 = arith.constant 25047 : i32
      %parallel_loop3A_1924 = vector.broadcast %parallel_loop3A_1923 : i32 to vector<16xi32>
      %parallel_loop3A_1925 = arith.addi %parallel_loop3A_1366, %parallel_loop3A_1924 : vector<16xi32>
      %parallel_loop3A_1926 = tpu.vector_load_idx %arg9[%parallel_loop3A_1925] : memref<26136xf32, #tpu.memory_space<vmem>>[vector<16xi32>], vector<16xf32>,
      %parallel_loop3A_1927 = tpu.bitcast %parallel_loop3A_1926 : vector<16xf32> -> vector<16xi32>
      %parallel_loop3A_1928 = arith.constant 16 : i32
      %parallel_loop3A_1929 = vector.broadcast %parallel_loop3A_1928 : i32 to vector<16xi32>
      %parallel_loop3A_1930 = arith.shrui %parallel_loop3A_1927, %parallel_loop3A_1929 : vector<16xi32>
      %parallel_loop3A_1931 = arith.constant 1 : i32
      %parallel_loop3A_1932 = vector.broadcast %parallel_loop3A_1931 : i32 to vector<16xi32>
      %parallel_loop3A_1933 = arith.andi %parallel_loop3A_1930, %parallel_loop3A_1932 : vector<16xi32>
      %parallel_loop3A_1934 = arith.constant 32767 : i32
      %parallel_loop3A_1935 = vector.broadcast %parallel_loop3A_1934 : i32 to vector<16xi32>
      %parallel_loop3A_1936 = arith.addi %parallel_loop3A_1927, %parallel_loop3A_1935 : vector<16xi32>
      %parallel_loop3A_1937 = arith.addi %parallel_loop3A_1936, %parallel_loop3A_1933 : vector<16xi32>
      %parallel_loop3A_1938 = arith.constant -65536 : i32
      %parallel_loop3A_1939 = vector.broadcast %parallel_loop3A_1938 : i32 to vector<16xi32>
      %parallel_loop3A_1940 = arith.andi %parallel_loop3A_1937, %parallel_loop3A_1939 : vector<16xi32>
      %parallel_loop3A_1941 = tpu.bitcast %parallel_loop3A_1940 : vector<16xi32> -> vector<16xf32>
      %parallel_loop3A_1942 = arith.constant 10890 : i32
      %parallel_loop3A_1943 = vector.broadcast %parallel_loop3A_1942 : i32 to vector<16xi32>
      %parallel_loop3A_1944 = arith.addi %parallel_loop3A_1366, %parallel_loop3A_1943 : vector<16xi32>
      %parallel_loop3A_1945 = tpu.vector_load_idx %arg10[%parallel_loop3A_1944] : memref<13068xf32, #tpu.memory_space<vmem>>[vector<16xi32>], vector<16xf32>,
      %parallel_loop3A_1946 = arith.constant 11979 : i32
      %parallel_loop3A_1947 = vector.broadcast %parallel_loop3A_1946 : i32 to vector<16xi32>
      %parallel_loop3A_1948 = arith.addi %parallel_loop3A_1366, %parallel_loop3A_1947 : vector<16xi32>
      %parallel_loop3A_1949 = tpu.vector_load_idx %arg10[%parallel_loop3A_1948] : memref<13068xf32, #tpu.memory_space<vmem>>[vector<16xi32>], vector<16xf32>,
      %parallel_loop3A_1950 = arith.mulf %parallel_loop3A_58, %parallel_loop3A_1884 : vector<16xf32>
      %parallel_loop3A_1951 = arith.mulf %parallel_loop3A_73, %parallel_loop3A_1922 : vector<16xf32>
      %parallel_loop3A_1952 = arith.addf %parallel_loop3A_1950, %parallel_loop3A_1951 : vector<16xf32>
      %parallel_loop3A_1953 = arith.addf %parallel_loop3A_1952, %parallel_loop3A_1945 : vector<16xf32>
      %parallel_loop3A_1954 = arith.mulf %parallel_loop3A_58, %parallel_loop3A_1903 : vector<16xf32>
      %parallel_loop3A_1955 = arith.mulf %parallel_loop3A_73, %parallel_loop3A_1941 : vector<16xf32>
      %parallel_loop3A_1956 = arith.addf %parallel_loop3A_1954, %parallel_loop3A_1955 : vector<16xf32>
      %parallel_loop3A_1957 = arith.addf %parallel_loop3A_1956, %parallel_loop3A_1949 : vector<16xf32>
      %parallel_loop3A_1958 = arith.addf %parallel_loop3A_1953, %parallel_loop3A_1957 : vector<16xf32>
      %parallel_loop3A_1959 = arith.constant 1.000000e+00 : f32
      %parallel_loop3A_1960 = vector.broadcast %parallel_loop3A_1959 : f32 to vector<16xf32>
      %parallel_loop3A_1961 = arith.subf %parallel_loop3A_1960, %parallel_loop3A_1958 : vector<16xf32>
      %parallel_loop3A_1962 = arith.constant 0.000000e+00 : f32
      %parallel_loop3A_1963 = vector.broadcast %parallel_loop3A_1962 : f32 to vector<16xf32>
      %parallel_loop3A_1964 = arith.maximumf %parallel_loop3A_1961, %parallel_loop3A_1963 : vector<16xf32>
      %parallel_loop3A_1965 = arith.minimumf %parallel_loop3A_1865, %parallel_loop3A_1964 : vector<16xf32>
      %parallel_loop3A_1966 = tpu.vector_load_idx %arg11[%parallel_loop3A_1366] : memref<1089xf32, #tpu.memory_space<vmem>>[vector<16xi32>], vector<16xf32>,
      %parallel_loop3A_1967 = tpu.bitcast %parallel_loop3A_1966 : vector<16xf32> -> vector<16xi32>
      %parallel_loop3A_1968 = arith.constant 16 : i32
      %parallel_loop3A_1969 = vector.broadcast %parallel_loop3A_1968 : i32 to vector<16xi32>
      %parallel_loop3A_1970 = arith.shrui %parallel_loop3A_1967, %parallel_loop3A_1969 : vector<16xi32>
      %parallel_loop3A_1971 = arith.constant 1 : i32
      %parallel_loop3A_1972 = vector.broadcast %parallel_loop3A_1971 : i32 to vector<16xi32>
      %parallel_loop3A_1973 = arith.andi %parallel_loop3A_1970, %parallel_loop3A_1972 : vector<16xi32>
      %parallel_loop3A_1974 = arith.constant 32767 : i32
      %parallel_loop3A_1975 = vector.broadcast %parallel_loop3A_1974 : i32 to vector<16xi32>
      %parallel_loop3A_1976 = arith.addi %parallel_loop3A_1967, %parallel_loop3A_1975 : vector<16xi32>
      %parallel_loop3A_1977 = arith.addi %parallel_loop3A_1976, %parallel_loop3A_1973 : vector<16xi32>
      %parallel_loop3A_1978 = arith.constant -65536 : i32
      %parallel_loop3A_1979 = vector.broadcast %parallel_loop3A_1978 : i32 to vector<16xi32>
      %parallel_loop3A_1980 = arith.andi %parallel_loop3A_1977, %parallel_loop3A_1979 : vector<16xi32>
      %parallel_loop3A_1981 = tpu.bitcast %parallel_loop3A_1980 : vector<16xi32> -> vector<16xf32>
      %parallel_loop3A_1982 = tpu.bitcast %parallel_loop3A_1965 : vector<16xf32> -> vector<16xi32>
      %parallel_loop3A_1983 = arith.constant 16 : i32
      %parallel_loop3A_1984 = vector.broadcast %parallel_loop3A_1983 : i32 to vector<16xi32>
      %parallel_loop3A_1985 = arith.shrui %parallel_loop3A_1982, %parallel_loop3A_1984 : vector<16xi32>
      %parallel_loop3A_1986 = arith.constant 1 : i32
      %parallel_loop3A_1987 = vector.broadcast %parallel_loop3A_1986 : i32 to vector<16xi32>
      %parallel_loop3A_1988 = arith.andi %parallel_loop3A_1985, %parallel_loop3A_1987 : vector<16xi32>
      %parallel_loop3A_1989 = arith.constant 32767 : i32
      %parallel_loop3A_1990 = vector.broadcast %parallel_loop3A_1989 : i32 to vector<16xi32>
      %parallel_loop3A_1991 = arith.addi %parallel_loop3A_1982, %parallel_loop3A_1990 : vector<16xi32>
      %parallel_loop3A_1992 = arith.addi %parallel_loop3A_1991, %parallel_loop3A_1988 : vector<16xi32>
      %parallel_loop3A_1993 = arith.constant -65536 : i32
      %parallel_loop3A_1994 = vector.broadcast %parallel_loop3A_1993 : i32 to vector<16xi32>
      %parallel_loop3A_1995 = arith.andi %parallel_loop3A_1992, %parallel_loop3A_1994 : vector<16xi32>
      %parallel_loop3A_1996 = tpu.bitcast %parallel_loop3A_1995 : vector<16xi32> -> vector<16xf32>
      %parallel_loop3A_1997 = arith.mulf %parallel_loop3A_1996, %parallel_loop3A_1981 : vector<16xf32>
      %parallel_loop3A_1998 = arith.addf %parallel_loop3A_1363, %parallel_loop3A_1997 : vector<16xf32>
      %parallel_loop3A_1999 = arith.constant 34 : i32
      %parallel_loop3A_2000 = vector.broadcast %parallel_loop3A_1999 : i32 to vector<16xi32>
      %parallel_loop3A_2001 = arith.addi %parallel_loop3A_91, %parallel_loop3A_2000 : vector<16xi32>
      %parallel_loop3A_2002 = arith.constant 0 : i32
      %parallel_loop3A_2003 = vector.broadcast %parallel_loop3A_2002 : i32 to vector<16xi32>
      %parallel_loop3A_2004 = arith.addi %parallel_loop3A_2001, %parallel_loop3A_2003 : vector<16xi32>
      %parallel_loop3A_2005 = tpu.vector_load_idx %arg9[%parallel_loop3A_2004] : memref<26136xf32, #tpu.memory_space<vmem>>[vector<16xi32>], vector<16xf32>,
      %parallel_loop3A_2006 = tpu.bitcast %parallel_loop3A_2005 : vector<16xf32> -> vector<16xi32>
      %parallel_loop3A_2007 = arith.constant 16 : i32
      %parallel_loop3A_2008 = vector.broadcast %parallel_loop3A_2007 : i32 to vector<16xi32>
      %parallel_loop3A_2009 = arith.shrui %parallel_loop3A_2006, %parallel_loop3A_2008 : vector<16xi32>
      %parallel_loop3A_2010 = arith.constant 1 : i32
      %parallel_loop3A_2011 = vector.broadcast %parallel_loop3A_2010 : i32 to vector<16xi32>
      %parallel_loop3A_2012 = arith.andi %parallel_loop3A_2009, %parallel_loop3A_2011 : vector<16xi32>
      %parallel_loop3A_2013 = arith.constant 32767 : i32
      %parallel_loop3A_2014 = vector.broadcast %parallel_loop3A_2013 : i32 to vector<16xi32>
      %parallel_loop3A_2015 = arith.addi %parallel_loop3A_2006, %parallel_loop3A_2014 : vector<16xi32>
      %parallel_loop3A_2016 = arith.addi %parallel_loop3A_2015, %parallel_loop3A_2012 : vector<16xi32>
      %parallel_loop3A_2017 = arith.constant -65536 : i32
      %parallel_loop3A_2018 = vector.broadcast %parallel_loop3A_2017 : i32 to vector<16xi32>
      %parallel_loop3A_2019 = arith.andi %parallel_loop3A_2016, %parallel_loop3A_2018 : vector<16xi32>
      %parallel_loop3A_2020 = tpu.bitcast %parallel_loop3A_2019 : vector<16xi32> -> vector<16xf32>
      %parallel_loop3A_2021 = arith.constant 1089 : i32
      %parallel_loop3A_2022 = vector.broadcast %parallel_loop3A_2021 : i32 to vector<16xi32>
      %parallel_loop3A_2023 = arith.addi %parallel_loop3A_2001, %parallel_loop3A_2022 : vector<16xi32>
      %parallel_loop3A_2024 = tpu.vector_load_idx %arg9[%parallel_loop3A_2023] : memref<26136xf32, #tpu.memory_space<vmem>>[vector<16xi32>], vector<16xf32>,
      %parallel_loop3A_2025 = tpu.bitcast %parallel_loop3A_2024 : vector<16xf32> -> vector<16xi32>
      %parallel_loop3A_2026 = arith.constant 16 : i32
      %parallel_loop3A_2027 = vector.broadcast %parallel_loop3A_2026 : i32 to vector<16xi32>
      %parallel_loop3A_2028 = arith.shrui %parallel_loop3A_2025, %parallel_loop3A_2027 : vector<16xi32>
      %parallel_loop3A_2029 = arith.constant 1 : i32
      %parallel_loop3A_2030 = vector.broadcast %parallel_loop3A_2029 : i32 to vector<16xi32>
      %parallel_loop3A_2031 = arith.andi %parallel_loop3A_2028, %parallel_loop3A_2030 : vector<16xi32>
      %parallel_loop3A_2032 = arith.constant 32767 : i32
      %parallel_loop3A_2033 = vector.broadcast %parallel_loop3A_2032 : i32 to vector<16xi32>
      %parallel_loop3A_2034 = arith.addi %parallel_loop3A_2025, %parallel_loop3A_2033 : vector<16xi32>
      %parallel_loop3A_2035 = arith.addi %parallel_loop3A_2034, %parallel_loop3A_2031 : vector<16xi32>
      %parallel_loop3A_2036 = arith.constant -65536 : i32
      %parallel_loop3A_2037 = vector.broadcast %parallel_loop3A_2036 : i32 to vector<16xi32>
      %parallel_loop3A_2038 = arith.andi %parallel_loop3A_2035, %parallel_loop3A_2037 : vector<16xi32>
      %parallel_loop3A_2039 = tpu.bitcast %parallel_loop3A_2038 : vector<16xi32> -> vector<16xf32>
      %parallel_loop3A_2040 = arith.constant 2178 : i32
      %parallel_loop3A_2041 = vector.broadcast %parallel_loop3A_2040 : i32 to vector<16xi32>
      %parallel_loop3A_2042 = arith.addi %parallel_loop3A_2001, %parallel_loop3A_2041 : vector<16xi32>
      %parallel_loop3A_2043 = tpu.vector_load_idx %arg9[%parallel_loop3A_2042] : memref<26136xf32, #tpu.memory_space<vmem>>[vector<16xi32>], vector<16xf32>,
      %parallel_loop3A_2044 = tpu.bitcast %parallel_loop3A_2043 : vector<16xf32> -> vector<16xi32>
      %parallel_loop3A_2045 = arith.constant 16 : i32
      %parallel_loop3A_2046 = vector.broadcast %parallel_loop3A_2045 : i32 to vector<16xi32>
      %parallel_loop3A_2047 = arith.shrui %parallel_loop3A_2044, %parallel_loop3A_2046 : vector<16xi32>
      %parallel_loop3A_2048 = arith.constant 1 : i32
      %parallel_loop3A_2049 = vector.broadcast %parallel_loop3A_2048 : i32 to vector<16xi32>
      %parallel_loop3A_2050 = arith.andi %parallel_loop3A_2047, %parallel_loop3A_2049 : vector<16xi32>
      %parallel_loop3A_2051 = arith.constant 32767 : i32
      %parallel_loop3A_2052 = vector.broadcast %parallel_loop3A_2051 : i32 to vector<16xi32>
      %parallel_loop3A_2053 = arith.addi %parallel_loop3A_2044, %parallel_loop3A_2052 : vector<16xi32>
      %parallel_loop3A_2054 = arith.addi %parallel_loop3A_2053, %parallel_loop3A_2050 : vector<16xi32>
      %parallel_loop3A_2055 = arith.constant -65536 : i32
      %parallel_loop3A_2056 = vector.broadcast %parallel_loop3A_2055 : i32 to vector<16xi32>
      %parallel_loop3A_2057 = arith.andi %parallel_loop3A_2054, %parallel_loop3A_2056 : vector<16xi32>
      %parallel_loop3A_2058 = tpu.bitcast %parallel_loop3A_2057 : vector<16xi32> -> vector<16xf32>
      %parallel_loop3A_2059 = arith.constant 3267 : i32
      %parallel_loop3A_2060 = vector.broadcast %parallel_loop3A_2059 : i32 to vector<16xi32>
      %parallel_loop3A_2061 = arith.addi %parallel_loop3A_2001, %parallel_loop3A_2060 : vector<16xi32>
      %parallel_loop3A_2062 = tpu.vector_load_idx %arg9[%parallel_loop3A_2061] : memref<26136xf32, #tpu.memory_space<vmem>>[vector<16xi32>], vector<16xf32>,
      %parallel_loop3A_2063 = tpu.bitcast %parallel_loop3A_2062 : vector<16xf32> -> vector<16xi32>
      %parallel_loop3A_2064 = arith.constant 16 : i32
      %parallel_loop3A_2065 = vector.broadcast %parallel_loop3A_2064 : i32 to vector<16xi32>
      %parallel_loop3A_2066 = arith.shrui %parallel_loop3A_2063, %parallel_loop3A_2065 : vector<16xi32>
      %parallel_loop3A_2067 = arith.constant 1 : i32
      %parallel_loop3A_2068 = vector.broadcast %parallel_loop3A_2067 : i32 to vector<16xi32>
      %parallel_loop3A_2069 = arith.andi %parallel_loop3A_2066, %parallel_loop3A_2068 : vector<16xi32>
      %parallel_loop3A_2070 = arith.constant 32767 : i32
      %parallel_loop3A_2071 = vector.broadcast %parallel_loop3A_2070 : i32 to vector<16xi32>
      %parallel_loop3A_2072 = arith.addi %parallel_loop3A_2063, %parallel_loop3A_2071 : vector<16xi32>
      %parallel_loop3A_2073 = arith.addi %parallel_loop3A_2072, %parallel_loop3A_2069 : vector<16xi32>
      %parallel_loop3A_2074 = arith.constant -65536 : i32
      %parallel_loop3A_2075 = vector.broadcast %parallel_loop3A_2074 : i32 to vector<16xi32>
      %parallel_loop3A_2076 = arith.andi %parallel_loop3A_2073, %parallel_loop3A_2075 : vector<16xi32>
      %parallel_loop3A_2077 = tpu.bitcast %parallel_loop3A_2076 : vector<16xi32> -> vector<16xf32>
      %parallel_loop3A_2078 = arith.constant 0 : i32
      %parallel_loop3A_2079 = vector.broadcast %parallel_loop3A_2078 : i32 to vector<16xi32>
      %parallel_loop3A_2080 = arith.addi %parallel_loop3A_2001, %parallel_loop3A_2079 : vector<16xi32>
      %parallel_loop3A_2081 = tpu.vector_load_idx %arg10[%parallel_loop3A_2080] : memref<13068xf32, #tpu.memory_space<vmem>>[vector<16xi32>], vector<16xf32>,
      %parallel_loop3A_2082 = arith.constant 1089 : i32
      %parallel_loop3A_2083 = vector.broadcast %parallel_loop3A_2082 : i32 to vector<16xi32>
      %parallel_loop3A_2084 = arith.addi %parallel_loop3A_2001, %parallel_loop3A_2083 : vector<16xi32>
      %parallel_loop3A_2085 = tpu.vector_load_idx %arg10[%parallel_loop3A_2084] : memref<13068xf32, #tpu.memory_space<vmem>>[vector<16xi32>], vector<16xf32>,
      %parallel_loop3A_2086 = arith.mulf %parallel_loop3A_58, %parallel_loop3A_2020 : vector<16xf32>
      %parallel_loop3A_2087 = arith.mulf %parallel_loop3A_73, %parallel_loop3A_2058 : vector<16xf32>
      %parallel_loop3A_2088 = arith.addf %parallel_loop3A_2086, %parallel_loop3A_2087 : vector<16xf32>
      %parallel_loop3A_2089 = arith.addf %parallel_loop3A_2088, %parallel_loop3A_2081 : vector<16xf32>
      %parallel_loop3A_2090 = arith.mulf %parallel_loop3A_58, %parallel_loop3A_2039 : vector<16xf32>
      %parallel_loop3A_2091 = arith.mulf %parallel_loop3A_73, %parallel_loop3A_2077 : vector<16xf32>
      %parallel_loop3A_2092 = arith.addf %parallel_loop3A_2090, %parallel_loop3A_2091 : vector<16xf32>
      %parallel_loop3A_2093 = arith.addf %parallel_loop3A_2092, %parallel_loop3A_2085 : vector<16xf32>
      %parallel_loop3A_2094 = arith.addf %parallel_loop3A_2089, %parallel_loop3A_2093 : vector<16xf32>
      %parallel_loop3A_2095 = arith.constant 1.000000e+00 : f32
      %parallel_loop3A_2096 = vector.broadcast %parallel_loop3A_2095 : f32 to vector<16xf32>
      %parallel_loop3A_2097 = arith.subf %parallel_loop3A_2096, %parallel_loop3A_2094 : vector<16xf32>
      %parallel_loop3A_2098 = arith.constant 0.000000e+00 : f32
      %parallel_loop3A_2099 = vector.broadcast %parallel_loop3A_2098 : f32 to vector<16xf32>
      %parallel_loop3A_2100 = arith.maximumf %parallel_loop3A_2097, %parallel_loop3A_2099 : vector<16xf32>
      %parallel_loop3A_2101 = arith.constant 4356 : i32
      %parallel_loop3A_2102 = vector.broadcast %parallel_loop3A_2101 : i32 to vector<16xi32>
      %parallel_loop3A_2103 = arith.addi %parallel_loop3A_2001, %parallel_loop3A_2102 : vector<16xi32>
      %parallel_loop3A_2104 = tpu.vector_load_idx %arg9[%parallel_loop3A_2103] : memref<26136xf32, #tpu.memory_space<vmem>>[vector<16xi32>], vector<16xf32>,
      %parallel_loop3A_2105 = tpu.bitcast %parallel_loop3A_2104 : vector<16xf32> -> vector<16xi32>
      %parallel_loop3A_2106 = arith.constant 16 : i32
      %parallel_loop3A_2107 = vector.broadcast %parallel_loop3A_2106 : i32 to vector<16xi32>
      %parallel_loop3A_2108 = arith.shrui %parallel_loop3A_2105, %parallel_loop3A_2107 : vector<16xi32>
      %parallel_loop3A_2109 = arith.constant 1 : i32
      %parallel_loop3A_2110 = vector.broadcast %parallel_loop3A_2109 : i32 to vector<16xi32>
      %parallel_loop3A_2111 = arith.andi %parallel_loop3A_2108, %parallel_loop3A_2110 : vector<16xi32>
      %parallel_loop3A_2112 = arith.constant 32767 : i32
      %parallel_loop3A_2113 = vector.broadcast %parallel_loop3A_2112 : i32 to vector<16xi32>
      %parallel_loop3A_2114 = arith.addi %parallel_loop3A_2105, %parallel_loop3A_2113 : vector<16xi32>
      %parallel_loop3A_2115 = arith.addi %parallel_loop3A_2114, %parallel_loop3A_2111 : vector<16xi32>
      %parallel_loop3A_2116 = arith.constant -65536 : i32
      %parallel_loop3A_2117 = vector.broadcast %parallel_loop3A_2116 : i32 to vector<16xi32>
      %parallel_loop3A_2118 = arith.andi %parallel_loop3A_2115, %parallel_loop3A_2117 : vector<16xi32>
      %parallel_loop3A_2119 = tpu.bitcast %parallel_loop3A_2118 : vector<16xi32> -> vector<16xf32>
      %parallel_loop3A_2120 = arith.constant 5445 : i32
      %parallel_loop3A_2121 = vector.broadcast %parallel_loop3A_2120 : i32 to vector<16xi32>
      %parallel_loop3A_2122 = arith.addi %parallel_loop3A_2001, %parallel_loop3A_2121 : vector<16xi32>
      %parallel_loop3A_2123 = tpu.vector_load_idx %arg9[%parallel_loop3A_2122] : memref<26136xf32, #tpu.memory_space<vmem>>[vector<16xi32>], vector<16xf32>,
      %parallel_loop3A_2124 = tpu.bitcast %parallel_loop3A_2123 : vector<16xf32> -> vector<16xi32>
      %parallel_loop3A_2125 = arith.constant 16 : i32
      %parallel_loop3A_2126 = vector.broadcast %parallel_loop3A_2125 : i32 to vector<16xi32>
      %parallel_loop3A_2127 = arith.shrui %parallel_loop3A_2124, %parallel_loop3A_2126 : vector<16xi32>
      %parallel_loop3A_2128 = arith.constant 1 : i32
      %parallel_loop3A_2129 = vector.broadcast %parallel_loop3A_2128 : i32 to vector<16xi32>
      %parallel_loop3A_2130 = arith.andi %parallel_loop3A_2127, %parallel_loop3A_2129 : vector<16xi32>
      %parallel_loop3A_2131 = arith.constant 32767 : i32
      %parallel_loop3A_2132 = vector.broadcast %parallel_loop3A_2131 : i32 to vector<16xi32>
      %parallel_loop3A_2133 = arith.addi %parallel_loop3A_2124, %parallel_loop3A_2132 : vector<16xi32>
      %parallel_loop3A_2134 = arith.addi %parallel_loop3A_2133, %parallel_loop3A_2130 : vector<16xi32>
      %parallel_loop3A_2135 = arith.constant -65536 : i32
      %parallel_loop3A_2136 = vector.broadcast %parallel_loop3A_2135 : i32 to vector<16xi32>
      %parallel_loop3A_2137 = arith.andi %parallel_loop3A_2134, %parallel_loop3A_2136 : vector<16xi32>
      %parallel_loop3A_2138 = tpu.bitcast %parallel_loop3A_2137 : vector<16xi32> -> vector<16xf32>
      %parallel_loop3A_2139 = arith.constant 6534 : i32
      %parallel_loop3A_2140 = vector.broadcast %parallel_loop3A_2139 : i32 to vector<16xi32>
      %parallel_loop3A_2141 = arith.addi %parallel_loop3A_2001, %parallel_loop3A_2140 : vector<16xi32>
      %parallel_loop3A_2142 = tpu.vector_load_idx %arg9[%parallel_loop3A_2141] : memref<26136xf32, #tpu.memory_space<vmem>>[vector<16xi32>], vector<16xf32>,
      %parallel_loop3A_2143 = tpu.bitcast %parallel_loop3A_2142 : vector<16xf32> -> vector<16xi32>
      %parallel_loop3A_2144 = arith.constant 16 : i32
      %parallel_loop3A_2145 = vector.broadcast %parallel_loop3A_2144 : i32 to vector<16xi32>
      %parallel_loop3A_2146 = arith.shrui %parallel_loop3A_2143, %parallel_loop3A_2145 : vector<16xi32>
      %parallel_loop3A_2147 = arith.constant 1 : i32
      %parallel_loop3A_2148 = vector.broadcast %parallel_loop3A_2147 : i32 to vector<16xi32>
      %parallel_loop3A_2149 = arith.andi %parallel_loop3A_2146, %parallel_loop3A_2148 : vector<16xi32>
      %parallel_loop3A_2150 = arith.constant 32767 : i32
      %parallel_loop3A_2151 = vector.broadcast %parallel_loop3A_2150 : i32 to vector<16xi32>
      %parallel_loop3A_2152 = arith.addi %parallel_loop3A_2143, %parallel_loop3A_2151 : vector<16xi32>
      %parallel_loop3A_2153 = arith.addi %parallel_loop3A_2152, %parallel_loop3A_2149 : vector<16xi32>
      %parallel_loop3A_2154 = arith.constant -65536 : i32
      %parallel_loop3A_2155 = vector.broadcast %parallel_loop3A_2154 : i32 to vector<16xi32>
      %parallel_loop3A_2156 = arith.andi %parallel_loop3A_2153, %parallel_loop3A_2155 : vector<16xi32>
      %parallel_loop3A_2157 = tpu.bitcast %parallel_loop3A_2156 : vector<16xi32> -> vector<16xf32>
      %parallel_loop3A_2158 = arith.constant 7623 : i32
      %parallel_loop3A_2159 = vector.broadcast %parallel_loop3A_2158 : i32 to vector<16xi32>
      %parallel_loop3A_2160 = arith.addi %parallel_loop3A_2001, %parallel_loop3A_2159 : vector<16xi32>
      %parallel_loop3A_2161 = tpu.vector_load_idx %arg9[%parallel_loop3A_2160] : memref<26136xf32, #tpu.memory_space<vmem>>[vector<16xi32>], vector<16xf32>,
      %parallel_loop3A_2162 = tpu.bitcast %parallel_loop3A_2161 : vector<16xf32> -> vector<16xi32>
      %parallel_loop3A_2163 = arith.constant 16 : i32
      %parallel_loop3A_2164 = vector.broadcast %parallel_loop3A_2163 : i32 to vector<16xi32>
      %parallel_loop3A_2165 = arith.shrui %parallel_loop3A_2162, %parallel_loop3A_2164 : vector<16xi32>
      %parallel_loop3A_2166 = arith.constant 1 : i32
      %parallel_loop3A_2167 = vector.broadcast %parallel_loop3A_2166 : i32 to vector<16xi32>
      %parallel_loop3A_2168 = arith.andi %parallel_loop3A_2165, %parallel_loop3A_2167 : vector<16xi32>
      %parallel_loop3A_2169 = arith.constant 32767 : i32
      %parallel_loop3A_2170 = vector.broadcast %parallel_loop3A_2169 : i32 to vector<16xi32>
      %parallel_loop3A_2171 = arith.addi %parallel_loop3A_2162, %parallel_loop3A_2170 : vector<16xi32>
      %parallel_loop3A_2172 = arith.addi %parallel_loop3A_2171, %parallel_loop3A_2168 : vector<16xi32>
      %parallel_loop3A_2173 = arith.constant -65536 : i32
      %parallel_loop3A_2174 = vector.broadcast %parallel_loop3A_2173 : i32 to vector<16xi32>
      %parallel_loop3A_2175 = arith.andi %parallel_loop3A_2172, %parallel_loop3A_2174 : vector<16xi32>
      %parallel_loop3A_2176 = tpu.bitcast %parallel_loop3A_2175 : vector<16xi32> -> vector<16xf32>
      %parallel_loop3A_2177 = arith.constant 2178 : i32
      %parallel_loop3A_2178 = vector.broadcast %parallel_loop3A_2177 : i32 to vector<16xi32>
      %parallel_loop3A_2179 = arith.addi %parallel_loop3A_2001, %parallel_loop3A_2178 : vector<16xi32>
      %parallel_loop3A_2180 = tpu.vector_load_idx %arg10[%parallel_loop3A_2179] : memref<13068xf32, #tpu.memory_space<vmem>>[vector<16xi32>], vector<16xf32>,
      %parallel_loop3A_2181 = arith.constant 3267 : i32
      %parallel_loop3A_2182 = vector.broadcast %parallel_loop3A_2181 : i32 to vector<16xi32>
      %parallel_loop3A_2183 = arith.addi %parallel_loop3A_2001, %parallel_loop3A_2182 : vector<16xi32>
      %parallel_loop3A_2184 = tpu.vector_load_idx %arg10[%parallel_loop3A_2183] : memref<13068xf32, #tpu.memory_space<vmem>>[vector<16xi32>], vector<16xf32>,
      %parallel_loop3A_2185 = arith.mulf %parallel_loop3A_58, %parallel_loop3A_2119 : vector<16xf32>
      %parallel_loop3A_2186 = arith.mulf %parallel_loop3A_73, %parallel_loop3A_2157 : vector<16xf32>
      %parallel_loop3A_2187 = arith.addf %parallel_loop3A_2185, %parallel_loop3A_2186 : vector<16xf32>
      %parallel_loop3A_2188 = arith.addf %parallel_loop3A_2187, %parallel_loop3A_2180 : vector<16xf32>
      %parallel_loop3A_2189 = arith.mulf %parallel_loop3A_58, %parallel_loop3A_2138 : vector<16xf32>
      %parallel_loop3A_2190 = arith.mulf %parallel_loop3A_73, %parallel_loop3A_2176 : vector<16xf32>
      %parallel_loop3A_2191 = arith.addf %parallel_loop3A_2189, %parallel_loop3A_2190 : vector<16xf32>
      %parallel_loop3A_2192 = arith.addf %parallel_loop3A_2191, %parallel_loop3A_2184 : vector<16xf32>
      %parallel_loop3A_2193 = arith.addf %parallel_loop3A_2188, %parallel_loop3A_2192 : vector<16xf32>
      %parallel_loop3A_2194 = arith.constant 1.000000e+00 : f32
      %parallel_loop3A_2195 = vector.broadcast %parallel_loop3A_2194 : f32 to vector<16xf32>
      %parallel_loop3A_2196 = arith.subf %parallel_loop3A_2195, %parallel_loop3A_2193 : vector<16xf32>
      %parallel_loop3A_2197 = arith.constant 0.000000e+00 : f32
      %parallel_loop3A_2198 = vector.broadcast %parallel_loop3A_2197 : f32 to vector<16xf32>
      %parallel_loop3A_2199 = arith.maximumf %parallel_loop3A_2196, %parallel_loop3A_2198 : vector<16xf32>
      %parallel_loop3A_2200 = arith.minimumf %parallel_loop3A_2100, %parallel_loop3A_2199 : vector<16xf32>
      %parallel_loop3A_2201 = arith.constant 8712 : i32
      %parallel_loop3A_2202 = vector.broadcast %parallel_loop3A_2201 : i32 to vector<16xi32>
      %parallel_loop3A_2203 = arith.addi %parallel_loop3A_2001, %parallel_loop3A_2202 : vector<16xi32>
      %parallel_loop3A_2204 = tpu.vector_load_idx %arg9[%parallel_loop3A_2203] : memref<26136xf32, #tpu.memory_space<vmem>>[vector<16xi32>], vector<16xf32>,
      %parallel_loop3A_2205 = tpu.bitcast %parallel_loop3A_2204 : vector<16xf32> -> vector<16xi32>
      %parallel_loop3A_2206 = arith.constant 16 : i32
      %parallel_loop3A_2207 = vector.broadcast %parallel_loop3A_2206 : i32 to vector<16xi32>
      %parallel_loop3A_2208 = arith.shrui %parallel_loop3A_2205, %parallel_loop3A_2207 : vector<16xi32>
      %parallel_loop3A_2209 = arith.constant 1 : i32
      %parallel_loop3A_2210 = vector.broadcast %parallel_loop3A_2209 : i32 to vector<16xi32>
      %parallel_loop3A_2211 = arith.andi %parallel_loop3A_2208, %parallel_loop3A_2210 : vector<16xi32>
      %parallel_loop3A_2212 = arith.constant 32767 : i32
      %parallel_loop3A_2213 = vector.broadcast %parallel_loop3A_2212 : i32 to vector<16xi32>
      %parallel_loop3A_2214 = arith.addi %parallel_loop3A_2205, %parallel_loop3A_2213 : vector<16xi32>
      %parallel_loop3A_2215 = arith.addi %parallel_loop3A_2214, %parallel_loop3A_2211 : vector<16xi32>
      %parallel_loop3A_2216 = arith.constant -65536 : i32
      %parallel_loop3A_2217 = vector.broadcast %parallel_loop3A_2216 : i32 to vector<16xi32>
      %parallel_loop3A_2218 = arith.andi %parallel_loop3A_2215, %parallel_loop3A_2217 : vector<16xi32>
      %parallel_loop3A_2219 = tpu.bitcast %parallel_loop3A_2218 : vector<16xi32> -> vector<16xf32>
      %parallel_loop3A_2220 = arith.constant 9801 : i32
      %parallel_loop3A_2221 = vector.broadcast %parallel_loop3A_2220 : i32 to vector<16xi32>
      %parallel_loop3A_2222 = arith.addi %parallel_loop3A_2001, %parallel_loop3A_2221 : vector<16xi32>
      %parallel_loop3A_2223 = tpu.vector_load_idx %arg9[%parallel_loop3A_2222] : memref<26136xf32, #tpu.memory_space<vmem>>[vector<16xi32>], vector<16xf32>,
      %parallel_loop3A_2224 = tpu.bitcast %parallel_loop3A_2223 : vector<16xf32> -> vector<16xi32>
      %parallel_loop3A_2225 = arith.constant 16 : i32
      %parallel_loop3A_2226 = vector.broadcast %parallel_loop3A_2225 : i32 to vector<16xi32>
      %parallel_loop3A_2227 = arith.shrui %parallel_loop3A_2224, %parallel_loop3A_2226 : vector<16xi32>
      %parallel_loop3A_2228 = arith.constant 1 : i32
      %parallel_loop3A_2229 = vector.broadcast %parallel_loop3A_2228 : i32 to vector<16xi32>
      %parallel_loop3A_2230 = arith.andi %parallel_loop3A_2227, %parallel_loop3A_2229 : vector<16xi32>
      %parallel_loop3A_2231 = arith.constant 32767 : i32
      %parallel_loop3A_2232 = vector.broadcast %parallel_loop3A_2231 : i32 to vector<16xi32>
      %parallel_loop3A_2233 = arith.addi %parallel_loop3A_2224, %parallel_loop3A_2232 : vector<16xi32>
      %parallel_loop3A_2234 = arith.addi %parallel_loop3A_2233, %parallel_loop3A_2230 : vector<16xi32>
      %parallel_loop3A_2235 = arith.constant -65536 : i32
      %parallel_loop3A_2236 = vector.broadcast %parallel_loop3A_2235 : i32 to vector<16xi32>
      %parallel_loop3A_2237 = arith.andi %parallel_loop3A_2234, %parallel_loop3A_2236 : vector<16xi32>
      %parallel_loop3A_2238 = tpu.bitcast %parallel_loop3A_2237 : vector<16xi32> -> vector<16xf32>
      %parallel_loop3A_2239 = arith.constant 10890 : i32
      %parallel_loop3A_2240 = vector.broadcast %parallel_loop3A_2239 : i32 to vector<16xi32>
      %parallel_loop3A_2241 = arith.addi %parallel_loop3A_2001, %parallel_loop3A_2240 : vector<16xi32>
      %parallel_loop3A_2242 = tpu.vector_load_idx %arg9[%parallel_loop3A_2241] : memref<26136xf32, #tpu.memory_space<vmem>>[vector<16xi32>], vector<16xf32>,
      %parallel_loop3A_2243 = tpu.bitcast %parallel_loop3A_2242 : vector<16xf32> -> vector<16xi32>
      %parallel_loop3A_2244 = arith.constant 16 : i32
      %parallel_loop3A_2245 = vector.broadcast %parallel_loop3A_2244 : i32 to vector<16xi32>
      %parallel_loop3A_2246 = arith.shrui %parallel_loop3A_2243, %parallel_loop3A_2245 : vector<16xi32>
      %parallel_loop3A_2247 = arith.constant 1 : i32
      %parallel_loop3A_2248 = vector.broadcast %parallel_loop3A_2247 : i32 to vector<16xi32>
      %parallel_loop3A_2249 = arith.andi %parallel_loop3A_2246, %parallel_loop3A_2248 : vector<16xi32>
      %parallel_loop3A_2250 = arith.constant 32767 : i32
      %parallel_loop3A_2251 = vector.broadcast %parallel_loop3A_2250 : i32 to vector<16xi32>
      %parallel_loop3A_2252 = arith.addi %parallel_loop3A_2243, %parallel_loop3A_2251 : vector<16xi32>
      %parallel_loop3A_2253 = arith.addi %parallel_loop3A_2252, %parallel_loop3A_2249 : vector<16xi32>
      %parallel_loop3A_2254 = arith.constant -65536 : i32
      %parallel_loop3A_2255 = vector.broadcast %parallel_loop3A_2254 : i32 to vector<16xi32>
      %parallel_loop3A_2256 = arith.andi %parallel_loop3A_2253, %parallel_loop3A_2255 : vector<16xi32>
      %parallel_loop3A_2257 = tpu.bitcast %parallel_loop3A_2256 : vector<16xi32> -> vector<16xf32>
      %parallel_loop3A_2258 = arith.constant 11979 : i32
      %parallel_loop3A_2259 = vector.broadcast %parallel_loop3A_2258 : i32 to vector<16xi32>
      %parallel_loop3A_2260 = arith.addi %parallel_loop3A_2001, %parallel_loop3A_2259 : vector<16xi32>
      %parallel_loop3A_2261 = tpu.vector_load_idx %arg9[%parallel_loop3A_2260] : memref<26136xf32, #tpu.memory_space<vmem>>[vector<16xi32>], vector<16xf32>,
      %parallel_loop3A_2262 = tpu.bitcast %parallel_loop3A_2261 : vector<16xf32> -> vector<16xi32>
      %parallel_loop3A_2263 = arith.constant 16 : i32
      %parallel_loop3A_2264 = vector.broadcast %parallel_loop3A_2263 : i32 to vector<16xi32>
      %parallel_loop3A_2265 = arith.shrui %parallel_loop3A_2262, %parallel_loop3A_2264 : vector<16xi32>
      %parallel_loop3A_2266 = arith.constant 1 : i32
      %parallel_loop3A_2267 = vector.broadcast %parallel_loop3A_2266 : i32 to vector<16xi32>
      %parallel_loop3A_2268 = arith.andi %parallel_loop3A_2265, %parallel_loop3A_2267 : vector<16xi32>
      %parallel_loop3A_2269 = arith.constant 32767 : i32
      %parallel_loop3A_2270 = vector.broadcast %parallel_loop3A_2269 : i32 to vector<16xi32>
      %parallel_loop3A_2271 = arith.addi %parallel_loop3A_2262, %parallel_loop3A_2270 : vector<16xi32>
      %parallel_loop3A_2272 = arith.addi %parallel_loop3A_2271, %parallel_loop3A_2268 : vector<16xi32>
      %parallel_loop3A_2273 = arith.constant -65536 : i32
      %parallel_loop3A_2274 = vector.broadcast %parallel_loop3A_2273 : i32 to vector<16xi32>
      %parallel_loop3A_2275 = arith.andi %parallel_loop3A_2272, %parallel_loop3A_2274 : vector<16xi32>
      %parallel_loop3A_2276 = tpu.bitcast %parallel_loop3A_2275 : vector<16xi32> -> vector<16xf32>
      %parallel_loop3A_2277 = arith.constant 4356 : i32
      %parallel_loop3A_2278 = vector.broadcast %parallel_loop3A_2277 : i32 to vector<16xi32>
      %parallel_loop3A_2279 = arith.addi %parallel_loop3A_2001, %parallel_loop3A_2278 : vector<16xi32>
      %parallel_loop3A_2280 = tpu.vector_load_idx %arg10[%parallel_loop3A_2279] : memref<13068xf32, #tpu.memory_space<vmem>>[vector<16xi32>], vector<16xf32>,
      %parallel_loop3A_2281 = arith.constant 5445 : i32
      %parallel_loop3A_2282 = vector.broadcast %parallel_loop3A_2281 : i32 to vector<16xi32>
      %parallel_loop3A_2283 = arith.addi %parallel_loop3A_2001, %parallel_loop3A_2282 : vector<16xi32>
      %parallel_loop3A_2284 = tpu.vector_load_idx %arg10[%parallel_loop3A_2283] : memref<13068xf32, #tpu.memory_space<vmem>>[vector<16xi32>], vector<16xf32>,
      %parallel_loop3A_2285 = arith.mulf %parallel_loop3A_58, %parallel_loop3A_2219 : vector<16xf32>
      %parallel_loop3A_2286 = arith.mulf %parallel_loop3A_73, %parallel_loop3A_2257 : vector<16xf32>
      %parallel_loop3A_2287 = arith.addf %parallel_loop3A_2285, %parallel_loop3A_2286 : vector<16xf32>
      %parallel_loop3A_2288 = arith.addf %parallel_loop3A_2287, %parallel_loop3A_2280 : vector<16xf32>
      %parallel_loop3A_2289 = arith.mulf %parallel_loop3A_58, %parallel_loop3A_2238 : vector<16xf32>
      %parallel_loop3A_2290 = arith.mulf %parallel_loop3A_73, %parallel_loop3A_2276 : vector<16xf32>
      %parallel_loop3A_2291 = arith.addf %parallel_loop3A_2289, %parallel_loop3A_2290 : vector<16xf32>
      %parallel_loop3A_2292 = arith.addf %parallel_loop3A_2291, %parallel_loop3A_2284 : vector<16xf32>
      %parallel_loop3A_2293 = arith.addf %parallel_loop3A_2288, %parallel_loop3A_2292 : vector<16xf32>
      %parallel_loop3A_2294 = arith.constant 1.000000e+00 : f32
      %parallel_loop3A_2295 = vector.broadcast %parallel_loop3A_2294 : f32 to vector<16xf32>
      %parallel_loop3A_2296 = arith.subf %parallel_loop3A_2295, %parallel_loop3A_2293 : vector<16xf32>
      %parallel_loop3A_2297 = arith.constant 0.000000e+00 : f32
      %parallel_loop3A_2298 = vector.broadcast %parallel_loop3A_2297 : f32 to vector<16xf32>
      %parallel_loop3A_2299 = arith.maximumf %parallel_loop3A_2296, %parallel_loop3A_2298 : vector<16xf32>
      %parallel_loop3A_2300 = arith.minimumf %parallel_loop3A_2200, %parallel_loop3A_2299 : vector<16xf32>
      %parallel_loop3A_2301 = arith.constant 13068 : i32
      %parallel_loop3A_2302 = vector.broadcast %parallel_loop3A_2301 : i32 to vector<16xi32>
      %parallel_loop3A_2303 = arith.addi %parallel_loop3A_2001, %parallel_loop3A_2302 : vector<16xi32>
      %parallel_loop3A_2304 = tpu.vector_load_idx %arg9[%parallel_loop3A_2303] : memref<26136xf32, #tpu.memory_space<vmem>>[vector<16xi32>], vector<16xf32>,
      %parallel_loop3A_2305 = tpu.bitcast %parallel_loop3A_2304 : vector<16xf32> -> vector<16xi32>
      %parallel_loop3A_2306 = arith.constant 16 : i32
      %parallel_loop3A_2307 = vector.broadcast %parallel_loop3A_2306 : i32 to vector<16xi32>
      %parallel_loop3A_2308 = arith.shrui %parallel_loop3A_2305, %parallel_loop3A_2307 : vector<16xi32>
      %parallel_loop3A_2309 = arith.constant 1 : i32
      %parallel_loop3A_2310 = vector.broadcast %parallel_loop3A_2309 : i32 to vector<16xi32>
      %parallel_loop3A_2311 = arith.andi %parallel_loop3A_2308, %parallel_loop3A_2310 : vector<16xi32>
      %parallel_loop3A_2312 = arith.constant 32767 : i32
      %parallel_loop3A_2313 = vector.broadcast %parallel_loop3A_2312 : i32 to vector<16xi32>
      %parallel_loop3A_2314 = arith.addi %parallel_loop3A_2305, %parallel_loop3A_2313 : vector<16xi32>
      %parallel_loop3A_2315 = arith.addi %parallel_loop3A_2314, %parallel_loop3A_2311 : vector<16xi32>
      %parallel_loop3A_2316 = arith.constant -65536 : i32
      %parallel_loop3A_2317 = vector.broadcast %parallel_loop3A_2316 : i32 to vector<16xi32>
      %parallel_loop3A_2318 = arith.andi %parallel_loop3A_2315, %parallel_loop3A_2317 : vector<16xi32>
      %parallel_loop3A_2319 = tpu.bitcast %parallel_loop3A_2318 : vector<16xi32> -> vector<16xf32>
      %parallel_loop3A_2320 = arith.constant 14157 : i32
      %parallel_loop3A_2321 = vector.broadcast %parallel_loop3A_2320 : i32 to vector<16xi32>
      %parallel_loop3A_2322 = arith.addi %parallel_loop3A_2001, %parallel_loop3A_2321 : vector<16xi32>
      %parallel_loop3A_2323 = tpu.vector_load_idx %arg9[%parallel_loop3A_2322] : memref<26136xf32, #tpu.memory_space<vmem>>[vector<16xi32>], vector<16xf32>,
      %parallel_loop3A_2324 = tpu.bitcast %parallel_loop3A_2323 : vector<16xf32> -> vector<16xi32>
      %parallel_loop3A_2325 = arith.constant 16 : i32
      %parallel_loop3A_2326 = vector.broadcast %parallel_loop3A_2325 : i32 to vector<16xi32>
      %parallel_loop3A_2327 = arith.shrui %parallel_loop3A_2324, %parallel_loop3A_2326 : vector<16xi32>
      %parallel_loop3A_2328 = arith.constant 1 : i32
      %parallel_loop3A_2329 = vector.broadcast %parallel_loop3A_2328 : i32 to vector<16xi32>
      %parallel_loop3A_2330 = arith.andi %parallel_loop3A_2327, %parallel_loop3A_2329 : vector<16xi32>
      %parallel_loop3A_2331 = arith.constant 32767 : i32
      %parallel_loop3A_2332 = vector.broadcast %parallel_loop3A_2331 : i32 to vector<16xi32>
      %parallel_loop3A_2333 = arith.addi %parallel_loop3A_2324, %parallel_loop3A_2332 : vector<16xi32>
      %parallel_loop3A_2334 = arith.addi %parallel_loop3A_2333, %parallel_loop3A_2330 : vector<16xi32>
      %parallel_loop3A_2335 = arith.constant -65536 : i32
      %parallel_loop3A_2336 = vector.broadcast %parallel_loop3A_2335 : i32 to vector<16xi32>
      %parallel_loop3A_2337 = arith.andi %parallel_loop3A_2334, %parallel_loop3A_2336 : vector<16xi32>
      %parallel_loop3A_2338 = tpu.bitcast %parallel_loop3A_2337 : vector<16xi32> -> vector<16xf32>
      %parallel_loop3A_2339 = arith.constant 15246 : i32
      %parallel_loop3A_2340 = vector.broadcast %parallel_loop3A_2339 : i32 to vector<16xi32>
      %parallel_loop3A_2341 = arith.addi %parallel_loop3A_2001, %parallel_loop3A_2340 : vector<16xi32>
      %parallel_loop3A_2342 = tpu.vector_load_idx %arg9[%parallel_loop3A_2341] : memref<26136xf32, #tpu.memory_space<vmem>>[vector<16xi32>], vector<16xf32>,
      %parallel_loop3A_2343 = tpu.bitcast %parallel_loop3A_2342 : vector<16xf32> -> vector<16xi32>
      %parallel_loop3A_2344 = arith.constant 16 : i32
      %parallel_loop3A_2345 = vector.broadcast %parallel_loop3A_2344 : i32 to vector<16xi32>
      %parallel_loop3A_2346 = arith.shrui %parallel_loop3A_2343, %parallel_loop3A_2345 : vector<16xi32>
      %parallel_loop3A_2347 = arith.constant 1 : i32
      %parallel_loop3A_2348 = vector.broadcast %parallel_loop3A_2347 : i32 to vector<16xi32>
      %parallel_loop3A_2349 = arith.andi %parallel_loop3A_2346, %parallel_loop3A_2348 : vector<16xi32>
      %parallel_loop3A_2350 = arith.constant 32767 : i32
      %parallel_loop3A_2351 = vector.broadcast %parallel_loop3A_2350 : i32 to vector<16xi32>
      %parallel_loop3A_2352 = arith.addi %parallel_loop3A_2343, %parallel_loop3A_2351 : vector<16xi32>
      %parallel_loop3A_2353 = arith.addi %parallel_loop3A_2352, %parallel_loop3A_2349 : vector<16xi32>
      %parallel_loop3A_2354 = arith.constant -65536 : i32
      %parallel_loop3A_2355 = vector.broadcast %parallel_loop3A_2354 : i32 to vector<16xi32>
      %parallel_loop3A_2356 = arith.andi %parallel_loop3A_2353, %parallel_loop3A_2355 : vector<16xi32>
      %parallel_loop3A_2357 = tpu.bitcast %parallel_loop3A_2356 : vector<16xi32> -> vector<16xf32>
      %parallel_loop3A_2358 = arith.constant 16335 : i32
      %parallel_loop3A_2359 = vector.broadcast %parallel_loop3A_2358 : i32 to vector<16xi32>
      %parallel_loop3A_2360 = arith.addi %parallel_loop3A_2001, %parallel_loop3A_2359 : vector<16xi32>
      %parallel_loop3A_2361 = tpu.vector_load_idx %arg9[%parallel_loop3A_2360] : memref<26136xf32, #tpu.memory_space<vmem>>[vector<16xi32>], vector<16xf32>,
      %parallel_loop3A_2362 = tpu.bitcast %parallel_loop3A_2361 : vector<16xf32> -> vector<16xi32>
      %parallel_loop3A_2363 = arith.constant 16 : i32
      %parallel_loop3A_2364 = vector.broadcast %parallel_loop3A_2363 : i32 to vector<16xi32>
      %parallel_loop3A_2365 = arith.shrui %parallel_loop3A_2362, %parallel_loop3A_2364 : vector<16xi32>
      %parallel_loop3A_2366 = arith.constant 1 : i32
      %parallel_loop3A_2367 = vector.broadcast %parallel_loop3A_2366 : i32 to vector<16xi32>
      %parallel_loop3A_2368 = arith.andi %parallel_loop3A_2365, %parallel_loop3A_2367 : vector<16xi32>
      %parallel_loop3A_2369 = arith.constant 32767 : i32
      %parallel_loop3A_2370 = vector.broadcast %parallel_loop3A_2369 : i32 to vector<16xi32>
      %parallel_loop3A_2371 = arith.addi %parallel_loop3A_2362, %parallel_loop3A_2370 : vector<16xi32>
      %parallel_loop3A_2372 = arith.addi %parallel_loop3A_2371, %parallel_loop3A_2368 : vector<16xi32>
      %parallel_loop3A_2373 = arith.constant -65536 : i32
      %parallel_loop3A_2374 = vector.broadcast %parallel_loop3A_2373 : i32 to vector<16xi32>
      %parallel_loop3A_2375 = arith.andi %parallel_loop3A_2372, %parallel_loop3A_2374 : vector<16xi32>
      %parallel_loop3A_2376 = tpu.bitcast %parallel_loop3A_2375 : vector<16xi32> -> vector<16xf32>
      %parallel_loop3A_2377 = arith.constant 6534 : i32
      %parallel_loop3A_2378 = vector.broadcast %parallel_loop3A_2377 : i32 to vector<16xi32>
      %parallel_loop3A_2379 = arith.addi %parallel_loop3A_2001, %parallel_loop3A_2378 : vector<16xi32>
      %parallel_loop3A_2380 = tpu.vector_load_idx %arg10[%parallel_loop3A_2379] : memref<13068xf32, #tpu.memory_space<vmem>>[vector<16xi32>], vector<16xf32>,
      %parallel_loop3A_2381 = arith.constant 7623 : i32
      %parallel_loop3A_2382 = vector.broadcast %parallel_loop3A_2381 : i32 to vector<16xi32>
      %parallel_loop3A_2383 = arith.addi %parallel_loop3A_2001, %parallel_loop3A_2382 : vector<16xi32>
      %parallel_loop3A_2384 = tpu.vector_load_idx %arg10[%parallel_loop3A_2383] : memref<13068xf32, #tpu.memory_space<vmem>>[vector<16xi32>], vector<16xf32>,
      %parallel_loop3A_2385 = arith.mulf %parallel_loop3A_58, %parallel_loop3A_2319 : vector<16xf32>
      %parallel_loop3A_2386 = arith.mulf %parallel_loop3A_73, %parallel_loop3A_2357 : vector<16xf32>
      %parallel_loop3A_2387 = arith.addf %parallel_loop3A_2385, %parallel_loop3A_2386 : vector<16xf32>
      %parallel_loop3A_2388 = arith.addf %parallel_loop3A_2387, %parallel_loop3A_2380 : vector<16xf32>
      %parallel_loop3A_2389 = arith.mulf %parallel_loop3A_58, %parallel_loop3A_2338 : vector<16xf32>
      %parallel_loop3A_2390 = arith.mulf %parallel_loop3A_73, %parallel_loop3A_2376 : vector<16xf32>
      %parallel_loop3A_2391 = arith.addf %parallel_loop3A_2389, %parallel_loop3A_2390 : vector<16xf32>
      %parallel_loop3A_2392 = arith.addf %parallel_loop3A_2391, %parallel_loop3A_2384 : vector<16xf32>
      %parallel_loop3A_2393 = arith.addf %parallel_loop3A_2388, %parallel_loop3A_2392 : vector<16xf32>
      %parallel_loop3A_2394 = arith.constant 1.000000e+00 : f32
      %parallel_loop3A_2395 = vector.broadcast %parallel_loop3A_2394 : f32 to vector<16xf32>
      %parallel_loop3A_2396 = arith.subf %parallel_loop3A_2395, %parallel_loop3A_2393 : vector<16xf32>
      %parallel_loop3A_2397 = arith.constant 0.000000e+00 : f32
      %parallel_loop3A_2398 = vector.broadcast %parallel_loop3A_2397 : f32 to vector<16xf32>
      %parallel_loop3A_2399 = arith.maximumf %parallel_loop3A_2396, %parallel_loop3A_2398 : vector<16xf32>
      %parallel_loop3A_2400 = arith.minimumf %parallel_loop3A_2300, %parallel_loop3A_2399 : vector<16xf32>
      %parallel_loop3A_2401 = arith.constant 17424 : i32
      %parallel_loop3A_2402 = vector.broadcast %parallel_loop3A_2401 : i32 to vector<16xi32>
      %parallel_loop3A_2403 = arith.addi %parallel_loop3A_2001, %parallel_loop3A_2402 : vector<16xi32>
      %parallel_loop3A_2404 = tpu.vector_load_idx %arg9[%parallel_loop3A_2403] : memref<26136xf32, #tpu.memory_space<vmem>>[vector<16xi32>], vector<16xf32>,
      %parallel_loop3A_2405 = tpu.bitcast %parallel_loop3A_2404 : vector<16xf32> -> vector<16xi32>
      %parallel_loop3A_2406 = arith.constant 16 : i32
      %parallel_loop3A_2407 = vector.broadcast %parallel_loop3A_2406 : i32 to vector<16xi32>
      %parallel_loop3A_2408 = arith.shrui %parallel_loop3A_2405, %parallel_loop3A_2407 : vector<16xi32>
      %parallel_loop3A_2409 = arith.constant 1 : i32
      %parallel_loop3A_2410 = vector.broadcast %parallel_loop3A_2409 : i32 to vector<16xi32>
      %parallel_loop3A_2411 = arith.andi %parallel_loop3A_2408, %parallel_loop3A_2410 : vector<16xi32>
      %parallel_loop3A_2412 = arith.constant 32767 : i32
      %parallel_loop3A_2413 = vector.broadcast %parallel_loop3A_2412 : i32 to vector<16xi32>
      %parallel_loop3A_2414 = arith.addi %parallel_loop3A_2405, %parallel_loop3A_2413 : vector<16xi32>
      %parallel_loop3A_2415 = arith.addi %parallel_loop3A_2414, %parallel_loop3A_2411 : vector<16xi32>
      %parallel_loop3A_2416 = arith.constant -65536 : i32
      %parallel_loop3A_2417 = vector.broadcast %parallel_loop3A_2416 : i32 to vector<16xi32>
      %parallel_loop3A_2418 = arith.andi %parallel_loop3A_2415, %parallel_loop3A_2417 : vector<16xi32>
      %parallel_loop3A_2419 = tpu.bitcast %parallel_loop3A_2418 : vector<16xi32> -> vector<16xf32>
      %parallel_loop3A_2420 = arith.constant 18513 : i32
      %parallel_loop3A_2421 = vector.broadcast %parallel_loop3A_2420 : i32 to vector<16xi32>
      %parallel_loop3A_2422 = arith.addi %parallel_loop3A_2001, %parallel_loop3A_2421 : vector<16xi32>
      %parallel_loop3A_2423 = tpu.vector_load_idx %arg9[%parallel_loop3A_2422] : memref<26136xf32, #tpu.memory_space<vmem>>[vector<16xi32>], vector<16xf32>,
      %parallel_loop3A_2424 = tpu.bitcast %parallel_loop3A_2423 : vector<16xf32> -> vector<16xi32>
      %parallel_loop3A_2425 = arith.constant 16 : i32
      %parallel_loop3A_2426 = vector.broadcast %parallel_loop3A_2425 : i32 to vector<16xi32>
      %parallel_loop3A_2427 = arith.shrui %parallel_loop3A_2424, %parallel_loop3A_2426 : vector<16xi32>
      %parallel_loop3A_2428 = arith.constant 1 : i32
      %parallel_loop3A_2429 = vector.broadcast %parallel_loop3A_2428 : i32 to vector<16xi32>
      %parallel_loop3A_2430 = arith.andi %parallel_loop3A_2427, %parallel_loop3A_2429 : vector<16xi32>
      %parallel_loop3A_2431 = arith.constant 32767 : i32
      %parallel_loop3A_2432 = vector.broadcast %parallel_loop3A_2431 : i32 to vector<16xi32>
      %parallel_loop3A_2433 = arith.addi %parallel_loop3A_2424, %parallel_loop3A_2432 : vector<16xi32>
      %parallel_loop3A_2434 = arith.addi %parallel_loop3A_2433, %parallel_loop3A_2430 : vector<16xi32>
      %parallel_loop3A_2435 = arith.constant -65536 : i32
      %parallel_loop3A_2436 = vector.broadcast %parallel_loop3A_2435 : i32 to vector<16xi32>
      %parallel_loop3A_2437 = arith.andi %parallel_loop3A_2434, %parallel_loop3A_2436 : vector<16xi32>
      %parallel_loop3A_2438 = tpu.bitcast %parallel_loop3A_2437 : vector<16xi32> -> vector<16xf32>
      %parallel_loop3A_2439 = arith.constant 19602 : i32
      %parallel_loop3A_2440 = vector.broadcast %parallel_loop3A_2439 : i32 to vector<16xi32>
      %parallel_loop3A_2441 = arith.addi %parallel_loop3A_2001, %parallel_loop3A_2440 : vector<16xi32>
      %parallel_loop3A_2442 = tpu.vector_load_idx %arg9[%parallel_loop3A_2441] : memref<26136xf32, #tpu.memory_space<vmem>>[vector<16xi32>], vector<16xf32>,
      %parallel_loop3A_2443 = tpu.bitcast %parallel_loop3A_2442 : vector<16xf32> -> vector<16xi32>
      %parallel_loop3A_2444 = arith.constant 16 : i32
      %parallel_loop3A_2445 = vector.broadcast %parallel_loop3A_2444 : i32 to vector<16xi32>
      %parallel_loop3A_2446 = arith.shrui %parallel_loop3A_2443, %parallel_loop3A_2445 : vector<16xi32>
      %parallel_loop3A_2447 = arith.constant 1 : i32
      %parallel_loop3A_2448 = vector.broadcast %parallel_loop3A_2447 : i32 to vector<16xi32>
      %parallel_loop3A_2449 = arith.andi %parallel_loop3A_2446, %parallel_loop3A_2448 : vector<16xi32>
      %parallel_loop3A_2450 = arith.constant 32767 : i32
      %parallel_loop3A_2451 = vector.broadcast %parallel_loop3A_2450 : i32 to vector<16xi32>
      %parallel_loop3A_2452 = arith.addi %parallel_loop3A_2443, %parallel_loop3A_2451 : vector<16xi32>
      %parallel_loop3A_2453 = arith.addi %parallel_loop3A_2452, %parallel_loop3A_2449 : vector<16xi32>
      %parallel_loop3A_2454 = arith.constant -65536 : i32
      %parallel_loop3A_2455 = vector.broadcast %parallel_loop3A_2454 : i32 to vector<16xi32>
      %parallel_loop3A_2456 = arith.andi %parallel_loop3A_2453, %parallel_loop3A_2455 : vector<16xi32>
      %parallel_loop3A_2457 = tpu.bitcast %parallel_loop3A_2456 : vector<16xi32> -> vector<16xf32>
      %parallel_loop3A_2458 = arith.constant 20691 : i32
      %parallel_loop3A_2459 = vector.broadcast %parallel_loop3A_2458 : i32 to vector<16xi32>
      %parallel_loop3A_2460 = arith.addi %parallel_loop3A_2001, %parallel_loop3A_2459 : vector<16xi32>
      %parallel_loop3A_2461 = tpu.vector_load_idx %arg9[%parallel_loop3A_2460] : memref<26136xf32, #tpu.memory_space<vmem>>[vector<16xi32>], vector<16xf32>,
      %parallel_loop3A_2462 = tpu.bitcast %parallel_loop3A_2461 : vector<16xf32> -> vector<16xi32>
      %parallel_loop3A_2463 = arith.constant 16 : i32
      %parallel_loop3A_2464 = vector.broadcast %parallel_loop3A_2463 : i32 to vector<16xi32>
      %parallel_loop3A_2465 = arith.shrui %parallel_loop3A_2462, %parallel_loop3A_2464 : vector<16xi32>
      %parallel_loop3A_2466 = arith.constant 1 : i32
      %parallel_loop3A_2467 = vector.broadcast %parallel_loop3A_2466 : i32 to vector<16xi32>
      %parallel_loop3A_2468 = arith.andi %parallel_loop3A_2465, %parallel_loop3A_2467 : vector<16xi32>
      %parallel_loop3A_2469 = arith.constant 32767 : i32
      %parallel_loop3A_2470 = vector.broadcast %parallel_loop3A_2469 : i32 to vector<16xi32>
      %parallel_loop3A_2471 = arith.addi %parallel_loop3A_2462, %parallel_loop3A_2470 : vector<16xi32>
      %parallel_loop3A_2472 = arith.addi %parallel_loop3A_2471, %parallel_loop3A_2468 : vector<16xi32>
      %parallel_loop3A_2473 = arith.constant -65536 : i32
      %parallel_loop3A_2474 = vector.broadcast %parallel_loop3A_2473 : i32 to vector<16xi32>
      %parallel_loop3A_2475 = arith.andi %parallel_loop3A_2472, %parallel_loop3A_2474 : vector<16xi32>
      %parallel_loop3A_2476 = tpu.bitcast %parallel_loop3A_2475 : vector<16xi32> -> vector<16xf32>
      %parallel_loop3A_2477 = arith.constant 8712 : i32
      %parallel_loop3A_2478 = vector.broadcast %parallel_loop3A_2477 : i32 to vector<16xi32>
      %parallel_loop3A_2479 = arith.addi %parallel_loop3A_2001, %parallel_loop3A_2478 : vector<16xi32>
      %parallel_loop3A_2480 = tpu.vector_load_idx %arg10[%parallel_loop3A_2479] : memref<13068xf32, #tpu.memory_space<vmem>>[vector<16xi32>], vector<16xf32>,
      %parallel_loop3A_2481 = arith.constant 9801 : i32
      %parallel_loop3A_2482 = vector.broadcast %parallel_loop3A_2481 : i32 to vector<16xi32>
      %parallel_loop3A_2483 = arith.addi %parallel_loop3A_2001, %parallel_loop3A_2482 : vector<16xi32>
      %parallel_loop3A_2484 = tpu.vector_load_idx %arg10[%parallel_loop3A_2483] : memref<13068xf32, #tpu.memory_space<vmem>>[vector<16xi32>], vector<16xf32>,
      %parallel_loop3A_2485 = arith.mulf %parallel_loop3A_58, %parallel_loop3A_2419 : vector<16xf32>
      %parallel_loop3A_2486 = arith.mulf %parallel_loop3A_73, %parallel_loop3A_2457 : vector<16xf32>
      %parallel_loop3A_2487 = arith.addf %parallel_loop3A_2485, %parallel_loop3A_2486 : vector<16xf32>
      %parallel_loop3A_2488 = arith.addf %parallel_loop3A_2487, %parallel_loop3A_2480 : vector<16xf32>
      %parallel_loop3A_2489 = arith.mulf %parallel_loop3A_58, %parallel_loop3A_2438 : vector<16xf32>
      %parallel_loop3A_2490 = arith.mulf %parallel_loop3A_73, %parallel_loop3A_2476 : vector<16xf32>
      %parallel_loop3A_2491 = arith.addf %parallel_loop3A_2489, %parallel_loop3A_2490 : vector<16xf32>
      %parallel_loop3A_2492 = arith.addf %parallel_loop3A_2491, %parallel_loop3A_2484 : vector<16xf32>
      %parallel_loop3A_2493 = arith.addf %parallel_loop3A_2488, %parallel_loop3A_2492 : vector<16xf32>
      %parallel_loop3A_2494 = arith.constant 1.000000e+00 : f32
      %parallel_loop3A_2495 = vector.broadcast %parallel_loop3A_2494 : f32 to vector<16xf32>
      %parallel_loop3A_2496 = arith.subf %parallel_loop3A_2495, %parallel_loop3A_2493 : vector<16xf32>
      %parallel_loop3A_2497 = arith.constant 0.000000e+00 : f32
      %parallel_loop3A_2498 = vector.broadcast %parallel_loop3A_2497 : f32 to vector<16xf32>
      %parallel_loop3A_2499 = arith.maximumf %parallel_loop3A_2496, %parallel_loop3A_2498 : vector<16xf32>
      %parallel_loop3A_2500 = arith.minimumf %parallel_loop3A_2400, %parallel_loop3A_2499 : vector<16xf32>
      %parallel_loop3A_2501 = arith.constant 21780 : i32
      %parallel_loop3A_2502 = vector.broadcast %parallel_loop3A_2501 : i32 to vector<16xi32>
      %parallel_loop3A_2503 = arith.addi %parallel_loop3A_2001, %parallel_loop3A_2502 : vector<16xi32>
      %parallel_loop3A_2504 = tpu.vector_load_idx %arg9[%parallel_loop3A_2503] : memref<26136xf32, #tpu.memory_space<vmem>>[vector<16xi32>], vector<16xf32>,
      %parallel_loop3A_2505 = tpu.bitcast %parallel_loop3A_2504 : vector<16xf32> -> vector<16xi32>
      %parallel_loop3A_2506 = arith.constant 16 : i32
      %parallel_loop3A_2507 = vector.broadcast %parallel_loop3A_2506 : i32 to vector<16xi32>
      %parallel_loop3A_2508 = arith.shrui %parallel_loop3A_2505, %parallel_loop3A_2507 : vector<16xi32>
      %parallel_loop3A_2509 = arith.constant 1 : i32
      %parallel_loop3A_2510 = vector.broadcast %parallel_loop3A_2509 : i32 to vector<16xi32>
      %parallel_loop3A_2511 = arith.andi %parallel_loop3A_2508, %parallel_loop3A_2510 : vector<16xi32>
      %parallel_loop3A_2512 = arith.constant 32767 : i32
      %parallel_loop3A_2513 = vector.broadcast %parallel_loop3A_2512 : i32 to vector<16xi32>
      %parallel_loop3A_2514 = arith.addi %parallel_loop3A_2505, %parallel_loop3A_2513 : vector<16xi32>
      %parallel_loop3A_2515 = arith.addi %parallel_loop3A_2514, %parallel_loop3A_2511 : vector<16xi32>
      %parallel_loop3A_2516 = arith.constant -65536 : i32
      %parallel_loop3A_2517 = vector.broadcast %parallel_loop3A_2516 : i32 to vector<16xi32>
      %parallel_loop3A_2518 = arith.andi %parallel_loop3A_2515, %parallel_loop3A_2517 : vector<16xi32>
      %parallel_loop3A_2519 = tpu.bitcast %parallel_loop3A_2518 : vector<16xi32> -> vector<16xf32>
      %parallel_loop3A_2520 = arith.constant 22869 : i32
      %parallel_loop3A_2521 = vector.broadcast %parallel_loop3A_2520 : i32 to vector<16xi32>
      %parallel_loop3A_2522 = arith.addi %parallel_loop3A_2001, %parallel_loop3A_2521 : vector<16xi32>
      %parallel_loop3A_2523 = tpu.vector_load_idx %arg9[%parallel_loop3A_2522] : memref<26136xf32, #tpu.memory_space<vmem>>[vector<16xi32>], vector<16xf32>,
      %parallel_loop3A_2524 = tpu.bitcast %parallel_loop3A_2523 : vector<16xf32> -> vector<16xi32>
      %parallel_loop3A_2525 = arith.constant 16 : i32
      %parallel_loop3A_2526 = vector.broadcast %parallel_loop3A_2525 : i32 to vector<16xi32>
      %parallel_loop3A_2527 = arith.shrui %parallel_loop3A_2524, %parallel_loop3A_2526 : vector<16xi32>
      %parallel_loop3A_2528 = arith.constant 1 : i32
      %parallel_loop3A_2529 = vector.broadcast %parallel_loop3A_2528 : i32 to vector<16xi32>
      %parallel_loop3A_2530 = arith.andi %parallel_loop3A_2527, %parallel_loop3A_2529 : vector<16xi32>
      %parallel_loop3A_2531 = arith.constant 32767 : i32
      %parallel_loop3A_2532 = vector.broadcast %parallel_loop3A_2531 : i32 to vector<16xi32>
      %parallel_loop3A_2533 = arith.addi %parallel_loop3A_2524, %parallel_loop3A_2532 : vector<16xi32>
      %parallel_loop3A_2534 = arith.addi %parallel_loop3A_2533, %parallel_loop3A_2530 : vector<16xi32>
      %parallel_loop3A_2535 = arith.constant -65536 : i32
      %parallel_loop3A_2536 = vector.broadcast %parallel_loop3A_2535 : i32 to vector<16xi32>
      %parallel_loop3A_2537 = arith.andi %parallel_loop3A_2534, %parallel_loop3A_2536 : vector<16xi32>
      %parallel_loop3A_2538 = tpu.bitcast %parallel_loop3A_2537 : vector<16xi32> -> vector<16xf32>
      %parallel_loop3A_2539 = arith.constant 23958 : i32
      %parallel_loop3A_2540 = vector.broadcast %parallel_loop3A_2539 : i32 to vector<16xi32>
      %parallel_loop3A_2541 = arith.addi %parallel_loop3A_2001, %parallel_loop3A_2540 : vector<16xi32>
      %parallel_loop3A_2542 = tpu.vector_load_idx %arg9[%parallel_loop3A_2541] : memref<26136xf32, #tpu.memory_space<vmem>>[vector<16xi32>], vector<16xf32>,
      %parallel_loop3A_2543 = tpu.bitcast %parallel_loop3A_2542 : vector<16xf32> -> vector<16xi32>
      %parallel_loop3A_2544 = arith.constant 16 : i32
      %parallel_loop3A_2545 = vector.broadcast %parallel_loop3A_2544 : i32 to vector<16xi32>
      %parallel_loop3A_2546 = arith.shrui %parallel_loop3A_2543, %parallel_loop3A_2545 : vector<16xi32>
      %parallel_loop3A_2547 = arith.constant 1 : i32
      %parallel_loop3A_2548 = vector.broadcast %parallel_loop3A_2547 : i32 to vector<16xi32>
      %parallel_loop3A_2549 = arith.andi %parallel_loop3A_2546, %parallel_loop3A_2548 : vector<16xi32>
      %parallel_loop3A_2550 = arith.constant 32767 : i32
      %parallel_loop3A_2551 = vector.broadcast %parallel_loop3A_2550 : i32 to vector<16xi32>
      %parallel_loop3A_2552 = arith.addi %parallel_loop3A_2543, %parallel_loop3A_2551 : vector<16xi32>
      %parallel_loop3A_2553 = arith.addi %parallel_loop3A_2552, %parallel_loop3A_2549 : vector<16xi32>
      %parallel_loop3A_2554 = arith.constant -65536 : i32
      %parallel_loop3A_2555 = vector.broadcast %parallel_loop3A_2554 : i32 to vector<16xi32>
      %parallel_loop3A_2556 = arith.andi %parallel_loop3A_2553, %parallel_loop3A_2555 : vector<16xi32>
      %parallel_loop3A_2557 = tpu.bitcast %parallel_loop3A_2556 : vector<16xi32> -> vector<16xf32>
      %parallel_loop3A_2558 = arith.constant 25047 : i32
      %parallel_loop3A_2559 = vector.broadcast %parallel_loop3A_2558 : i32 to vector<16xi32>
      %parallel_loop3A_2560 = arith.addi %parallel_loop3A_2001, %parallel_loop3A_2559 : vector<16xi32>
      %parallel_loop3A_2561 = tpu.vector_load_idx %arg9[%parallel_loop3A_2560] : memref<26136xf32, #tpu.memory_space<vmem>>[vector<16xi32>], vector<16xf32>,
      %parallel_loop3A_2562 = tpu.bitcast %parallel_loop3A_2561 : vector<16xf32> -> vector<16xi32>
      %parallel_loop3A_2563 = arith.constant 16 : i32
      %parallel_loop3A_2564 = vector.broadcast %parallel_loop3A_2563 : i32 to vector<16xi32>
      %parallel_loop3A_2565 = arith.shrui %parallel_loop3A_2562, %parallel_loop3A_2564 : vector<16xi32>
      %parallel_loop3A_2566 = arith.constant 1 : i32
      %parallel_loop3A_2567 = vector.broadcast %parallel_loop3A_2566 : i32 to vector<16xi32>
      %parallel_loop3A_2568 = arith.andi %parallel_loop3A_2565, %parallel_loop3A_2567 : vector<16xi32>
      %parallel_loop3A_2569 = arith.constant 32767 : i32
      %parallel_loop3A_2570 = vector.broadcast %parallel_loop3A_2569 : i32 to vector<16xi32>
      %parallel_loop3A_2571 = arith.addi %parallel_loop3A_2562, %parallel_loop3A_2570 : vector<16xi32>
      %parallel_loop3A_2572 = arith.addi %parallel_loop3A_2571, %parallel_loop3A_2568 : vector<16xi32>
      %parallel_loop3A_2573 = arith.constant -65536 : i32
      %parallel_loop3A_2574 = vector.broadcast %parallel_loop3A_2573 : i32 to vector<16xi32>
      %parallel_loop3A_2575 = arith.andi %parallel_loop3A_2572, %parallel_loop3A_2574 : vector<16xi32>
      %parallel_loop3A_2576 = tpu.bitcast %parallel_loop3A_2575 : vector<16xi32> -> vector<16xf32>
      %parallel_loop3A_2577 = arith.constant 10890 : i32
      %parallel_loop3A_2578 = vector.broadcast %parallel_loop3A_2577 : i32 to vector<16xi32>
      %parallel_loop3A_2579 = arith.addi %parallel_loop3A_2001, %parallel_loop3A_2578 : vector<16xi32>
      %parallel_loop3A_2580 = tpu.vector_load_idx %arg10[%parallel_loop3A_2579] : memref<13068xf32, #tpu.memory_space<vmem>>[vector<16xi32>], vector<16xf32>,
      %parallel_loop3A_2581 = arith.constant 11979 : i32
      %parallel_loop3A_2582 = vector.broadcast %parallel_loop3A_2581 : i32 to vector<16xi32>
      %parallel_loop3A_2583 = arith.addi %parallel_loop3A_2001, %parallel_loop3A_2582 : vector<16xi32>
      %parallel_loop3A_2584 = tpu.vector_load_idx %arg10[%parallel_loop3A_2583] : memref<13068xf32, #tpu.memory_space<vmem>>[vector<16xi32>], vector<16xf32>,
      %parallel_loop3A_2585 = arith.mulf %parallel_loop3A_58, %parallel_loop3A_2519 : vector<16xf32>
      %parallel_loop3A_2586 = arith.mulf %parallel_loop3A_73, %parallel_loop3A_2557 : vector<16xf32>
      %parallel_loop3A_2587 = arith.addf %parallel_loop3A_2585, %parallel_loop3A_2586 : vector<16xf32>
      %parallel_loop3A_2588 = arith.addf %parallel_loop3A_2587, %parallel_loop3A_2580 : vector<16xf32>
      %parallel_loop3A_2589 = arith.mulf %parallel_loop3A_58, %parallel_loop3A_2538 : vector<16xf32>
      %parallel_loop3A_2590 = arith.mulf %parallel_loop3A_73, %parallel_loop3A_2576 : vector<16xf32>
      %parallel_loop3A_2591 = arith.addf %parallel_loop3A_2589, %parallel_loop3A_2590 : vector<16xf32>
      %parallel_loop3A_2592 = arith.addf %parallel_loop3A_2591, %parallel_loop3A_2584 : vector<16xf32>
      %parallel_loop3A_2593 = arith.addf %parallel_loop3A_2588, %parallel_loop3A_2592 : vector<16xf32>
      %parallel_loop3A_2594 = arith.constant 1.000000e+00 : f32
      %parallel_loop3A_2595 = vector.broadcast %parallel_loop3A_2594 : f32 to vector<16xf32>
      %parallel_loop3A_2596 = arith.subf %parallel_loop3A_2595, %parallel_loop3A_2593 : vector<16xf32>
      %parallel_loop3A_2597 = arith.constant 0.000000e+00 : f32
      %parallel_loop3A_2598 = vector.broadcast %parallel_loop3A_2597 : f32 to vector<16xf32>
      %parallel_loop3A_2599 = arith.maximumf %parallel_loop3A_2596, %parallel_loop3A_2598 : vector<16xf32>
      %parallel_loop3A_2600 = arith.minimumf %parallel_loop3A_2500, %parallel_loop3A_2599 : vector<16xf32>
      %parallel_loop3A_2601 = tpu.vector_load_idx %arg11[%parallel_loop3A_2001] : memref<1089xf32, #tpu.memory_space<vmem>>[vector<16xi32>], vector<16xf32>,
      %parallel_loop3A_2602 = tpu.bitcast %parallel_loop3A_2601 : vector<16xf32> -> vector<16xi32>
      %parallel_loop3A_2603 = arith.constant 16 : i32
      %parallel_loop3A_2604 = vector.broadcast %parallel_loop3A_2603 : i32 to vector<16xi32>
      %parallel_loop3A_2605 = arith.shrui %parallel_loop3A_2602, %parallel_loop3A_2604 : vector<16xi32>
      %parallel_loop3A_2606 = arith.constant 1 : i32
      %parallel_loop3A_2607 = vector.broadcast %parallel_loop3A_2606 : i32 to vector<16xi32>
      %parallel_loop3A_2608 = arith.andi %parallel_loop3A_2605, %parallel_loop3A_2607 : vector<16xi32>
      %parallel_loop3A_2609 = arith.constant 32767 : i32
      %parallel_loop3A_2610 = vector.broadcast %parallel_loop3A_2609 : i32 to vector<16xi32>
      %parallel_loop3A_2611 = arith.addi %parallel_loop3A_2602, %parallel_loop3A_2610 : vector<16xi32>
      %parallel_loop3A_2612 = arith.addi %parallel_loop3A_2611, %parallel_loop3A_2608 : vector<16xi32>
      %parallel_loop3A_2613 = arith.constant -65536 : i32
      %parallel_loop3A_2614 = vector.broadcast %parallel_loop3A_2613 : i32 to vector<16xi32>
      %parallel_loop3A_2615 = arith.andi %parallel_loop3A_2612, %parallel_loop3A_2614 : vector<16xi32>
      %parallel_loop3A_2616 = tpu.bitcast %parallel_loop3A_2615 : vector<16xi32> -> vector<16xf32>
      %parallel_loop3A_2617 = tpu.bitcast %parallel_loop3A_2600 : vector<16xf32> -> vector<16xi32>
      %parallel_loop3A_2618 = arith.constant 16 : i32
      %parallel_loop3A_2619 = vector.broadcast %parallel_loop3A_2618 : i32 to vector<16xi32>
      %parallel_loop3A_2620 = arith.shrui %parallel_loop3A_2617, %parallel_loop3A_2619 : vector<16xi32>
      %parallel_loop3A_2621 = arith.constant 1 : i32
      %parallel_loop3A_2622 = vector.broadcast %parallel_loop3A_2621 : i32 to vector<16xi32>
      %parallel_loop3A_2623 = arith.andi %parallel_loop3A_2620, %parallel_loop3A_2622 : vector<16xi32>
      %parallel_loop3A_2624 = arith.constant 32767 : i32
      %parallel_loop3A_2625 = vector.broadcast %parallel_loop3A_2624 : i32 to vector<16xi32>
      %parallel_loop3A_2626 = arith.addi %parallel_loop3A_2617, %parallel_loop3A_2625 : vector<16xi32>
      %parallel_loop3A_2627 = arith.addi %parallel_loop3A_2626, %parallel_loop3A_2623 : vector<16xi32>
      %parallel_loop3A_2628 = arith.constant -65536 : i32
      %parallel_loop3A_2629 = vector.broadcast %parallel_loop3A_2628 : i32 to vector<16xi32>
      %parallel_loop3A_2630 = arith.andi %parallel_loop3A_2627, %parallel_loop3A_2629 : vector<16xi32>
      %parallel_loop3A_2631 = tpu.bitcast %parallel_loop3A_2630 : vector<16xi32> -> vector<16xf32>
      %parallel_loop3A_2632 = arith.mulf %parallel_loop3A_2631, %parallel_loop3A_2616 : vector<16xf32>
      %parallel_loop3A_2633 = arith.addf %parallel_loop3A_1998, %parallel_loop3A_2632 : vector<16xf32>
      %parallel_loop3A_2634 = arith.constant 16 : i32
      %parallel_loop3A_2635 = arith.muli %parallel_loop3A_35, %parallel_loop3A_2634 : i32
      %parallel_loop3A_2636 = arith.index_cast %parallel_loop3A_2635 : i32 to index
      %parallel_loop3A_2637 = tpu.vector_load %arg12[%parallel_loop3A_2636] {strides = array<i32>} : memref<128xf32, #tpu.memory_space<vmem>>, vector<16xf32>,
      tpu.vector_store %arg12[%parallel_loop3A_2636], %parallel_loop3A_2633 {strides = array<i32>} : memref<128xf32, #tpu.memory_space<vmem>>, vector<16xf32>,
    } {sc.loop_unroll_factor = 1 : i64, sc.parallel_access}
    "tpu.region"() ({
      %run_scoped3A = tpu.sem_alloc : memref<!tpu.dma_semaphore, #tpu.memory_space<semaphore_mem>>
      %dma_start3A_35 = tpu.memref_slice %arg6[%mul3A_2] : memref<4096xf32, #tpu.memory_space<hbm>> -> memref<128xf32, #tpu.memory_space<hbm>>
      %dma_start3A_36 = tpu.memref_slice %arg6[%mul3A_2] : memref<4096xf32, #tpu.memory_space<hbm>> -> memref<128xf32, #tpu.memory_space<hbm>>
      tpu.enqueue_dma source(%arg12 : memref<128xf32, #tpu.memory_space<vmem>>) target(%dma_start3A_36 : memref<128xf32, #tpu.memory_space<hbm>>) target_semaphore(%run_scoped3A : memref<!tpu.dma_semaphore, #tpu.memory_space<semaphore_mem>>)
      %dma_wait3A_37 = tpu.memref_slice %arg6[%mul3A_2] : memref<4096xf32, #tpu.memory_space<hbm>> -> memref<128xf32, #tpu.memory_space<hbm>>
      %dma_wait3A_38 = tpu.memref_slice %arg6[%mul3A_2] : memref<4096xf32, #tpu.memory_space<hbm>> -> memref<128xf32, #tpu.memory_space<hbm>>
      tpu.wait_dma2 semaphore(%run_scoped3A : memref<!tpu.dma_semaphore, #tpu.memory_space<semaphore_mem>>) src(%arg12 : memref<128xf32, #tpu.memory_space<vmem>>) dst(%dma_wait3A_38 : memref<128xf32, #tpu.memory_space<hbm>>)
      tpu.yield
    }) : () -> ()
    return
  }
}

</mosaic_0001>

<sc_bundles>
// kernel: kernel.3.cloned.1.call-start
scs
__scs_entry_jumppad:
0x0: {  	(pc) =	sbr.rel $0x88, $3  }
0x1: {  	(tag) =	ssettag $0x0;
	lr =	simm.s32 $0x1  }
0x2: {  	[smem:$0x3F9D] =	sst lr;
	_ =	strace $0xD0000000  }
0x3: {  	_ = 	snop  }
0x4: {  	_ = 	snop  }
0x5: {  	_ = 	snop  }
0x6: {  	_ = 	snop  }
0x7: {  	_ = 	snop  }
__scs_overlays_trampoline_lowered:
0x8: {  	[smem:$0x3FAC] =	sst s0  }
0x9: {  	[smem:$0x3FAD] =	sst s1  }
0xa: {  	[smem:$0x3FAE] =	sst s2  }
0xb: {  	[smem:$0x3FAF] =	sst s3  }
0xc: {  	[smem:$0x3FB0] =	sst s4  }
0xd: {  	[smem:$0x3FB1] =	sst s5  }
0xe: {  	[smem:$0x3FB2] =	sst s6  }
0xf: {  	[smem:$0x3FB3] =	sst s7  }
0x10: {  	[smem:$0x3FB4] =	sst s8  }
0x11: {  	[smem:$0x3FB5] =	sst s9;
	s0 =	simm.s32 @!p0 $0x0  }
0x12: {  	s1 =	sld [smem:$0x3F9B];
	s0 =	simm.s32 @p0 $0x1  }
0x13: {  	[smem:$0x3FB6] =	sst s0;
	s0 =	simm.s32 @!p1 $0x0  }
0x14: {  	s2 =	sld [smem:$0x3F9A];
	s0 =	simm.s32 @p1 $0x1  }
0x15: {  	[smem:$0x3FB7] =	sst s0;
	s0 =	simm.s32 @!p2 $0x0  }
0x16: {  	s3 =	sld [smem:$0x3FDB];
	s0 =	simm.s32 @p2 $0x1  }
0x17: {  	s4 =	simm.s32 $0x1BF5;
	[smem:$0x3FB9] =	sst s0  }
0x18: {  	s0 =	sld [smem:$0x3F9C];
	_ =	swait.ge [sflag:s4], $0x0  }
0x19: {  	s7 =	sld [smem:$0x3F9D]  }
0x1a: {  	s8 =	sadd.s32 $0xFFFFE003, lr  }
0x1b: {  	s9 =	sadd.s32 $0xFFFFFEF7, lr;
	s5 =	simm.s32 $0xFFFFFFFF;
	p2 =	slt.u32 s8, $0xFFFFF086  }
0x1c: {  	p1 =	slt.u32 s9, $0xF7A;
	s5 =	simm.s32 @!p2 $0x0  }
0x1d: {  	s5 =	simm.s32 @p1 $0x1;
	p0 =	seq.s32 s7, s2  }
0x1e: {  	s7 =	smul.u32 @!p0 $0xF7A, s2;
	p2 =	seq.s32 @!p0 s5, $0x0  }
0x1f: {  	s9 =	smul.u32 $0xF7A, s1;
	s8 =	simm.s32 @!p0 $0x1BF5;
	p2 =	por !p2, p0  }
0x20: {  	[sflag:s8] =	ssyncset.s32 @!p0 $0xFFFFF086;
	s6 =	sadd.s32 @!p0 s3, s7;
	s7 =	simm.s32 @!p0 $0x108  }
0x21: {  	s3 =	sadd.s32 s3, s9;
	s6 =	sadd.s32 @!p0 $0x88, s6;
	s7 =	simm.s32 @p2 $0x1082  }
0x22: {  	[simem:s7], [sflag:s8] =	dma.local @!p0 [hbm:s6], $0xF7A  }
0x23: {  	s9 =	sor.u32 $0xD0000000, s2;
	s6 =	simm.s32 $0x108;
	_ =	swait.ge @!p0 [sflag:s8], $0x0  }
0x24: {  	s3 =	sadd.s32 $0x88, s3;
	s6 =	simm.s32 @!p1 $0x1082;
	[sflag:s4] =	ssyncset.s32 $0xFFFFF086  }
0x25: {  	[simem:s6], [sflag:s4] =	dma.local [hbm:s3], $0xF7A  }
0x26: {  	[smem:$0x3F9D] =	sst s1;
	(tag) =	ssettag s2;
	_ =	strace s9  }
0x27: {  	s1 =	sld [smem:$0x3FAD]  }
0x28: {  	s2 =	sld [smem:$0x3FAE]  }
0x29: {  	s4 =	sld [smem:$0x3FB0]  }
0x2a: {  	p0 =	seq.s32 s5, $0x0;
	s5 =	sld [smem:$0x3FB1]  }
0x2b: {  	s6 =	sld [smem:$0x3FB2]  }
0x2c: {  	s7 =	sld [smem:$0x3FB3]  }
0x2d: {  	s3 =	simm.s32 $0x108;
	s8 =	sld [smem:$0x3FB4]  }
0x2e: {  	s3 =	simm.s32 @!p0 $0x1082;
	s9 =	sld [smem:$0x3FB5]  }
0x2f: {  	lr =	sadd.s32 s0, s3;
	s0 =	sld [smem:$0x3FAC]  }
0x30: {  	s3 =	sld [smem:$0x3FAF]  }
0x31: {  	[smem:$0x3FB8] =	sst s10  }
0x32: {  	s10 =	sld [smem:$0x3FB6];
	_ =	sdelay $0x3  }
0x33: {  	p0 =	seq.s32 s10, $0x1;
	s10 =	sld [smem:$0x3FB8];
	_ =	sdelay $0x3  }
0x34: {  	[smem:$0x3FB8] =	sst s10  }
0x35: {  	s10 =	sld [smem:$0x3FB7];
	_ =	sdelay $0x3  }
0x36: {  	p1 =	seq.s32 s10, $0x1;
	s10 =	sld [smem:$0x3FB8];
	_ =	sdelay $0x3  }
0x37: {  	[smem:$0x3FB8] =	sst s10  }
0x38: {  	s10 =	sld [smem:$0x3FB9]  }
0x39: {  	_ = 	snop;
	(pc) =	sbr.ind lr, $3  }
0x3a: {  	_ = 	snop  }
0x3b: {  	_ = 	snop  }
0x3c: {  	p2 =	seq.s32 s10, $0x1;
	s10 =	sld [smem:$0x3FB8]  }
0x3d: {  	_ =	shalt  }
0x3e: {  	_ =	shalt  }
0x3f: {  	_ =	shalt  }
0x40: {  	_ =	shalt  }
0x41: {  	_ =	shalt  }
0x42: {  	_ =	shalt  }
0x43: {  	_ =	shalt  }
0x44: {  	_ =	shalt  }
0x45: {  	_ =	shalt  }
0x46: {  	_ =	shalt  }
0x47: {  	_ =	shalt  }
0x48: {  	_ =	shalt  }
0x49: {  	_ =	shalt  }
0x4a: {  	_ =	shalt  }
0x4b: {  	_ =	shalt  }
0x4c: {  	_ =	shalt  }
0x4d: {  	_ =	shalt  }
0x4e: {  	_ =	shalt  }
0x4f: {  	_ =	shalt  }
0x50: {  	_ =	shalt  }
0x51: {  	_ =	shalt  }
0x52: {  	_ =	shalt  }
0x53: {  	_ =	shalt  }
0x54: {  	_ =	shalt  }
0x55: {  	_ =	shalt  }
0x56: {  	_ =	shalt  }
0x57: {  	_ =	shalt  }
0x58: {  	_ =	shalt  }
0x59: {  	_ =	shalt  }
0x5a: {  	_ =	shalt  }
0x5b: {  	_ =	shalt  }
0x5c: {  	_ =	shalt  }
0x5d: {  	_ =	shalt  }
0x5e: {  	_ =	shalt  }
0x5f: {  	_ =	shalt  }
0x60: {  	_ =	shalt  }
0x61: {  	_ =	shalt  }
0x62: {  	_ =	shalt  }
0x63: {  	_ =	shalt  }
0x64: {  	_ =	shalt  }
0x65: {  	_ =	shalt  }
0x66: {  	_ =	shalt  }
0x67: {  	_ =	shalt  }
0x68: {  	_ =	shalt  }
0x69: {  	_ =	shalt  }
0x6a: {  	_ =	shalt  }
0x6b: {  	_ =	shalt  }
0x6c: {  	_ =	shalt  }
0x6d: {  	_ =	shalt  }
0x6e: {  	_ =	shalt  }
0x6f: {  	_ =	shalt  }
0x70: {  	_ =	shalt  }
0x71: {  	_ =	shalt  }
0x72: {  	_ =	shalt  }
0x73: {  	_ =	shalt  }
0x74: {  	_ =	shalt  }
0x75: {  	_ =	shalt  }
0x76: {  	_ =	shalt  }
0x77: {  	_ =	shalt  }
0x78: {  	_ =	shalt  }
0x79: {  	_ =	shalt  }
0x7a: {  	_ =	shalt  }
0x7b: {  	_ =	shalt  }
0x7c: {  	_ =	shalt  }
0x7d: {  	_ =	shalt  }
0x7e: {  	_ =	shalt  }
0x7f: {  	_ =	shalt  }
0x80: {  	_ =	shalt  }
0x81: {  	_ =	shalt  }
0x82: {  	_ =	shalt  }
0x83: {  	_ =	shalt  }
0x84: {  	_ =	shalt  }
0x85: {  	_ =	shalt  }
0x86: {  	_ =	shalt  }
0x87: {  	_ =	shalt  }
.Lfunc_end0:
.L_simem_size_0:
called_computation_lowered:
.L_overlay_start_0:
0x88: {  	s2 =	sld [smem:$0x3FD9]  }
0x89: {  	s3 =	sld [smem:$0x3FFE];
	_ =	sdelay $0x1  }
0x8a: {  	s1 =	srdreg.scid  }
0x8b: {  	s0 =	sand.u32 $0x1, s1  }
0x8c: {  	s17 =	sshll.u32 s0, $0xA;
	s2 =	sadd.s32 s3, s2  }
0x8d: {  	s2 =	sadd.s32 s2, s17  }
0x8e: {  	[smem:$0x3FC4] =	sst s2  }
0x8f: {  	_ = 	snop  }
0x90: {  	s2 =	sld [smem:$0x3FC8];
	(tm) =	ssettm $0x1  }
0x91: {  	s18 =	sld [smem:$0x3FFB];
	_ =	sdelay $0x3  }
0x92: {  	_ =	strace s18  }
0x93: {  	s3 =	sld [smem:$0x3FFC];
	_ =	sdelay $0x3  }
0x94: {  	_ =	strace s3  }
0x95: {  	s3 =	sld [smem:$0x3FFD];
	_ =	sdelay $0x3  }
0x96: {  	_ =	strace s3  }
0x97: {  	_ =	strace $0x8FFFFFFF  }
0x98: {  	s19 =	sld [smem:$0x3FDB];
	_ =	sdelay $0x1  }
0x99: {  	s4 =	simm.s32 $_scs_section_size  }
0x9a: {  	s5 =	simm.s32 $_size__tile_overlayer_lowered;
	s6 =	simm.s32 $_tile_overlayer_lowered  }
0x9b: {  	s22 =	simm.s32 $0x1BFF;
	s21 =	sshll.u32 s6, $0x1;
	s3 =	sadd.s32 s4, s19  }
0x9c: {  	s7 =	simm.s32 $0x0;
	s20 =	sshll.u32 s5, $0x1;
	s5 =	sadd.s32 s21, s3  }
0x9d: {  	[timem:s7], [sflag:s22] =	dma.local [hbm:s5], s20  }
0x9e: {  	_ =	swait.ge [sflag:s22], s20  }
0x9f: {  	s4 =	ssub.s32 $0x0, s20;
	[sflag:s22] =	ssyncset.done $0x0  }
0xa0: {  	[sflag:s22] =	ssyncadd.s32 s4;
	_ =	sdelay $0x1  }
0xa1: {  	s23 =	simm.s32 $0x1B8B  }
0xa2: {  	_ =	swait.ge [sflag:s23], $0x1  }
0xa3: {  	[sflag:s23] =	ssyncset.done $0x0  }
0xa4: {  	s25 =	simm.s32 $0x1B8E;
	s24 =	sld [smem:$0x3FFE];
	[sflag:s23] =	ssyncadd.s32 $0xFFFFFFFF  }
0xa5: {  	s26 =	simm.s32 $execute0_lowered;
	[smem:$0x3FD2] =	sst s25  }
0xa6: {  	s5 =	sshll.u32 s26, $0x1;
	_ =	strace $0x80000046;
	[dreg:$0x1] =	wrdreg $0xFFFFFFFF  }
0xa7: {  	s28 =	simm.s32 $_size_execute0_lowered;
	s3 =	sadd.s32 s3, s5;
	[dreg:$0x0] =	wrdreg $0x0  }
0xa8: {  	s5 =	sshll.u32 s28, $0x1;
	[dreg:$0x2] =	wrdreg s3  }
0xa9: {  	[dreg:$0x3] =	wrdreg s5  }
0xaa: {  	[dreg:$0x4] =	wrdreg $0xC0  }
0xab: {  	_ =	task [dreg:s7], $0x5FFFF  }
0xac: {  	[dreg:$0x1] =	wrdreg $0xFFFFFFFF  }
0xad: {  	[dreg:$0x0] =	wrdreg $0x60  }
0xae: {  	[dreg:$0x2] =	wrdreg s24  }
0xaf: {  	[dreg:$0x3] =	wrdreg s2  }
0xb0: {  	[dreg:$0x4] =	wrdreg $0x9  }
0xb1: {  	_ =	task.clear_ibuf [dreg:s7], $0x5FFFF;
	_ =	strace $0x90000046  }
0xb2: {  	s29 =	simm.s32 $0x9;
	_ =	strace $0x80000048  }
0xb3: {  	_ =	swait.ge [sflag:s29], $0x1  }
0xb4: {  	[sflag:s29] =	ssyncadd.s32 $0xFFFFFFFF  }
0xb5: {  	_ =	strace $0x90000048  }
0xb6: {  	_ =	sfence  }
0xb7: {  	s30 =	sld [smem:$0x0];
	_ =	sdelay $0x2  }
0xb8: {  	s31 =	sshll.u32 s1, $0xD;
	s1 =	sshrl.u32 s1, $0x2  }
0xb9: {  	s3 =	sand.u32 $0x4000, s31;
	s1 =	sadd.s32 s1, s30  }
0xba: {  	s0 =	sor.u32 s3, s0;
	s1 =	sshll.u32 s1, $0x11  }
0xbb: {  	s0 =	sor.u32 s1, s0  }
0xbc: {  	s0 =	sadd.s32 $0x8F2B, s0  }
0xbd: {  	[sflag:s0] =	ssyncadd.remote.s32 $0x1  }
0xbe: {  	_ =	sfence.sel $0xFFFF  }
0xbf: {  	[dreg:$0x0] =	wrdreg $0xFFFFFFFF;
	(pc) =	sbr.abs _section_cstart, $3  }
0xc0: {  	[dreg:$0x1] =	wrdreg $0xFFFFFFFF  }
0xc1: {  	_ =	task.clear_ibuf [dreg:s7], $0x2FFFF;
	_ =	strace $0x9FFFFFFF  }
0xc2: {  	(tm) =	ssettm $0x7FFFFFFF  }
0xc3: {  	_ =	shalt  }
tec
execute0_lowered:
.L_overlay_start_1:
0x0: {  	(tag) =	ssettag $0x1  }
0x1: {  	s1 =	srdreg.scid  }
0x2: {  	s0 =	stileid.u32;
	s6 =	rddreg [dreg:$0x0];
	s3 =	simm.s32 $0x0  }
0x3: {  	s11 =	simm.s32 $0x6780;
	s12 =	simm.s32 $0x9B00;
	s13 =	simm.s32 $0x80  }
0x4: {  	s14 =	simm.s32 $0x1;
	s15 =	simm.s32 $0x9F80;
	s16 =	simm.s32 $0x2  }
0x5: {  	s17 =	simm.s32 $0x0;
	s4 =	sand.u32 $0x1, s1;
	s1 =	rddreg [dreg:$0x2]  }
0x6: {  	s29 =	sshll.u32 s0, $0x8;
	s30 =	sshll.u32 s0, $0x9;
	[smem:$0x7FF] =	sst s3  }
0x7: {  	s2 =	sshll.u32 s4, $0x7;
	s8 =	sand.u32 $0x1000, s30;
	s31 =	ssub.s32 $0x2, s4  }
0x8: {  	s4 =	sadd.s32 $0x1400, s6;
	s5 =	sor.u32 s2, s29;
	s2 =	rddreg [dreg:$0x1]  }
0x9: {  	_ =	strace $0x80000047;
	s10 =	sshrl.u32 s31, $0x1;
	s7 =	sand.u32 $0x780, s5  }
0xa: {  	s9 =	sshrl.u32 s5, $0x3;
	s5 =	sadd.s32 $0xC00, s6;
	s7 =	sor.u32 s8, s7  }
0xb: {  	s10 =	ssub.s32 s31, s10;
	s9 =	sadd.s32 s9, s6;
	s7 =	sshrl.u32 s7, $0x3  }
0xc: {  	s8 =	sadd.s32 $0x2200, s9;
	s9 =	smax.u32 s10, $0x1;
	s7 =	sadd.s32 s7, s6  }
0xd: {  	s10 =	simm.s32 $0x100;
	s6 =	sadd.s32 $0x800, s7;
	s7 =	sadd.s32 $0x900, s7  }
.LBB2_1:
0xe: {  	[tilespmem:s10], [sflag:$0x1] =	stream.linear.gather [hbm4b:s4+s3], $0x6680, $0x38;
	[tilespmem:$0xA000] =	vst v63  }
0xf: {  	_ = 	snop  }
0x10: {  	[tilespmem:s11], [sflag:$0x1] =	stream.linear.gather [hbm4b:s5+s3], $0x3380, $0x38;
	[tilespmem:$0xA000] =	vst v63  }
0x11: {  	_ = 	snop  }
0x12: {  	[tilespmem:s12], [sflag:$0x1] =	stream.linear.gather [hbm4b:s2+s3], $0x480, $0x38;
	[tilespmem:$0xA000] =	vst v63  }
0x13: {  	_ = 	snop  }
0x14: {  	[tilespmem:s3], [sflag:$0x1] =	stream.linear.gather [hbm4b:s6+s3], $0x80, $0x38;
	[tilespmem:$0xA000] =	vst v63  }
0x15: {  	_ = 	snop  }
0x16: {  	[tilespmem:s13], [sflag:$0x1] =	stream.linear.gather [hbm4b:s7+s3], $0x80, $0x38;
	[tilespmem:$0xA000] =	vst v63  }
0x17: {  	_ =	swait.ge [sflag:s14], $0x6680  }
0x18: {  	[sflag:s14] =	ssyncset.done $0x0  }
0x19: {  	[sflag:s14] =	ssyncadd.s32 $0xFFFF9980  }
0x1a: {  	_ =	swait.ge [sflag:s14], $0x3380  }
0x1b: {  	[sflag:s14] =	ssyncset.done $0x0  }
0x1c: {  	[sflag:s14] =	ssyncadd.s32 $0xFFFFCC80  }
0x1d: {  	_ =	swait.ge [sflag:s14], $0x480  }
0x1e: {  	[sflag:s14] =	ssyncset.done $0x0  }
0x1f: {  	[sflag:s14] =	ssyncadd.s32 $0xFFFFFB80  }
0x20: {  	_ =	swait.ge [sflag:s14], $0x80  }
0x21: {  	[sflag:s14] =	ssyncset.done $0x0  }
0x22: {  	[sflag:s14] =	ssyncadd.s32 $0xFFFFFF80  }
0x23: {  	_ =	swait.ge [sflag:s14], $0x80  }
0x24: {  	[sflag:s14] =	ssyncset.done $0x0  }
0x25: {  	s18 =	simm.s32 $0x0;
	[sflag:s14] =	ssyncadd.s32 $0xFFFFFF80  }
.LBB2_2:
0x26: {  	s19 =	sshra.s32 s18, $0x2  }
0x27: {  	v0 =	vld [tilespmem:s19+$0x80];
	_ =	sdelay $0x1  }
0x28: {  	v1 =	vld [tilespmem:s19+$0x0];
	_ =	sdelay $0x2  }
0x29: {  	v2 =	vmul.f32 $3.200000000e+01, v0;
	_ =	sdelay $0x1  }
0x2a: {  	v3 =	vmul.f32 $3.200000000e+01, v1;
	v2 =	vtrunc.f32 v2  }
0x2b: {  	v2 =	vcvt.f32.s32 v2  }
0x2c: {  	v3 =	vtrunc.f32 v3  }
0x2d: {  	v3 =	vcvt.f32.s32 v3;
	vm0 =	vlt.s32 v2, $0x1F  }
0x2e: {  	v2 =	vnsel vm0, $0x1F, v2  }
0x2f: {  	vm15 =	vlt.s32 v3, $0x1F;
	v2 =	vmul.u32 $0x21, v2  }
0x30: {  	v3 =	vnsel vm15, $0x1F, v3  }
0x31: {  	v2 =	vadd.s32 v3, v2  }
0x32: {  	v3 =	vadd.s32 $0x441, v2  }
0x33: {  	v7 =	vadd.s32 $0x882, v2  }
0x34: {  	v8 =	vadd.s32 $0xCC3, v2  }
0x35: {  	v63 =	vadd.s32 $0x1104, v2  }
0x36: {  	v13 =	vadd.s32 $0x1986, v2;
	v4 =	vld.idx.msk [tilespmem:v2+s10+$0x0], $0xffff  }
0x37: {  	v25 =	vadd.s32 $0x1545, v2;
	v6 =	vld.idx.msk [tilespmem:v3+s10+$0x0], $0xffff  }
0x38: {  	v15 =	vadd.s32 $0x1DC7, v2;
	v9 =	vld.idx.msk [tilespmem:v7+s10+$0x0], $0xffff  }
0x39: {  	v44 =	vadd.s32 $0x3B8E, v2;
	v10 =	vld.idx.msk [tilespmem:v8+s10+$0x0], $0xffff  }
0x3a: {  	v5 =	vshrl.u32 v1, $0x10;
	v45 =	vadd.s32 $0x374D, v2;
	v26 =	vld.idx.msk [tilespmem:v63+s10+$0x0], $0xffff  }
0x3b: {  	v60 =	vshrl.u32 v0, $0x10;
	v5 =	vand.u32 $0x1, v5;
	v30 =	vld.idx.msk [tilespmem:v13+s10+$0x0], $0xffff  }
0x3c: {  	v1 =	vadd.s32 v5, v1;
	v5 =	vand.u32 $0x1, v60;
	v17 =	vld.idx.msk [tilespmem:v25+s10+$0x0], $0xffff  }
0x3d: {  	v1 =	vadd.s32 $0x7FFF, v1;
	v0 =	vadd.s32 v5, v0;
	v18 =	vld.idx.msk [tilespmem:v15+s10+$0x0], $0xffff  }
0x3e: {  	v1 =	vand.u32 $0xFFFF0000, v1;
	v0 =	vadd.s32 $0x7FFF, v0;
	v48 =	vld.idx.msk [tilespmem:v44+s10+$0x0], $0xffff  }
0x3f: {  	v0 =	vand.u32 $0xFFFF0000, v0;
	v39 =	vadd.s32 $0x330C, v2;
	v54 =	vadd.s32 $0x4410, v2;
	v50 =	vld.idx.msk [tilespmem:v45+s10+$0x0], $0xffff  }
0x40: {  	v58 =	vadd.s32 $0x4851, v2;
	v59 =	vadd.s32 $0x4C92, v2;
	v61 =	vshrl.u32 v4, $0x10  }
0x41: {  	v16 =	vld.idx.msk [tilespmem:v3+s11+$0x0], $0xffff;
	v3 =	vadd.s32 $0x2208, v2;
	v5 =	vand.u32 $0x1, v61;
	v11 =	vshrl.u32 v6, $0x10  }
0x42: {  	v23 =	vshrl.u32 v9, $0x10;
	v12 =	vshrl.u32 v10, $0x10;
	v31 =	vshrl.u32 v26, $0x10  }
0x43: {  	v33 =	vshrl.u32 v30, $0x10;
	v19 =	vshrl.u32 v17, $0x10;
	v34 =	vshrl.u32 v18, $0x10  }
0x44: {  	v56 =	vshrl.u32 v48, $0x10;
	v57 =	vshrl.u32 v50, $0x10;
	v61 =	vadd.s32 $0x50D3, v2  }
0x45: {  	v4 =	vadd.s32 v5, v4;
	v62 =	vand.u32 $0x1, v11;
	v24 =	vand.u32 $0x1, v12  }
0x46: {  	v32 =	vand.u32 $0x1, v31;
	v20 =	vand.u32 $0x1, v33;
	v19 =	vand.u32 $0x1, v19;
	v11 =	vld.idx.msk [tilespmem:v63+s11+$0x0], $0xffff  }
0x47: {  	v63 =	vld.idx.msk [tilespmem:v58+s10+$0x0], $0xffff;
	v58 =	vadd.s32 $0x1105, v2;
	v4 =	vadd.s32 $0x7FFF, v4;
	v5 =	vadd.s32 v62, v6  }
0x48: {  	v6 =	vand.u32 $0x1, v23;
	v17 =	vadd.s32 v19, v17;
	v19 =	vand.u32 $0x1, v34  }
0x49: {  	v21 =	vld.idx.msk [tilespmem:v3+s10+$0x0], $0xffff;
	v4 =	vand.u32 $0xFFFF0000, v4;
	v5 =	vadd.s32 $0x7FFF, v5;
	v6 =	vadd.s32 v6, v9  }
0x4a: {  	v9 =	vadd.s32 v24, v10;
	v17 =	vadd.s32 $0x7FFF, v17;
	v18 =	vadd.s32 v19, v18  }
0x4b: {  	v24 =	vadd.s32 $0x3FCF, v2;
	v5 =	vand.u32 $0xFFFF0000, v5;
	v6 =	vadd.s32 $0x7FFF, v6  }
0x4c: {  	v12 =	vld.idx.msk [tilespmem:v25+s11+$0x0], $0xffff;
	v9 =	vadd.s32 $0x7FFF, v9;
	v27 =	vmul.f32 v4, v1;
	v17 =	vand.u32 $0xFFFF0000, v17  }
0x4d: {  	v25 =	vld.idx.msk [tilespmem:v59+s10+$0x0], $0xffff;
	v18 =	vadd.s32 $0x7FFF, v18;
	v6 =	vand.u32 $0xFFFF0000, v6;
	v9 =	vand.u32 $0xFFFF0000, v9  }
0x4e: {  	v5 =	vmul.f32 v5, v1;
	v22 =	vshrl.u32 v21, $0x10;
	v17 =	vmul.f32 v17, v1  }
0x4f: {  	v14 =	vld.idx.msk [tilespmem:v2+s11+$0x0], $0xffff;
	v18 =	vand.u32 $0xFFFF0000, v18;
	v28 =	vmul.f32 v6, v0;
	v29 =	vmul.f32 v9, v0  }
0x50: {  	v6 =	vadd.s32 $0x2649, v2;
	v9 =	vadd.s32 v20, v30;
	v37 =	vand.u32 $0x1, v22  }
0x51: {  	v18 =	vmul.f32 v18, v0;
	v30 =	vadd.s32 $0x5D96, v2;
	v31 =	vshrl.u32 v63, $0x10  }
0x52: {  	v8 =	vld.idx.msk [tilespmem:v8+s11+$0x0], $0xffff;
	v34 =	vshrl.u32 v25, $0x10;
	v9 =	vadd.s32 $0x7FFF, v9;
	v4 =	vadd.f32 v28, v27  }
0x53: {  	v22 =	vld.idx.msk [tilespmem:v39+s10+$0x0], $0xffff;
	v33 =	vand.u32 $0x1, v31;
	v5 =	vadd.f32 v29, v5;
	v9 =	vand.u32 $0xFFFF0000, v9  }
0x54: {  	v17 =	vadd.f32 v18, v17;
	v53 =	vld.idx.msk [tilespmem:v24+s10+$0x0], $0xffff;
	v24 =	vadd.s32 $0x5514, v2;
	v14 =	vadd.f32 v4, v14  }
0x55: {  	v16 =	vadd.f32 v5, v16;
	v4 =	vadd.s32 v32, v26;
	v5 =	vadd.s32 $0x2ECB, v2  }
0x56: {  	v29 =	vadd.s32 $0x5955, v2;
	v10 =	vadd.s32 $0x7FFF, v4;
	v4 =	vadd.s32 $0x2A8A, v2  }
0x57: {  	v7 =	vld.idx.msk [tilespmem:v7+s11+$0x0], $0xffff;
	v9 =	vmul.f32 v9, v0;
	v8 =	vadd.f32 v17, v8;
	v32 =	vadd.s32 $0x61D7, v2  }
0x58: {  	v35 =	vld.idx.msk [tilespmem:v6+s10+$0x0], $0xffff;
	v49 =	vshrl.u32 v22, $0x10;
	v10 =	vand.u32 $0xFFFF0000, v10;
	v14 =	vadd.f32 v16, v14  }
0x59: {  	v27 =	vld.idx.msk [tilespmem:v61+s10+$0x0], $0xffff;
	v52 =	vand.u32 $0x1, v49;
	v16 =	vand.u32 $0x1, v57;
	v10 =	vmul.f32 v10, v1  }
0x5a: {  	v60 =	vshrl.u32 v53, $0x10;
	v16 =	vadd.s32 v16, v50;
	v14 =	vsub.f32 $1.000000000e+00, v14;
	v23 =	vld.idx.msk [tilespmem:v5+s10+$0x0], $0xffff  }
0x5b: {  	v16 =	vadd.s32 $0x7FFF, v16;
	v9 =	vadd.f32 v9, v10;
	v10 =	vadd.s32 v37, v21;
	v36 =	vld.idx.msk [tilespmem:v4+s10+$0x0], $0xffff  }
0x5c: {  	v62 =	vand.u32 $0x1, v60;
	v16 =	vand.u32 $0xFFFF0000, v16;
	v10 =	vadd.s32 $0x7FFF, v10  }
0x5d: {  	v38 =	vshrl.u32 v35, $0x10;
	v16 =	vmul.f32 v16, v1;
	v14 =	vmax.f32 v14, $0.0e+00  }
0x5e: {  	v10 =	vand.u32 $0xFFFF0000, v10;
	v40 =	vand.u32 $0x1, v38;
	v7 =	vadd.f32 v9, v7  }
0x5f: {  	v18 =	vadd.s32 v40, v35;
	v10 =	vmul.f32 v10, v1;
	v42 =	vshrl.u32 v23, $0x10  }
0x60: {  	v17 =	vld.idx.msk [tilespmem:v29+s10+$0x0], $0xffff;
	v35 =	vshrl.u32 v27, $0x10;
	v41 =	vshrl.u32 v36, $0x10;
	v21 =	vand.u32 $0x1, v42  }
0x61: {  	v38 =	vld.idx.msk [tilespmem:v32+s10+$0x0], $0xffff;
	v18 =	vadd.s32 $0x7FFF, v18;
	v20 =	vand.u32 $0x1, v41;
	v43 =	vadd.s32 v21, v23  }
0x62: {  	v7 =	vadd.f32 v8, v7;
	v19 =	vadd.s32 v20, v36;
	v20 =	vadd.s32 $0x7FFF, v43  }
0x63: {  	v18 =	vand.u32 $0xFFFF0000, v18;
	v19 =	vadd.s32 $0x7FFF, v19;
	v20 =	vand.u32 $0xFFFF0000, v20  }
0x64: {  	v46 =	vmul.f32 v18, v1;
	v19 =	vand.u32 $0xFFFF0000, v19;
	v47 =	vmul.f32 v20, v0  }
0x65: {  	v39 =	vshrl.u32 v17, $0x10;
	v7 =	vsub.f32 $1.000000000e+00, v7;
	v19 =	vmul.f32 v19, v0  }
0x66: {  	v18 =	vand.u32 $0x1, v35;
	v41 =	vshrl.u32 v38, $0x10;
	v9 =	vadd.f32 v47, v46  }
0x67: {  	v36 =	vadd.s32 v18, v27;
	v42 =	vand.u32 $0x1, v41;
	v43 =	vld.idx.msk [tilespmem:v4+s11+$0x0], $0xffff;
	v10 =	vadd.f32 v19, v10  }
0x68: {  	v4 =	vadd.s32 $0x1, v2;
	v7 =	vmax.f32 v7, $0.0e+00;
	v19 =	vld.idx.msk [tilespmem:v24+s10+$0x0], $0xffff;
	v9 =	vadd.f32 v9, v12  }
0x69: {  	v12 =	vld.idx.msk [tilespmem:v54+s10+$0x0], $0xffff;
	v51 =	vadd.f32 v10, v11;
	v10 =	vadd.s32 v52, v22;
	v11 =	vadd.s32 v62, v53  }
0x6a: {  	v7 =	vmin.f32 v14, v7;
	v10 =	vadd.s32 $0x7FFF, v10;
	v11 =	vadd.s32 $0x7FFF, v11  }
0x6b: {  	v8 =	vadd.f32 v9, v51;
	v55 =	vand.u32 $0xFFFF0000, v10;
	v10 =	vand.u32 $0x1, v56  }
0x6c: {  	v52 =	vld.idx.msk [tilespmem:v2+s12+$0x0], $0xffff;
	v11 =	vand.u32 $0xFFFF0000, v11;
	v10 =	vadd.s32 v10, v48;
	v9 =	vmul.f32 v55, v1  }
0x6d: {  	v11 =	vmul.f32 v11, v0;
	v37 =	vshrl.u32 v19, $0x10;
	v48 =	vadd.s32 $0x442, v2  }
0x6e: {  	v10 =	vadd.s32 $0x7FFF, v10;
	v26 =	vshrl.u32 v12, $0x10;
	v18 =	vand.u32 $0x1, v37  }
0x6f: {  	v15 =	vld.idx.msk [tilespmem:v15+s11+$0x0], $0xffff;
	v8 =	vsub.f32 $1.000000000e+00, v8;
	v10 =	vand.u32 $0xFFFF0000, v10;
	v28 =	vand.u32 $0x1, v26  }
0x70: {  	v11 =	vadd.f32 v11, v16;
	v16 =	vand.u32 $0x1, v34;
	v18 =	vadd.s32 v18, v19  }
0x71: {  	v19 =	vand.u32 $0x1, v39;
	v56 =	vshrl.u32 v52, $0x10;
	v10 =	vmul.f32 v10, v0  }
0x72: {  	v12 =	vadd.s32 v28, v12;
	v18 =	vadd.s32 $0x7FFF, v18;
	v17 =	vadd.s32 v19, v17  }
0x73: {  	v19 =	vadd.s32 v42, v38;
	v8 =	vmax.f32 v8, $0.0e+00;
	v12 =	vadd.s32 $0x7FFF, v12  }
0x74: {  	v11 =	vadd.f32 v11, v15;
	v15 =	vadd.s32 v33, v63;
	v18 =	vand.u32 $0xFFFF0000, v18  }
0x75: {  	v13 =	vld.idx.msk [tilespmem:v13+s11+$0x0], $0xffff;
	v17 =	vadd.s32 $0x7FFF, v17;
	v19 =	vadd.s32 $0x7FFF, v19;
	v7 =	vmin.f32 v7, v8  }
0x76: {  	v3 =	vld.idx.msk [tilespmem:v3+s11+$0x0], $0xffff;
	v63 =	vadd.s32 $0x1546, v2;
	v9 =	vadd.f32 v10, v9;
	v12 =	vand.u32 $0xFFFF0000, v12  }
0x77: {  	v51 =	vld.idx.msk [tilespmem:v4+s10+$0x0], $0xffff;
	v15 =	vadd.s32 $0x7FFF, v15;
	v10 =	vadd.s32 v16, v25;
	v16 =	vadd.s32 $0x7FFF, v36  }
0x78: {  	v28 =	vld.idx.msk [tilespmem:v58+s10+$0x0], $0xffff;
	v17 =	vand.u32 $0xFFFF0000, v17;
	v44 =	vand.u32 $0xFFFF0000, v19;
	v18 =	vmul.f32 v18, v1  }
0x79: {  	v6 =	vld.idx.msk [tilespmem:v6+s11+$0x0], $0xffff;
	v15 =	vand.u32 $0xFFFF0000, v15;
	v10 =	vadd.s32 $0x7FFF, v10;
	v16 =	vand.u32 $0xFFFF0000, v16  }
0x7a: {  	v53 =	vld.idx.msk [tilespmem:v48+s10+$0x0], $0xffff;
	v12 =	vmul.f32 v12, v1;
	v45 =	vmul.f32 v17, v1;
	v9 =	vadd.f32 v9, v13  }
0x7b: {  	v5 =	vld.idx.msk [tilespmem:v5+s11+$0x0], $0xffff;
	v10 =	vand.u32 $0xFFFF0000, v10;
	v15 =	vmul.f32 v15, v1;
	v16 =	vmul.f32 v16, v0  }
0x7c: {  	v54 =	vshrl.u32 v51, $0x10;
	v46 =	vmul.f32 v44, v0;
	v13 =	vld.idx.msk [tilespmem:v30+s10+$0x0], $0xffff;
	v10 =	vmul.f32 v10, v0  }
0x7d: {  	v34 =	vshrl.u32 v28, $0x10;
	v9 =	vadd.f32 v11, v9;
	v47 =	vadd.f32 v16, v15  }
0x7e: {  	v11 =	vadd.f32 v46, v45;
	v33 =	vld.idx.msk [tilespmem:v63+s10+$0x0], $0xffff;
	v36 =	vand.u32 $0x1, v34;
	v34 =	vadd.s32 $0x4852, v2  }
0x7f: {  	v10 =	vadd.f32 v10, v12;
	v59 =	vshrl.u32 v53, $0x10;
	v6 =	vadd.f32 v47, v6  }
0x80: {  	v5 =	vadd.f32 v11, v5;
	v50 =	vsub.f32 $1.000000000e+00, v9;
	v11 =	vadd.s32 $0x883, v2  }
0x81: {  	v9 =	vand.u32 $0x1, v59;
	v40 =	vshrl.u32 v13, $0x10;
	v3 =	vadd.f32 v10, v3  }
0x82: {  	v61 =	vadd.s32 v9, v53;
	v10 =	vadd.s32 $0x1987, v2;
	v21 =	vand.u32 $0x1, v40  }
0x83: {  	v13 =	vadd.s32 v21, v13;
	v3 =	vadd.f32 v6, v3;
	v40 =	vshrl.u32 v33, $0x10  }
0x84: {  	v9 =	vadd.s32 $0x1DC8, v2;
	v13 =	vadd.s32 $0x7FFF, v13;
	v22 =	vand.u32 $0x1, v40  }
0x85: {  	v13 =	vand.u32 $0xFFFF0000, v13;
	v3 =	vsub.f32 $1.000000000e+00, v3;
	v21 =	vadd.s32 v22, v33  }
0x86: {  	v6 =	vmax.f32 v50, $0.0e+00;
	v13 =	vmul.f32 v13, v0;
	v21 =	vadd.s32 $0x7FFF, v21  }
0x87: {  	v6 =	vmin.f32 v7, v6;
	v55 =	vld.idx.msk [tilespmem:v11+s10+$0x0], $0xffff;
	v3 =	vmax.f32 v3, $0.0e+00;
	v21 =	vand.u32 $0xFFFF0000, v21  }
0x88: {  	v35 =	vld.idx.msk [tilespmem:v10+s10+$0x0], $0xffff;
	v13 =	vadd.f32 v13, v18;
	v3 =	vmin.f32 v6, v3;
	v6 =	vand.u32 $0x1, v56  }
0x89: {  	v37 =	vld.idx.msk [tilespmem:v9+s10+$0x0], $0xffff;
	v18 =	vadd.s32 v36, v28;
	v21 =	vmul.f32 v21, v1;
	v56 =	vadd.s32 $0x374E, v2  }
0x8a: {  	v28 =	vadd.s32 $0x3FD0, v2;
	v6 =	vadd.s32 v6, v52;
	v39 =	vadd.s32 $0x7FFF, v18  }
0x8b: {  	v49 =	vadd.f32 v13, v43;
	v13 =	vadd.s32 $0xCC4, v2;
	v60 =	vadd.s32 $0x7FFF, v6  }
0x8c: {  	v6 =	vadd.s32 $0x7FFF, v61;
	v62 =	vshrl.u32 v55, $0x10;
	v18 =	vand.u32 $0xFFFF0000, v39  }
0x8d: {  	v8 =	vand.u32 $0x1, v62;
	v6 =	vand.u32 $0xFFFF0000, v6;
	v41 =	vshrl.u32 v35, $0x10  }
0x8e: {  	v26 =	vshrl.u32 v37, $0x10;
	v18 =	vmul.f32 v18, v1;
	v5 =	vadd.f32 v5, v49  }
0x8f: {  	v32 =	vmul.f32 v6, v1;
	v24 =	vand.u32 $0x1, v41;
	v43 =	vand.u32 $0x1, v26  }
0x90: {  	v6 =	vadd.s32 $0x2209, v2;
	v42 =	vadd.s32 v24, v35;
	v16 =	vadd.s32 v43, v37  }
0x91: {  	v5 =	vsub.f32 $1.000000000e+00, v5;
	v22 =	vadd.s32 $0x7FFF, v42;
	v16 =	vadd.s32 $0x7FFF, v16  }
0x92: {  	v61 =	vld.idx.msk [tilespmem:v56+s10+$0x0], $0xffff;
	v35 =	vadd.s32 $0x4C93, v2;
	v22 =	vand.u32 $0xFFFF0000, v22;
	v16 =	vand.u32 $0xFFFF0000, v16  }
0x93: {  	v11 =	vld.idx.msk [tilespmem:v11+s11+$0x0], $0xffff;
	v5 =	vmax.f32 v5, $0.0e+00;
	v22 =	vmul.f32 v22, v0;
	v16 =	vmul.f32 v16, v0  }
0x94: {  	v57 =	vld.idx.msk [tilespmem:v13+s10+$0x0], $0xffff;
	v14 =	vmin.f32 v3, v5;
	v3 =	vand.u32 $0x1, v54;
	v5 =	vadd.s32 v8, v55  }
0x95: {  	v13 =	vld.idx.msk [tilespmem:v13+s11+$0x0], $0xffff;
	v8 =	vadd.s32 $0x264A, v2;
	v54 =	vadd.s32 $0x330D, v2;
	v3 =	vadd.s32 v3, v51  }
0x96: {  	v5 =	vadd.s32 $0x7FFF, v5;
	v38 =	vshrl.u32 v14, $0x10;
	v18 =	vadd.f32 v22, v18  }
0x97: {  	v25 =	vld.idx.msk [tilespmem:v6+s10+$0x0], $0xffff;
	v16 =	vadd.f32 v16, v21;
	v33 =	vshrl.u32 v61, $0x10;
	v3 =	vadd.s32 $0x7FFF, v3  }
0x98: {  	v5 =	vand.u32 $0xFFFF0000, v5;
	v20 =	vand.u32 $0x1, v38;
	v38 =	vadd.s32 $0x50D4, v2  }
0x99: {  	v3 =	vand.u32 $0xFFFF0000, v3;
	v27 =	vshrl.u32 v57, $0x10;
	v31 =	vmul.f32 v5, v0  }
0x9a: {  	v30 =	vld.idx.msk [tilespmem:v4+s11+$0x0], $0xffff;
	v5 =	vand.u32 $0xFFFF0000, v60;
	v11 =	vadd.f32 v18, v11;
	v13 =	vadd.f32 v16, v13  }
0x9b: {  	v17 =	vld.idx.msk [tilespmem:v63+s11+$0x0], $0xffff;
	v14 =	vadd.s32 v20, v14;
	v29 =	vand.u32 $0x1, v27;
	v3 =	vmul.f32 v3, v1  }
0x9c: {  	v12 =	vld.idx.msk [tilespmem:v48+s11+$0x0], $0xffff;
	v14 =	vadd.s32 $0x7FFF, v14;
	v7 =	vadd.s32 v29, v57;
	v46 =	vshrl.u32 v25, $0x10  }
0x9d: {  	v44 =	vld.idx.msk [tilespmem:v8+s10+$0x0], $0xffff;
	v57 =	vadd.s32 $0x3B8F, v2;
	v11 =	vadd.f32 v13, v11;
	v7 =	vadd.s32 $0x7FFF, v7  }
0x9e: {  	v41 =	vld.idx.msk [tilespmem:v34+s10+$0x0], $0xffff;
	v3 =	vadd.f32 v31, v3;
	v26 =	vand.u32 $0x1, v46;
	v31 =	vadd.s32 $0x4411, v2  }
0x9f: {  	v42 =	vld.idx.msk [tilespmem:v35+s10+$0x0], $0xffff;
	v14 =	vand.u32 $0xFFFF0000, v14;
	v7 =	vand.u32 $0xFFFF0000, v7;
	v25 =	vadd.s32 v26, v25  }
0xa0: {  	v26 =	vld.idx.msk [tilespmem:v54+s10+$0x0], $0xffff;
	v7 =	vmul.f32 v7, v0;
	v19 =	vadd.f32 v3, v30;
	v3 =	vadd.s32 $0x2A8B, v2  }
0xa1: {  	v5 =	vmul.f32 v14, v5;
	v11 =	vsub.f32 $1.000000000e+00, v11;
	v48 =	vadd.s32 $0x7FFF, v25;
	v30 =	vld.idx.msk [tilespmem:v28+s10+$0x0], $0xffff  }
0xa2: {  	v50 =	vand.u32 $0xFFFF0000, v48;
	v7 =	vadd.f32 v7, v32;
	v47 =	vshrl.u32 v44, $0x10;
	v63 =	vld.idx.msk [tilespmem:v57+s10+$0x0], $0xffff  }
0xa3: {  	v48 =	vshrl.u32 v41, $0x10;
	v11 =	vmax.f32 v11, $0.0e+00;
	v49 =	vand.u32 $0x1, v47;
	v20 =	vld.idx.msk [tilespmem:v31+s10+$0x0], $0xffff  }
0xa4: {  	v12 =	vadd.f32 v7, v12;
	v7 =	vadd.s32 $0x2ECC, v2;
	v51 =	vadd.s32 v49, v44;
	v44 =	vld.idx.msk [tilespmem:v38+s10+$0x0], $0xffff  }
0xa5: {  	v21 =	vmul.f32 v50, v1;
	v50 =	vshrl.u32 v42, $0x10;
	v47 =	vadd.s32 $0x5956, v2;
	v45 =	vld.idx.msk [tilespmem:v3+s10+$0x0], $0xffff  }
0xa6: {  	v29 =	vshrl.u32 v26, $0x10;
	v49 =	vadd.s32 $0x5D97, v2;
	v22 =	vadd.s32 $0x7FFF, v51  }
0xa7: {  	v37 =	vshrl.u32 v30, $0x10;
	v22 =	vand.u32 $0xFFFF0000, v22;
	v12 =	vadd.f32 v12, v19  }
0xa8: {  	v15 =	vld.idx.msk [tilespmem:v58+s11+$0x0], $0xffff;
	v40 =	vand.u32 $0x1, v37;
	v58 =	vmul.f32 v22, v1;
	v36 =	vshrl.u32 v63, $0x10  }
0xa9: {  	v12 =	vsub.f32 $1.000000000e+00, v12;
	v39 =	vand.u32 $0x1, v36;
	v43 =	vshrl.u32 v20, $0x10;
	v27 =	vld.idx.msk [tilespmem:v7+s10+$0x0], $0xffff  }
0xaa: {  	v22 =	vand.u32 $0x1, v43;
	v51 =	vshrl.u32 v44, $0x10;
	v52 =	vshrl.u32 v45, $0x10  }
0xab: {  	v43 =	vadd.s32 $0xCE4, v2;
	v46 =	vadd.s32 v22, v20;
	v24 =	vand.u32 $0x1, v52  }
0xac: {  	v20 =	vand.u32 $0x1, v48;
	v12 =	vmax.f32 v12, $0.0e+00;
	v23 =	vadd.s32 v24, v45  }
0xad: {  	v19 =	vadd.s32 v20, v41;
	v41 =	vadd.s32 $0x462, v2;
	v23 =	vadd.s32 $0x7FFF, v23  }
0xae: {  	v52 =	vadd.s32 $0x61D8, v2;
	v53 =	vshrl.u32 v27, $0x10;
	v23 =	vand.u32 $0xFFFF0000, v23  }
0xaf: {  	v22 =	vld.idx.msk [tilespmem:v49+s10+$0x0], $0xffff;
	v19 =	vadd.s32 $0x7FFF, v19;
	v25 =	vand.u32 $0x1, v53;
	v23 =	vmul.f32 v23, v0  }
0xb0: {  	v45 =	vadd.s32 $0x5515, v2;
	v19 =	vand.u32 $0xFFFF0000, v19;
	v55 =	vadd.s32 v25, v27  }
0xb1: {  	v25 =	vand.u32 $0x1, v50;
	v24 =	vadd.s32 $0x7FFF, v55;
	v60 =	vadd.f32 v23, v21  }
0xb2: {  	v19 =	vmul.f32 v19, v1;
	v48 =	vld.idx.msk [tilespmem:v41+s10+$0x0], $0xffff;
	v53 =	vadd.s32 v25, v42;
	v24 =	vand.u32 $0xFFFF0000, v24  }
0xb3: {  	v20 =	vadd.s32 $0x7FFF, v53;
	v59 =	vmul.f32 v24, v0;
	v62 =	vadd.f32 v60, v15  }
0xb4: {  	v15 =	vadd.s32 v39, v63;
	v20 =	vand.u32 $0xFFFF0000, v20;
	v60 =	vshrl.u32 v22, $0x10  }
0xb5: {  	v24 =	vld.idx.msk [tilespmem:v45+s10+$0x0], $0xffff;
	v39 =	vmin.f32 v12, v11;
	v15 =	vadd.s32 $0x7FFF, v15;
	v18 =	vadd.f32 v59, v58  }
0xb6: {  	v11 =	vadd.s32 $0x19A7, v2;
	v20 =	vmul.f32 v20, v0;
	v15 =	vand.u32 $0xFFFF0000, v15  }
0xb7: {  	v56 =	vld.idx.msk [tilespmem:v52+s10+$0x0], $0xffff;
	v53 =	vshrl.u32 v48, $0x10;
	v15 =	vmul.f32 v15, v0;
	v27 =	vadd.f32 v18, v17  }
0xb8: {  	v17 =	vand.u32 $0x1, v29;
	v18 =	vadd.s32 v40, v30;
	v30 =	vadd.s32 $0x8A3, v2  }
0xb9: {  	v32 =	vadd.s32 v17, v26;
	v17 =	vand.u32 $0x1, v33;
	v18 =	vadd.s32 $0x7FFF, v18  }
0xba: {  	v26 =	vand.u32 $0x1, v51;
	v55 =	vshrl.u32 v24, $0x10;
	v13 =	vadd.f32 v27, v62  }
0xbb: {  	v16 =	vadd.s32 $0x7FFF, v32;
	v17 =	vadd.s32 v17, v61;
	v18 =	vand.u32 $0xFFFF0000, v18  }
0xbc: {  	v54 =	vadd.s32 v26, v44;
	v23 =	vand.u32 $0x1, v55;
	v61 =	vshrl.u32 v56, $0x10  }
0xbd: {  	v29 =	vld.idx.msk [tilespmem:v4+s12+$0x0], $0xffff;
	v16 =	vand.u32 $0xFFFF0000, v16;
	v17 =	vadd.s32 $0x7FFF, v17;
	v18 =	vmul.f32 v18, v0  }
0xbe: {  	v10 =	vld.idx.msk [tilespmem:v10+s11+$0x0], $0xffff;
	v21 =	vadd.s32 $0x7FFF, v54;
	v57 =	vadd.s32 v23, v24;
	v63 =	vand.u32 $0x1, v61  }
0xbf: {  	v24 =	vld.idx.msk [tilespmem:v3+s11+$0x0], $0xffff;
	v3 =	vadd.s32 $0x21, v2;
	v54 =	vand.u32 $0x1, v53;
	v16 =	vmul.f32 v16, v1  }
0xc0: {  	v9 =	vld.idx.msk [tilespmem:v9+s11+$0x0], $0xffff;
	v17 =	vand.u32 $0xFFFF0000, v17;
	v13 =	vsub.f32 $1.000000000e+00, v13;
	v21 =	vand.u32 $0xFFFF0000, v21  }
0xc1: {  	v8 =	vld.idx.msk [tilespmem:v8+s11+$0x0], $0xffff;
	v17 =	vmul.f32 v17, v1;
	v21 =	vmul.f32 v21, v0;
	v15 =	vadd.f32 v15, v16  }
0xc2: {  	v45 =	vld.idx.msk [tilespmem:v30+s10+$0x0], $0xffff;
	v16 =	vadd.s32 $0x7FFF, v46;
	v13 =	vmax.f32 v13, $0.0e+00;
	v46 =	vshrl.u32 v29, $0x10  }
0xc3: {  	v51 =	vld.idx.msk [tilespmem:v43+s10+$0x0], $0xffff;
	v17 =	vadd.f32 v18, v17;
	v16 =	vand.u32 $0xFFFF0000, v16;
	v58 =	vadd.f32 v21, v19  }
0xc4: {  	v18 =	vld.idx.msk [tilespmem:v47+s10+$0x0], $0xffff;
	v16 =	vmul.f32 v16, v1;
	v10 =	vadd.f32 v15, v10;
	v15 =	vadd.s32 $0x7FFF, v57  }
0xc5: {  	v6 =	vld.idx.msk [tilespmem:v6+s11+$0x0], $0xffff;
	v4 =	vmin.f32 v39, v13;
	v9 =	vadd.f32 v17, v9;
	v15 =	vand.u32 $0xFFFF0000, v15  }
0xc6: {  	v40 =	vld.idx.msk [tilespmem:v3+s10+$0x0], $0xffff;
	v8 =	vadd.f32 v58, v8;
	v16 =	vadd.f32 v20, v16;
	v20 =	vand.u32 $0x1, v60  }
0xc7: {  	v15 =	vmul.f32 v15, v1;
	v52 =	vshrl.u32 v45, $0x10;
	v62 =	vadd.s32 v20, v22  }
0xc8: {  	v20 =	vadd.s32 v63, v56;
	v9 =	vadd.f32 v9, v10;
	v10 =	vadd.s32 $0x1DE8, v2  }
0xc9: {  	v56 =	vshrl.u32 v51, $0x10;
	v59 =	vshrl.u32 v18, $0x10;
	v20 =	vadd.s32 $0x7FFF, v20  }
0xca: {  	v6 =	vadd.f32 v16, v6;
	v16 =	vadd.s32 $0x1125, v2;
	v19 =	vand.u32 $0x1, v59  }
0xcb: {  	v25 =	vand.u32 $0xFFFF0000, v20;
	v9 =	vsub.f32 $1.000000000e+00, v9;
	v47 =	vshrl.u32 v40, $0x10  }
0xcc: {  	v18 =	vadd.s32 v19, v18;
	v19 =	vadd.s32 $0x7FFF, v62;
	v20 =	vmul.f32 v25, v0  }
0xcd: {  	v6 =	vadd.f32 v8, v6;
	v18 =	vadd.s32 $0x7FFF, v18;
	v19 =	vand.u32 $0xFFFF0000, v19  }
0xce: {  	v59 =	vld.idx.msk [tilespmem:v11+s10+$0x0], $0xffff;
	v42 =	vmax.f32 v9, $0.0e+00;
	v9 =	vand.u32 $0x1, v47;
	v18 =	vand.u32 $0xFFFF0000, v18  }
0xcf: {  	v19 =	vmul.f32 v19, v0;
	v6 =	vsub.f32 $1.000000000e+00, v6;
	v8 =	vmin.f32 v4, v42  }
0xd0: {  	v4 =	vadd.f32 $0.0e+00, v5;
	v50 =	vadd.s32 v9, v40;
	v9 =	vand.u32 $0x1, v52  }
0xd1: {  	v52 =	vadd.s32 $0x376E, v2;
	v18 =	vmul.f32 v18, v1;
	v26 =	vadd.f32 v19, v15  }
0xd2: {  	v6 =	vmax.f32 v6, $0.0e+00;
	v15 =	vadd.s32 v54, v48;
	v19 =	vand.u32 $0x1, v56  }
0xd3: {  	v36 =	vshrl.u32 v59, $0x10;
	v54 =	vadd.s32 $0x3BAF, v2;
	v27 =	vadd.f32 v20, v18  }
0xd4: {  	v7 =	vld.idx.msk [tilespmem:v7+s11+$0x0], $0xffff;
	v44 =	vmin.f32 v8, v6;
	v8 =	vand.u32 $0x1, v46;
	v18 =	vadd.s32 $0x1566, v2  }
0xd5: {  	v62 =	vld.idx.msk [tilespmem:v10+s10+$0x0], $0xffff;
	v6 =	vadd.s32 v9, v45;
	v15 =	vadd.s32 $0x7FFF, v15;
	v9 =	vadd.s32 $0x2229, v2  }
0xd6: {  	v37 =	vand.u32 $0x1, v36;
	v36 =	vadd.s32 $0x4CB3, v2;
	v28 =	vadd.f32 v26, v24  }
0xd7: {  	v49 =	vadd.s32 v8, v29;
	v6 =	vadd.s32 $0x7FFF, v6;
	v8 =	vadd.s32 v19, v51  }
0xd8: {  	v55 =	vld.idx.msk [tilespmem:v16+s10+$0x0], $0xffff;
	v15 =	vand.u32 $0xFFFF0000, v15;
	v21 =	vadd.s32 v37, v59;
	v37 =	vadd.s32 $0x50F4, v2  }
0xd9: {  	v7 =	vadd.f32 v27, v7;
	v5 =	vadd.s32 $0x7FFF, v49;
	v6 =	vand.u32 $0xFFFF0000, v6  }
0xda: {  	v8 =	vadd.s32 $0x7FFF, v8;
	v15 =	vmul.f32 v15, v1;
	v38 =	vshrl.u32 v62, $0x10  }
0xdb: {  	v21 =	vadd.s32 $0x7FFF, v21;
	v49 =	vadd.s32 $0x332D, v2;
	v27 =	vadd.s32 $0x1DE9, v2  }
0xdc: {  	v12 =	vld.idx.msk [tilespmem:v41+s11+$0x0], $0xffff;
	v5 =	vand.u32 $0xFFFF0000, v5;
	v6 =	vmul.f32 v6, v0;
	v7 =	vadd.f32 v7, v28  }
0xdd: {  	v8 =	vand.u32 $0xFFFF0000, v8;
	v61 =	vshrl.u32 v55, $0x10;
	v20 =	vand.u32 $0x1, v38;
	v57 =	vld.idx.msk [tilespmem:v18+s10+$0x0], $0xffff  }
0xde: {  	v21 =	vand.u32 $0xFFFF0000, v21;
	v63 =	vmul.f32 v8, v0;
	v39 =	vld.idx.msk [tilespmem:v9+s10+$0x0], $0xffff;
	v7 =	vsub.f32 $1.000000000e+00, v7  }
0xdf: {  	v8 =	vadd.s32 $0x266A, v2;
	v20 =	vadd.s32 v20, v62;
	v21 =	vmul.f32 v21, v0  }
0xe0: {  	v20 =	vadd.s32 $0x7FFF, v20;
	v15 =	vadd.f32 v63, v15;
	v7 =	vmax.f32 v7, $0.0e+00  }
0xe1: {  	v20 =	vand.u32 $0xFFFF0000, v20;
	v17 =	vmin.f32 v44, v7;
	v7 =	vadd.s32 $0x7FFF, v50  }
0xe2: {  	v20 =	vmul.f32 v20, v0;
	v12 =	vadd.f32 v15, v12;
	v7 =	vand.u32 $0xFFFF0000, v7  }
0xe3: {  	v33 =	vld.idx.msk [tilespmem:v3+s11+$0x0], $0xffff;
	v58 =	vshrl.u32 v17, $0x10;
	v31 =	vshrl.u32 v57, $0x10;
	v44 =	vshrl.u32 v39, $0x10  }
0xe4: {  	v40 =	vld.idx.msk [tilespmem:v8+s10+$0x0], $0xffff;
	v7 =	vmul.f32 v7, v1;
	v32 =	vand.u32 $0x1, v31;
	v19 =	vand.u32 $0x1, v58  }
0xe5: {  	v58 =	vld.idx.msk [tilespmem:v52+s10+$0x0], $0xffff;
	v31 =	vadd.s32 $0x4431, v2;
	v52 =	vadd.s32 $0x5DB7, v2;
	v35 =	vadd.s32 v32, v57  }
0xe6: {  	v17 =	vadd.s32 v19, v17;
	v32 =	vadd.s32 $0x4872, v2;
	v60 =	vadd.f32 v6, v7  }
0xe7: {  	v6 =	vand.u32 $0x1, v61;
	v24 =	vadd.s32 $0x7FFF, v35;
	v7 =	vadd.s32 $0x2EEC, v2  }
0xe8: {  	v17 =	vadd.s32 $0x7FFF, v17;
	v6 =	vadd.s32 v6, v55;
	v24 =	vand.u32 $0xFFFF0000, v24  }
0xe9: {  	v61 =	vld.idx.msk [tilespmem:v54+s10+$0x0], $0xffff;
	v46 =	vshrl.u32 v40, $0x10;
	v55 =	vadd.s32 $0x3FF0, v2;
	v59 =	vand.u32 $0xFFFF0000, v17  }
0xea: {  	v13 =	vld.idx.msk [tilespmem:v43+s11+$0x0], $0xffff;
	v6 =	vadd.s32 $0x7FFF, v6;
	v41 =	vmul.f32 v24, v1;
	v22 =	vadd.f32 v60, v33  }
0xeb: {  	v48 =	vand.u32 $0x1, v46;
	v34 =	vand.u32 $0xFFFF0000, v6;
	v6 =	vadd.s32 $0x2AAB, v2  }
0xec: {  	v14 =	vld.idx.msk [tilespmem:v30+s11+$0x0], $0xffff;
	v26 =	vmul.f32 v34, v1;
	v43 =	vadd.f32 v20, v41;
	v20 =	vand.u32 $0x1, v44  }
0xed: {  	v30 =	vshrl.u32 v58, $0x10;
	v12 =	vadd.f32 v12, v22;
	v45 =	vld.idx.msk [tilespmem:v7+s10+$0x0], $0xffff;
	v47 =	vadd.s32 v20, v39  }
0xee: {  	v20 =	vadd.s32 v48, v40;
	v33 =	vshrl.u32 v61, $0x10;
	v40 =	vld.idx.msk [tilespmem:v36+s10+$0x0], $0xffff;
	v21 =	vadd.f32 v21, v26  }
0xef: {  	v13 =	vadd.f32 v43, v13;
	v15 =	vadd.s32 $0x7FFF, v47;
	v20 =	vadd.s32 $0x7FFF, v20;
	v63 =	vld.idx.msk [tilespmem:v55+s10+$0x0], $0xffff  }
0xf0: {  	v12 =	vsub.f32 $1.000000000e+00, v12;
	v47 =	vadd.s32 $0x5535, v2;
	v15 =	vand.u32 $0xFFFF0000, v15  }
0xf1: {  	v20 =	vand.u32 $0xFFFF0000, v20;
	v42 =	vld.idx.msk [tilespmem:v6+s10+$0x0], $0xffff;
	v14 =	vadd.f32 v21, v14;
	v15 =	vmul.f32 v15, v1  }
0xf2: {  	v21 =	vld.idx.msk [tilespmem:v49+s10+$0x0], $0xffff;
	v56 =	vmul.f32 v20, v1;
	v12 =	vmax.f32 v12, $0.0e+00;
	v51 =	vshrl.u32 v45, $0x10  }
0xf3: {  	v20 =	vld.idx.msk [tilespmem:v31+s10+$0x0], $0xffff;
	v13 =	vadd.f32 v13, v14;
	v48 =	vshrl.u32 v40, $0x10;
	v14 =	vmul.f32 v59, v5  }
0xf4: {  	v5 =	vadd.s32 $0x22, v2;
	v53 =	vand.u32 $0x1, v51;
	v34 =	vshrl.u32 v63, $0x10  }
0xf5: {  	v51 =	vadd.s32 $0x5976, v2;
	v23 =	vadd.s32 v53, v45;
	v13 =	vsub.f32 $1.000000000e+00, v13  }
0xf6: {  	v35 =	vand.u32 $0x1, v34;
	v53 =	vadd.s32 $0x61F8, v2;
	v4 =	vadd.f32 v14, v4  }
0xf7: {  	v50 =	vshrl.u32 v42, $0x10;
	v23 =	vadd.s32 $0x7FFF, v23;
	v62 =	vshrl.u32 v21, $0x10  }
0xf8: {  	v22 =	vadd.s32 v35, v63;
	v41 =	vshrl.u32 v20, $0x10;
	v25 =	vand.u32 $0x1, v50  }
0xf9: {  	v23 =	vand.u32 $0xFFFF0000, v23;
	v29 =	vand.u32 $0x1, v62;
	v22 =	vadd.s32 $0x7FFF, v22  }
0xfa: {  	v13 =	vmax.f32 v13, $0.0e+00;
	v43 =	vand.u32 $0x1, v41;
	v62 =	vadd.s32 $0x463, v2  }
0xfb: {  	v24 =	vadd.s32 v25, v42;
	v57 =	vmul.f32 v23, v0;
	v17 =	vadd.s32 v29, v21  }
0xfc: {  	v18 =	vld.idx.msk [tilespmem:v18+s11+$0x0], $0xffff;
	v23 =	vand.u32 $0x1, v33;
	v22 =	vand.u32 $0xFFFF0000, v22;
	v45 =	vadd.s32 v43, v20  }
0xfd: {  	v21 =	vld.idx.msk [tilespmem:v32+s10+$0x0], $0xffff;
	v20 =	vand.u32 $0x1, v48;
	v12 =	vmin.f32 v12, v13;
	v24 =	vadd.s32 $0x7FFF, v24  }
0xfe: {  	v42 =	vld.idx.msk [tilespmem:v37+s10+$0x0], $0xffff;
	v17 =	vadd.s32 $0x7FFF, v17;
	v19 =	vadd.s32 v23, v61;
	v39 =	vmul.f32 v22, v0  }
0xff: {  	v32 =	vld.idx.msk [tilespmem:v5+s10+$0x0], $0xffff;
	v23 =	vadd.s32 $0x1126, v2;
	v24 =	vand.u32 $0xFFFF0000, v24;
	v60 =	vadd.f32 v57, v56  }
0x100: {  	v17 =	vand.u32 $0xFFFF0000, v17;
	v19 =	vadd.s32 $0x7FFF, v19;
	v24 =	vmul.f32 v24, v0  }
0x101: {  	v16 =	vld.idx.msk [tilespmem:v16+s11+$0x0], $0xffff;
	v19 =	vand.u32 $0xFFFF0000, v19;
	v17 =	vmul.f32 v17, v1;
	v28 =	vadd.f32 v60, v18  }
0x102: {  	v57 =	vld.idx.msk [tilespmem:v51+s10+$0x0], $0xffff;
	v18 =	vand.u32 $0x1, v30;
	v19 =	vmul.f32 v19, v0;
	v15 =	vadd.f32 v24, v15  }
0x103: {  	v11 =	vld.idx.msk [tilespmem:v11+s11+$0x0], $0xffff;
	v18 =	vadd.s32 v18, v58;
	v44 =	vshrl.u32 v21, $0x10;
	v49 =	vshrl.u32 v42, $0x10  }
0x104: {  	v36 =	vshrl.u32 v32, $0x10;
	v24 =	vadd.s32 $0x19A8, v2;
	v18 =	vadd.s32 $0x7FFF, v18  }
0x105: {  	v17 =	vadd.f32 v19, v17;
	v46 =	vand.u32 $0x1, v44;
	v19 =	vadd.s32 v20, v40  }
0x106: {  	v60 =	vld.idx.msk [tilespmem:v53+s10+$0x0], $0xffff;
	v50 =	vand.u32 $0x1, v49;
	v15 =	vadd.f32 v15, v16;
	v18 =	vand.u32 $0xFFFF0000, v18  }
0x107: {  	v58 =	vld.idx.msk [tilespmem:v52+s10+$0x0], $0xffff;
	v19 =	vadd.s32 $0x7FFF, v19;
	v20 =	vadd.s32 v50, v42;
	v29 =	vshrl.u32 v57, $0x10  }
0x108: {  	v33 =	vld.idx.msk [tilespmem:v62+s10+$0x0], $0xffff;
	v38 =	vmul.f32 v18, v1;
	v11 =	vadd.f32 v17, v11;
	v17 =	vadd.s32 v46, v21  }
0x109: {  	v10 =	vld.idx.msk [tilespmem:v10+s11+$0x0], $0xffff;
	v19 =	vand.u32 $0xFFFF0000, v19;
	v20 =	vadd.s32 $0x7FFF, v20;
	v21 =	vadd.s32 $0xCE5, v2  }
0x10a: {  	v15 =	vadd.f32 v28, v15;
	v17 =	vadd.s32 $0x7FFF, v17;
	v20 =	vand.u32 $0xFFFF0000, v20  }
0x10b: {  	v18 =	vld.idx.msk [tilespmem:v47+s10+$0x0], $0xffff;
	v19 =	vmul.f32 v19, v0;
	v31 =	vshrl.u32 v60, $0x10;
	v16 =	vadd.f32 v39, v38  }
0x10c: {  	v17 =	vand.u32 $0xFFFF0000, v17;
	v55 =	vmul.f32 v20, v0;
	v30 =	vshrl.u32 v58, $0x10  }
0x10d: {  	v38 =	vshrl.u32 v33, $0x10;
	v15 =	vsub.f32 $1.000000000e+00, v15;
	v54 =	vmul.f32 v17, v1  }
0x10e: {  	v39 =	vand.u32 $0x1, v38;
	v10 =	vadd.f32 v16, v10;
	v16 =	vadd.s32 $0x7FFF, v45  }
0x10f: {  	v8 =	vld.idx.msk [tilespmem:v8+s11+$0x0], $0xffff;
	v20 =	vadd.s32 v39, v33;
	v16 =	vand.u32 $0xFFFF0000, v16;
	v15 =	vmax.f32 v15, $0.0e+00  }
0x110: {  	v9 =	vld.idx.msk [tilespmem:v9+s11+$0x0], $0xffff;
	v59 =	vshrl.u32 v18, $0x10;
	v20 =	vadd.s32 $0x7FFF, v20;
	v16 =	vmul.f32 v16, v1  }
0x111: {  	v45 =	vld.idx.msk [tilespmem:v23+s10+$0x0], $0xffff;
	v10 =	vadd.f32 v10, v11;
	v11 =	vadd.f32 v55, v54;
	v61 =	vand.u32 $0x1, v59  }
0x112: {  	v63 =	vmin.f32 v12, v15;
	v15 =	vadd.s32 $0x8A4, v2;
	v20 =	vand.u32 $0xFFFF0000, v20  }
0x113: {  	v37 =	vld.idx.msk [tilespmem:v21+s10+$0x0], $0xffff;
	v47 =	vmul.f32 v20, v1;
	v56 =	vadd.f32 v19, v16;
	v10 =	vsub.f32 $1.000000000e+00, v10  }
0x114: {  	v51 =	vld.idx.msk [tilespmem:v24+s10+$0x0], $0xffff;
	v8 =	vadd.f32 v11, v8;
	v11 =	vadd.s32 v61, v18;
	v18 =	vand.u32 $0x1, v31  }
0x115: {  	v28 =	vadd.s32 $0x7FFF, v11;
	v11 =	vand.u32 $0x1, v30;
	v34 =	vadd.s32 v18, v60  }
0x116: {  	v54 =	vld.idx.msk [tilespmem:v27+s10+$0x0], $0xffff;
	v18 =	vand.u32 $0x1, v36;
	v50 =	vshrl.u32 v45, $0x10;
	v9 =	vadd.f32 v56, v9  }
0x117: {  	v10 =	vmax.f32 v10, $0.0e+00;
	v11 =	vadd.s32 v11, v58;
	v13 =	vadd.s32 $0x7FFF, v34  }
0x118: {  	v18 =	vadd.s32 v18, v32;
	v41 =	vshrl.u32 v37, $0x10;
	v53 =	vand.u32 $0x1, v50  }
0x119: {  	v58 =	vshrl.u32 v51, $0x10;
	v11 =	vadd.s32 $0x7FFF, v11;
	v13 =	vand.u32 $0xFFFF0000, v13  }
0x11a: {  	v18 =	vadd.s32 $0x7FFF, v18;
	v44 =	vand.u32 $0x1, v41;
	v14 =	vmin.f32 v63, v10  }
0x11b: {  	v60 =	vand.u32 $0x1, v58;
	v61 =	vshrl.u32 v54, $0x10;
	v41 =	vadd.s32 $0x376F, v2  }
0x11c: {  	v12 =	vadd.f32 v8, v9;
	v8 =	vand.u32 $0xFFFF0000, v28;
	v9 =	vand.u32 $0x1, v29  }
0x11d: {  	v17 =	vld.idx.msk [tilespmem:v62+s11+$0x0], $0xffff;
	v11 =	vand.u32 $0xFFFF0000, v11;
	v13 =	vmul.f32 v13, v0;
	v18 =	vand.u32 $0xFFFF0000, v18  }
0x11e: {  	v35 =	vld.idx.msk [tilespmem:v15+s10+$0x0], $0xffff;
	v16 =	vadd.s32 v44, v37;
	v62 =	vand.u32 $0x1, v61;
	v44 =	vadd.s32 $0x3FF1, v2  }
0x11f: {  	v6 =	vld.idx.msk [tilespmem:v6+s11+$0x0], $0xffff;
	v61 =	vadd.s32 $0x50F5, v2;
	v9 =	vadd.s32 v9, v57;
	v8 =	vmul.f32 v8, v1  }
0x120: {  	v11 =	vmul.f32 v11, v0;
	v16 =	vadd.s32 $0x7FFF, v16;
	v18 =	vmul.f32 v18, v1  }
0x121: {  	v9 =	vadd.s32 $0x7FFF, v9;
	v16 =	vand.u32 $0xFFFF0000, v16;
	v12 =	vsub.f32 $1.000000000e+00, v12  }
0x122: {  	v9 =	vand.u32 $0xFFFF0000, v9;
	v8 =	vadd.f32 v11, v8;
	v16 =	vmul.f32 v16, v0  }
0x123: {  	v42 =	vld.idx.msk [tilespmem:v7+s11+$0x0], $0xffff;
	v9 =	vmul.f32 v9, v1;
	v40 =	vshrl.u32 v35, $0x10;
	v12 =	vmax.f32 v12, $0.0e+00  }
0x124: {  	v22 =	vand.u32 $0x1, v40;
	v11 =	vadd.f32 v16, v47;
	v6 =	vadd.f32 v8, v6  }
0x125: {  	v16 =	vadd.s32 v62, v54;
	v54 =	vadd.s32 $0x4432, v2;
	v43 =	vadd.s32 v22, v35  }
0x126: {  	v22 =	vadd.s32 $0x1567, v2;
	v9 =	vadd.f32 v13, v9;
	v7 =	vadd.s32 $0x7FFF, v43  }
0x127: {  	v46 =	vld.idx.msk [tilespmem:v5+s11+$0x0], $0xffff;
	v62 =	vadd.s32 $0x5536, v2;
	v43 =	vadd.s32 $0x3BB0, v2;
	v7 =	vand.u32 $0xFFFF0000, v7  }
0x128: {  	v52 =	vadd.f32 v9, v42;
	v9 =	vadd.s32 v53, v45;
	v7 =	vmul.f32 v7, v0  }
0x129: {  	v12 =	vmin.f32 v14, v12;
	v55 =	vadd.s32 $0x7FFF, v9;
	v9 =	vadd.s32 $0x266B, v2  }
0x12a: {  	v15 =	vld.idx.msk [tilespmem:v15+s11+$0x0], $0xffff;
	v16 =	vadd.s32 $0x7FFF, v16;
	v11 =	vadd.f32 v11, v17;
	v48 =	vadd.f32 v7, v18  }
0x12b: {  	v16 =	vand.u32 $0xFFFF0000, v16;
	v49 =	vld.idx.msk [tilespmem:v22+s10+$0x0], $0xffff;
	v7 =	vadd.s32 $0x222A, v2;
	v18 =	vadd.s32 v60, v51  }
0x12c: {  	v50 =	vld.idx.msk [tilespmem:v44+s10+$0x0], $0xffff;
	v17 =	vand.u32 $0xFFFF0000, v55;
	v18 =	vadd.s32 $0x7FFF, v18;
	v10 =	vadd.f32 v48, v46  }
0x12d: {  	v8 =	vadd.f32 v52, v6;
	v17 =	vmul.f32 v17, v1;
	v18 =	vand.u32 $0xFFFF0000, v18;
	v48 =	vld.idx.msk [tilespmem:v43+s10+$0x0], $0xffff  }
0x12e: {  	v63 =	vld.idx.msk [tilespmem:v9+s10+$0x0], $0xffff;
	v18 =	vmul.f32 v18, v0;
	v6 =	vadd.f32 v11, v10;
	v10 =	vadd.s32 $0x2AAC, v2  }
0x12f: {  	v35 =	vadd.s32 $0x332E, v2;
	v16 =	vmul.f32 v16, v0;
	v11 =	vadd.s32 $0x2EED, v2  }
0x130: {  	v60 =	vadd.s32 $0x4873, v2;
	v56 =	vshrl.u32 v49, $0x10;
	v59 =	vld.idx.msk [tilespmem:v7+s10+$0x0], $0xffff;
	v17 =	vadd.f32 v18, v17  }
0x131: {  	v8 =	vsub.f32 $1.000000000e+00, v8;
	v57 =	vand.u32 $0x1, v56;
	v56 =	vadd.s32 $0x4CB4, v2  }
0x132: {  	v6 =	vsub.f32 $1.000000000e+00, v6;
	v13 =	vadd.s32 v57, v49;
	v15 =	vadd.f32 v17, v15  }
0x133: {  	v55 =	vshrl.u32 v48, $0x10;
	v57 =	vshrl.u32 v50, $0x10;
	v37 =	vshrl.u32 v63, $0x10;
	v33 =	vld.idx.msk [tilespmem:v10+s10+$0x0], $0xffff  }
0x134: {  	v13 =	vadd.s32 $0x7FFF, v13;
	v58 =	vand.u32 $0x1, v57;
	v34 =	vld.idx.msk [tilespmem:v11+s10+$0x0], $0xffff;
	v39 =	vand.u32 $0x1, v37  }
0x135: {  	v21 =	vld.idx.msk [tilespmem:v21+s11+$0x0], $0xffff;
	v13 =	vand.u32 $0xFFFF0000, v13;
	v32 =	vshrl.u32 v59, $0x10;
	v18 =	vadd.s32 v39, v63  }
0x136: {  	v30 =	vld.idx.msk [tilespmem:v60+s10+$0x0], $0xffff;
	v13 =	vmul.f32 v13, v1;
	v25 =	vand.u32 $0x1, v32;
	v18 =	vadd.s32 $0x7FFF, v18  }
0x137: {  	v63 =	vadd.s32 $0x5977, v2;
	v20 =	vadd.s32 v25, v59;
	v18 =	vand.u32 $0xFFFF0000, v18  }
0x138: {  	v13 =	vadd.f32 v16, v13;
	v36 =	vadd.s32 $0x7FFF, v20;
	v45 =	vmul.f32 v18, v1  }
0x139: {  	v25 =	vld.idx.msk [tilespmem:v35+s10+$0x0], $0xffff;
	v38 =	vand.u32 $0xFFFF0000, v36;
	v40 =	vshrl.u32 v33, $0x10;
	v29 =	vshrl.u32 v34, $0x10  }
0x13a: {  	v20 =	vld.idx.msk [tilespmem:v41+s10+$0x0], $0xffff;
	v13 =	vadd.f32 v13, v21;
	v19 =	vand.u32 $0x1, v40;
	v42 =	vand.u32 $0x1, v29  }
0x13b: {  	v16 =	vmul.f32 v38, v1;
	v38 =	vshrl.u32 v30, $0x10;
	v19 =	vadd.s32 v19, v33  }
0x13c: {  	v26 =	vadd.s32 v42, v34;
	v13 =	vadd.f32 v13, v15;
	v33 =	vadd.s32 $0x5DB8, v2  }
0x13d: {  	v2 =	vadd.s32 $0x61F9, v2;
	v19 =	vadd.s32 $0x7FFF, v19;
	v26 =	vadd.s32 $0x7FFF, v26  }
0x13e: {  	v23 =	vld.idx.msk [tilespmem:v23+s11+$0x0], $0xffff;
	v47 =	vshrl.u32 v25, $0x10;
	v19 =	vand.u32 $0xFFFF0000, v19;
	v26 =	vand.u32 $0xFFFF0000, v26  }
0x13f: {  	v22 =	vld.idx.msk [tilespmem:v22+s11+$0x0], $0xffff;
	v49 =	vand.u32 $0x1, v47;
	v53 =	vshrl.u32 v20, $0x10;
	v19 =	vmul.f32 v19, v0  }
0x140: {  	v32 =	vld.idx.msk [tilespmem:v61+s10+$0x0], $0xffff;
	v46 =	vmul.f32 v26, v0;
	v52 =	vadd.s32 v49, v25;
	v18 =	vand.u32 $0x1, v53  }
0x141: {  	v59 =	vld.idx.msk [tilespmem:v27+s11+$0x0], $0xffff;
	v18 =	vadd.s32 v18, v20;
	v20 =	vand.u32 $0x1, v55;
	v16 =	vadd.f32 v19, v16  }
0x142: {  	v35 =	vld.idx.msk [tilespmem:v62+s10+$0x0], $0xffff;
	v17 =	vadd.f32 v46, v45;
	v18 =	vadd.s32 $0x7FFF, v18;
	v20 =	vadd.s32 v20, v48  }
0x143: {  	v19 =	vadd.s32 v58, v50;
	v2 =	vld.idx.msk [tilespmem:v2+s10+$0x0], $0xffff;
	v18 =	vand.u32 $0xFFFF0000, v18;
	v20 =	vadd.s32 $0x7FFF, v20  }
0x144: {  	v19 =	vadd.s32 $0x7FFF, v19;
	v51 =	vadd.f32 v16, v23;
	v17 =	vadd.f32 v17, v22;
	v22 =	vld.idx.msk [tilespmem:v54+s10+$0x0], $0xffff  }
0x145: {  	v16 =	vadd.s32 $0x7FFF, v52;
	v20 =	vand.u32 $0xFFFF0000, v20;
	v19 =	vand.u32 $0xFFFF0000, v19;
	v23 =	vld.idx.msk [tilespmem:v56+s10+$0x0], $0xffff  }
0x146: {  	v24 =	vld.idx.msk [tilespmem:v24+s11+$0x0], $0xffff;
	v18 =	vmul.f32 v18, v1;
	v16 =	vand.u32 $0xFFFF0000, v16;
	v19 =	vmul.f32 v19, v0  }
0x147: {  	v40 =	vshrl.u32 v35, $0x10;
	v20 =	vmul.f32 v20, v0;
	v16 =	vmul.f32 v16, v1  }
0x148: {  	v39 =	vshrl.u32 v32, $0x10;
	v41 =	vand.u32 $0x1, v40;
	v29 =	vadd.f32 v19, v18  }
0x149: {  	v28 =	vadd.f32 v17, v51;
	v44 =	vshrl.u32 v2, $0x10;
	v16 =	vadd.f32 v20, v16  }
0x14a: {  	v31 =	vshrl.u32 v22, $0x10;
	v15 =	vadd.f32 v29, v59;
	v34 =	vshrl.u32 v23, $0x10  }
0x14b: {  	v20 =	vld.idx.msk [tilespmem:v63+s10+$0x0], $0xffff;
	v16 =	vadd.f32 v16, v24;
	v18 =	vand.u32 $0x1, v31;
	v21 =	vand.u32 $0x1, v34  }
0x14c: {  	v18 =	vadd.s32 v18, v22;
	v37 =	vadd.s32 v21, v23;
	v21 =	vand.u32 $0x1, v38  }
0x14d: {  	v23 =	vand.u32 $0x1, v39;
	v22 =	vand.u32 $0x1, v44;
	v15 =	vadd.f32 v15, v16  }
0x14e: {  	v36 =	vadd.s32 $0x7FFF, v18;
	v18 =	vadd.s32 $0x7FFF, v37;
	v17 =	vadd.s32 v21, v30  }
0x14f: {  	v24 =	vld.idx.msk [tilespmem:v33+s10+$0x0], $0xffff;
	v19 =	vadd.s32 v23, v32;
	v2 =	vadd.s32 v22, v2;
	v16 =	vand.u32 $0xFFFF0000, v36  }
0x150: {  	v18 =	vand.u32 $0xFFFF0000, v18;
	v42 =	vshrl.u32 v20, $0x10;
	v17 =	vadd.s32 $0x7FFF, v17  }
0x151: {  	v19 =	vadd.s32 $0x7FFF, v19;
	v2 =	vadd.s32 $0x7FFF, v2;
	v16 =	vmul.f32 v16, v1  }
0x152: {  	v18 =	vmul.f32 v18, v0;
	v21 =	vand.u32 $0x1, v42;
	v17 =	vand.u32 $0xFFFF0000, v17  }
0x153: {  	v3 =	vld.idx.msk [tilespmem:v3+s12+$0x0], $0xffff;
	v19 =	vand.u32 $0xFFFF0000, v19;
	v2 =	vand.u32 $0xFFFF0000, v2;
	v20 =	vadd.s32 v21, v20  }
0x154: {  	v5 =	vld.idx.msk [tilespmem:v5+s12+$0x0], $0xffff;
	v43 =	vshrl.u32 v24, $0x10;
	v17 =	vmul.f32 v17, v1;
	v19 =	vmul.f32 v19, v0  }
0x155: {  	v9 =	vld.idx.msk [tilespmem:v9+s11+$0x0], $0xffff;
	v16 =	vadd.f32 v18, v16;
	v18 =	vadd.s32 v41, v35;
	v21 =	vand.u32 $0x1, v43  }
0x156: {  	v7 =	vld.idx.msk [tilespmem:v7+s11+$0x0], $0xffff;
	v20 =	vadd.s32 $0x7FFF, v20;
	v18 =	vadd.s32 $0x7FFF, v18;
	v21 =	vadd.s32 v21, v24  }
0x157: {  	v10 =	vld.idx.msk [tilespmem:v10+s11+$0x0], $0xffff;
	v20 =	vand.u32 $0xFFFF0000, v20;
	v18 =	vand.u32 $0xFFFF0000, v18;
	v45 =	vadd.s32 $0x7FFF, v21  }
0x158: {  	v11 =	vld.idx.msk [tilespmem:v11+s11+$0x0], $0xffff;
	v18 =	vmul.f32 v18, v1;
	v1 =	vmul.f32 v20, v1;
	v20 =	vand.u32 $0xFFFF0000, v45  }
0x159: {  	v47 =	vsub.f32 $1.000000000e+00, v13;
	v20 =	vmul.f32 v20, v0;
	v0 =	vmul.f32 v2, v0  }
0x15a: {  	v6 =	vmax.f32 v6, $0.0e+00;
	v53 =	vsub.f32 $1.000000000e+00, v28;
	v48 =	vadd.f32 v19, v17  }
0x15b: {  	v61 =	vshrl.u32 v5, $0x10;
	v50 =	vadd.f32 v20, v18;
	v0 =	vadd.f32 v0, v1  }
0x15c: {  	v49 =	vshrl.u32 v3, $0x10;
	v7 =	vadd.f32 v16, v7;
	v9 =	vadd.f32 v48, v9  }
0x15d: {  	v46 =	vmax.f32 v8, $0.0e+00;
	v52 =	vadd.f32 v50, v10;
	v0 =	vadd.f32 v0, v11  }
0x15e: {  	v8 =	vmax.f32 v47, $0.0e+00;
	v54 =	vsub.f32 $1.000000000e+00, v15;
	v7 =	vadd.f32 v9, v7  }
0x15f: {  	v55 =	vmin.f32 v6, v8;
	v51 =	vand.u32 $0x1, v49;
	v0 =	vadd.f32 v0, v52  }
0x160: {  	v56 =	vmax.f32 v53, $0.0e+00;
	v57 =	vmax.f32 v54, $0.0e+00;
	v7 =	vsub.f32 $1.000000000e+00, v7  }
0x161: {  	v1 =	vadd.s32 v51, v3;
	v3 =	vmin.f32 v55, v56;
	v0 =	vsub.f32 $1.000000000e+00, v0  }
0x162: {  	v2 =	vmin.f32 v12, v46;
	v3 =	vmin.f32 v3, v57;
	v58 =	vmax.f32 v7, $0.0e+00  }
0x163: {  	v59 =	vshrl.u32 v2, $0x10;
	v3 =	vmin.f32 v3, v58;
	v0 =	vmax.f32 v0, $0.0e+00  }
0x164: {  	v60 =	vand.u32 $0x1, v59;
	v1 =	vadd.s32 $0x7FFF, v1;
	v0 =	vmin.f32 v3, v0  }
0x165: {  	v2 =	vadd.s32 v60, v2;
	v1 =	vand.u32 $0xFFFF0000, v1;
	v62 =	vshrl.u32 v0, $0x10  }
0x166: {  	v2 =	vadd.s32 $0x7FFF, v2;
	v3 =	vand.u32 $0x1, v61;
	v6 =	vand.u32 $0x1, v62  }
0x167: {  	v2 =	vand.u32 $0xFFFF0000, v2;
	v3 =	vadd.s32 v3, v5;
	v0 =	vadd.s32 v6, v0  }
0x168: {  	v1 =	vmul.f32 v2, v1;
	v63 =	vadd.s32 $0x7FFF, v3;
	v0 =	vadd.s32 $0x7FFF, v0  }
0x169: {  	p0 =	sne.s32 s18, $0x1C0;
	v2 =	vand.u32 $0xFFFF0000, v63;
	v0 =	vand.u32 $0xFFFF0000, v0  }
.Ltmp0:
0x16a: {  	v1 =	vadd.f32 v1, v4;
	v0 =	vmul.f32 v0, v2;
	(pc) =	sbr.rel @p0 .LBB2_2-.Ltmp0, $3  }
0x16b: {  	_ = 	snop  }
0x16c: {  	v0 =	vadd.f32 v0, v1;
	_ =	sdelay $0x1  }
0x16d: {  	s18 =	sadd.s32 $0x40, s18;
	[tilespmem:s19+$0x9F80] =	vst v0  }
0x16e: {  	s17 =	sadd.s32 $0x1, s17  }
0x16f: {  	p0 =	sne.s32 s17, s9  }
.Ltmp1:
0x170: {  	_ = 	snop;
	(pc) =	sbr.rel @p0 .LBB2_1-.Ltmp1, $4  }
0x171: {  	[hbm4b:s8+s3] =	stream.linear.scatter [tilespmem:s15], [sflag:$0x2], $0x80, $0x38;
	[tilespmem:$0xA000] =	vst v63  }
0x172: {  	_ =	swait.ge [sflag:s16], $0x80  }
0x173: {  	[sflag:s16] =	ssyncset.done $0x0  }
0x174: {  	[sflag:s16] =	ssyncadd.s32 $0xFFFFFF80  }
0x175: {  	_ =	sfence.sel $0x180000  }
0x176: {  	[bflag:$0x0] =	sbarrier.arrive $0xFFFF  }
0x177: {  	p0 =	sne.s32 s0, $0x0;
	_ =	strace $0x90000047  }
0x178: {  	s0 =	sadd.s32 @!p0 $0x100000, s1;
	[bflag:$0x2] =	sbarrier.arrive $0xFFFF  }
0x179: {  	[sflag:s0] =	ssyncadd.tile.s32 @!p0 $0x1;
	_ =	shalt  }
.Lfunc_end2:
_tile_overlayer_lowered:
.L_overlay_start_2:
0x17a: {  	(tag) =	ssettag $0x2  }
0x17b: {  	s0 =	rddreg [dreg:$0x0];
	s2 =	stileid.u32  }
0x17c: {  	s1 =	rddreg [dreg:$0x1];
	p0 =	sne.s32 s2, $0x0  }
0x17d: {  	s3 =	rddreg [dreg:$0x2];
	[bflag:$0x3] =	sbarrier.arrive $0xFFFF;
	s2 =	simm.s32 @!p0 $0x1C02  }
0x17e: {  	[timem:s3], [sflag:s2] =	dma.local @!p0 [hbm:s0], s1  }
0x17f: {  	s0 =	simm.s32 @!p0 $0x2  }
0x180: {  	_ =	swait.ge @!p0 [sflag:s0], s1  }
0x181: {  	s1 =	ssub.s32 @!p0 $0x0, s1;
	[sflag:s0] =	ssyncset.done @!p0 $0x0  }
0x182: {  	[sflag:s0] =	ssyncadd.s32 @!p0 s1  }
0x183: {  	[bflag:$0x3] =	sbarrier.arrive $0xFFFF  }
0x184: {  	_ =	shalt  }

</sc_bundles>
